<compile_context>
chip_gen: v7x
topology: tpu7x:2x2x1
jax: 0.10.2.dev20260603
libtpu: 0.0.44.dev20260713+nightly
codegen_flags: <defaults>
</compile_context>

<pallas_src>
import functools

import jax
import jax.numpy as jnp
from jax import lax
from jax.experimental import pallas as pl
from jax.experimental.pallas import tpu as pltpu
from jax.experimental.pallas import tpu_sc as plsc

N = 10000
NPAD = 10240
D = 256
DH = 128
E = 160000
EPAD = 163840
NCHUNK = EPAD // 128
NCHUNK2 = EPAD // 64
KA2 = NCHUNK2 // 16
KD = NCHUNK // 32
ROWS_PER_TILE = NPAD // 16

_MESH = plsc.VectorSubcoreMesh(
    core_axis_name="c", subcore_axis_name="s", num_cores=2, num_subcores=16)


def _sc_degree(dst2d):
    @functools.partial(
        pl.kernel,
        out_type=(jax.ShapeDtypeStruct((NPAD, 128), jnp.float32),
                  jax.ShapeDtypeStruct((NPAD, 128), jnp.float32)),
        mesh=_MESH,
        scratch_types=[
            pltpu.VMEM((KD, 128), jnp.int32),
            pltpu.VMEM((128, 128), jnp.float32),
            pltpu.VMEM((128, 128), jnp.float32),
            pltpu.VMEM_SHARED((NPAD, 128), jnp.float32),
            pltpu.SemaphoreType.DMA,
        ],
    )
    def k(dst_hbm, dega_hbm, degb_hbm, dstv, ones_v, buf, acc, sem):
        c = lax.axis_index("c")
        s = lax.axis_index("s")
        zero16 = jnp.zeros((16,), jnp.float32)
        one16 = jnp.ones((16,), jnp.float32)

        di = pltpu.async_copy(dst_hbm.at[pl.ds((c * 16 + s) * KD, KD)], dstv, sem)

        def zrow(r, carry):
            for g in range(8):
                buf[r, pl.ds(g * 16, 16)] = zero16
                ones_v[r, pl.ds(g * 16, 16)] = one16
            return carry
        lax.fori_loop(0, 128, zrow, 0)

        for kb in range(ROWS_PER_TILE // 128):
            pltpu.sync_copy(buf, acc.at[pl.ds(s * ROWS_PER_TILE + kb * 128, 128)])
        di.wait()
        plsc.subcore_barrier()

        def body(j, carry):
            pltpu.sync_copy(ones_v, acc.at[dstv.at[j]], add=True)
            return carry
        lax.fori_loop(0, KD, body, 0)

        plsc.subcore_barrier()

        def wout(out_hbm):
            base = s * ROWS_PER_TILE
            pltpu.sync_copy(acc.at[pl.ds(base, ROWS_PER_TILE)],
                            out_hbm.at[pl.ds(base, ROWS_PER_TILE)])

        @pl.when(c == 0)
        def _():
            wout(dega_hbm)

        @pl.when(c == 1)
        def _():
            wout(degb_hbm)

    return k(dst2d)


KA = NCHUNK // 16


def _sc_agg(zlo, zhi, src2d, dst2d):
    @functools.partial(
        pl.kernel,
        out_type=(jax.ShapeDtypeStruct((NPAD, DH), jnp.float32),
                  jax.ShapeDtypeStruct((NPAD, DH), jnp.float32)),
        mesh=_MESH,
        scratch_types=[
            pltpu.VMEM((KA // 2, 128), jnp.int32),
            pltpu.VMEM((KA // 2, 128), jnp.int32),
            pltpu.VMEM((128, DH), jnp.float32),
            pltpu.VMEM((128, DH), jnp.float32),
            pltpu.VMEM_SHARED((NPAD, DH), jnp.float32),
            pltpu.SemaphoreType.DMA,
            pltpu.SemaphoreType.DMA,
        ],
    )
    def k(zlo_hbm, zhi_hbm, src_hbm, dst_hbm, outlo, outhi,
          srcv, dstv, bufa, bufb, acc, sema, semb):
        c = lax.axis_index("c")
        s = lax.axis_index("s")
        zero16 = jnp.zeros((16,), jnp.float32)
        kh = KA // 2

        da = pltpu.async_copy(src_hbm.at[pl.ds(s * KA, kh)], srcv, sema)
        db = pltpu.async_copy(dst_hbm.at[pl.ds(s * KA, kh)], dstv, semb)

        def zrow(r, carry):
            for g in range(DH // 16):
                bufa[r, pl.ds(g * 16, 16)] = zero16
            return carry
        lax.fori_loop(0, 128, zrow, 0)
        for kb in range(ROWS_PER_TILE // 128):
            pltpu.sync_copy(bufa, acc.at[pl.ds(s * ROWS_PER_TILE + kb * 128, 128)])
        da.wait()
        db.wait()
        plsc.subcore_barrier()

        def run(z_hbm):
            for half in range(2):
                if half > 0:
                    pltpu.sync_copy(src_hbm.at[pl.ds(s * KA + half * kh, kh)], srcv)
                    pltpu.sync_copy(dst_hbm.at[pl.ds(s * KA + half * kh, kh)], dstv)
                nit = kh // 2

                def body(jj, carry):
                    j0 = jj * 2
                    d0 = pltpu.async_copy(z_hbm.at[srcv.at[j0]], bufa, sema)
                    d1 = pltpu.async_copy(z_hbm.at[srcv.at[j0 + 1]], bufb, semb)
                    d0.wait()
                    pltpu.sync_copy(bufa, acc.at[dstv.at[j0]], add=True)
                    d1.wait()
                    pltpu.sync_copy(bufb, acc.at[dstv.at[j0 + 1]], add=True)
                    return carry
                lax.fori_loop(0, nit, body, 0)

        @pl.when(c == 0)
        def _():
            run(zlo_hbm)

        @pl.when(c == 1)
        def _():
            run(zhi_hbm)

        plsc.subcore_barrier()

        def wout(out_hbm):
            base = s * ROWS_PER_TILE
            pltpu.sync_copy(acc.at[pl.ds(base, ROWS_PER_TILE)],
                            out_hbm.at[pl.ds(base, ROWS_PER_TILE)])

        @pl.when(c == 0)
        def _():
            wout(outlo)

        @pl.when(c == 1)
        def _():
            wout(outhi)

    return k(zlo, zhi, src2d, dst2d)


_RB = 1024
_GRID = NPAD // _RB


def _tc_matmul(x_pad, W):
    def body(x_ref, w_ref, o_ref):
        o_ref[...] = jnp.dot(x_ref[...], w_ref[...],
                             preferred_element_type=jnp.float32)
    return pl.pallas_call(
        body,
        grid=(_GRID,),
        in_specs=[pl.BlockSpec((_RB, D), lambda i: (i, 0)),
                  pl.BlockSpec((D, D), lambda i: (0, 0))],
        out_specs=pl.BlockSpec((_RB, D), lambda i: (i, 0)),
        out_shape=jax.ShapeDtypeStruct((NPAD, D), jnp.float32),
    )(x_pad, W)


def _tc_scale(xw, dega, degb):
    def body(xw_ref, da_ref, db_ref, zlo_ref, zhi_ref, dinv_ref):
        d = da_ref[:, 0:1] + db_ref[:, 0:1] + 1.0
        dinv = jnp.where(d > 0, lax.rsqrt(d), 0.0)
        xwv = xw_ref[...]
        zlo_ref[...] = xwv[:, :DH] * dinv
        zhi_ref[...] = xwv[:, DH:] * dinv
        dinv_ref[...] = dinv
    return pl.pallas_call(
        body,
        grid=(_GRID,),
        in_specs=[pl.BlockSpec((_RB, D), lambda i: (i, 0)),
                  pl.BlockSpec((_RB, 128), lambda i: (i, 0)),
                  pl.BlockSpec((_RB, 128), lambda i: (i, 0))],
        out_specs=[pl.BlockSpec((_RB, DH), lambda i: (i, 0)),
                   pl.BlockSpec((_RB, DH), lambda i: (i, 0)),
                   pl.BlockSpec((_RB, 1), lambda i: (i, 0))],
        out_shape=(jax.ShapeDtypeStruct((NPAD, DH), jnp.float32),
                   jax.ShapeDtypeStruct((NPAD, DH), jnp.float32),
                   jax.ShapeDtypeStruct((NPAD, 1), jnp.float32)),
    )(xw, dega, degb)


def _tc_layer2(acclo, acchi, xw1, dinv, b1r, W2):
    def body(alo_ref, ahi_ref, xw_ref, dv_ref, b_ref, w_ref,
             xw2_ref, zlo_ref, zhi_ref):
        dv = dv_ref[...]
        accv = jnp.concatenate([alo_ref[...], ahi_ref[...]], axis=1)
        h = jnp.maximum(dv * accv + (dv * dv) * xw_ref[...] + b_ref[...], 0.0)
        xw2 = jnp.dot(h, w_ref[...], preferred_element_type=jnp.float32)
        xw2_ref[...] = xw2
        zlo_ref[...] = xw2[:, :DH] * dv
        zhi_ref[...] = xw2[:, DH:] * dv
    return pl.pallas_call(
        body,
        grid=(_GRID,),
        in_specs=[pl.BlockSpec((_RB, DH), lambda i: (i, 0)),
                  pl.BlockSpec((_RB, DH), lambda i: (i, 0)),
                  pl.BlockSpec((_RB, D), lambda i: (i, 0)),
                  pl.BlockSpec((_RB, 1), lambda i: (i, 0)),
                  pl.BlockSpec((1, D), lambda i: (0, 0)),
                  pl.BlockSpec((D, D), lambda i: (0, 0))],
        out_specs=[pl.BlockSpec((_RB, D), lambda i: (i, 0)),
                   pl.BlockSpec((_RB, DH), lambda i: (i, 0)),
                   pl.BlockSpec((_RB, DH), lambda i: (i, 0))],
        out_shape=(jax.ShapeDtypeStruct((NPAD, D), jnp.float32),
                   jax.ShapeDtypeStruct((NPAD, DH), jnp.float32),
                   jax.ShapeDtypeStruct((NPAD, DH), jnp.float32)),
    )(acclo, acchi, xw1, dinv, b1r, W2)


def _tc_final(acclo, acchi, xw2, dinv, b2r, fc_w, fc_b8):
    def body(alo_ref, ahi_ref, xw_ref, dv_ref, b_ref, fw_ref, fb_ref, o_ref):
        i = pl.program_id(0)
        dv = dv_ref[...]
        accv = jnp.concatenate([alo_ref[...], ahi_ref[...]], axis=1)
        h = jnp.maximum(dv * accv + (dv * dv) * xw_ref[...] + b_ref[...], 0.0)
        row = lax.broadcasted_iota(jnp.int32, (_RB, 1), 0) + i * _RB
        h = jnp.where(row < N, h, 0.0)
        ps = jnp.sum(h * fw_ref[...])

        @pl.when(i == 0)
        def _():
            o_ref[...] = fb_ref[...]
        o_ref[...] = o_ref[...] + ps * (1.0 / N)
    return pl.pallas_call(
        body,
        grid=(_GRID,),
        in_specs=[pl.BlockSpec((_RB, DH), lambda i: (i, 0)),
                  pl.BlockSpec((_RB, DH), lambda i: (i, 0)),
                  pl.BlockSpec((_RB, D), lambda i: (i, 0)),
                  pl.BlockSpec((_RB, 1), lambda i: (i, 0)),
                  pl.BlockSpec((1, D), lambda i: (0, 0)),
                  pl.BlockSpec((1, D), lambda i: (0, 0)),
                  pl.BlockSpec((8, 128), lambda i: (0, 0))],
        out_specs=pl.BlockSpec((8, 128), lambda i: (0, 0)),
        out_shape=jax.ShapeDtypeStruct((8, 128), jnp.float32),
    )(acclo, acchi, xw2, dinv, b2r, fc_w, fc_b8)


def kernel(x, edge_index, edge_attr, W1, b1, W2, b2, fc_w, fc_b):
    src = edge_index[0].astype(jnp.int32)
    dst = edge_index[1].astype(jnp.int32)

    padn = EPAD - E
    ar = jnp.arange(padn, dtype=jnp.int32)
    src_f = jnp.concatenate([src, N + (ar % (NPAD - N))])
    dst_f = jnp.concatenate([dst, N + ((ar + 97) % (NPAD - N))])
    src_p = src_f.reshape(NCHUNK, 128)
    dst_p = dst_f.reshape(NCHUNK, 128)

    x_pad = jnp.pad(x, ((0, NPAD - N), (0, 0)))
    b1r = b1.reshape(1, D)
    b2r = b2.reshape(1, D)
    fc_b8 = jnp.broadcast_to(fc_b.reshape(1, 1), (8, 128))

    dega, degb = _sc_degree(dst_p)
    xw1 = _tc_matmul(x_pad, W1)
    z1lo, z1hi, dinv = _tc_scale(xw1, dega, degb)
    acc1lo, acc1hi = _sc_agg(z1lo, z1hi, src_p, dst_p)
    xw2, z2lo, z2hi = _tc_layer2(acc1lo, acc1hi, xw1, dinv, b1r, W2)
    acc2lo, acc2hi = _sc_agg(z2lo, z2hi, src_p, dst_p)
    out8 = _tc_final(acc2lo, acc2hi, xw2, dinv, b2r, fc_w, fc_b8)
    return jnp.reshape(out8[0, 0], (1,))

# --- scband reference (transcript-rebuilt; emitter-appended) ---
"""Pipeline reference for scband-gnn-17987323036386 (READ-ONLY COPY).

The authoritative reference and input builder live on the scoring server;
editing this copy changes nothing except your own understanding.
"""

import jax, jax.numpy as jnp
import numpy as np

N_NODES = 10000
N_EDGES = 160000
D_IN = 256
D_HID = 256
D_OUT = 256


def setup_inputs(seed: int = 0) -> dict:
    key = jax.random.key(seed)
    ks = jax.random.split(key, 10)
    x = jax.random.normal(ks[0], (N_NODES, D_IN), dtype=jnp.float32)
    edge_index = jax.random.randint(ks[1], (2, N_EDGES), 0, N_NODES, dtype=jnp.int64 if jax.config.jax_enable_x64 else jnp.int32)
    edge_attr = jax.random.normal(ks[2], (N_EDGES, 4), dtype=jnp.float32)
    # GCNConv weights (glorot-ish scaling)
    W1 = jax.random.normal(ks[3], (D_IN, D_HID), dtype=jnp.float32) * (1.0 / np.sqrt(D_IN))
    b1 = jnp.zeros((D_HID,), dtype=jnp.float32)
    W2 = jax.random.normal(ks[4], (D_HID, D_OUT), dtype=jnp.float32) * (1.0 / np.sqrt(D_HID))
    b2 = jnp.zeros((D_OUT,), dtype=jnp.float32)
    fc_w = jax.random.normal(ks[5], (1, D_OUT), dtype=jnp.float32) * (1.0 / np.sqrt(D_OUT))
    fc_b = jnp.full((1,), 0.01, dtype=jnp.float32)
    return {"x": x, "edge_index": edge_index, "edge_attr": edge_attr,
            "W1": W1, "b1": b1, "W2": W2, "b2": b2, "fc_w": fc_w, "fc_b": fc_b}


def _gcn_conv(x, src, dst, W, b, n_nodes):
    # PyG GCNConv semantics: linear transform, add self-loops, symmetric norm, scatter-add, bias
    x = x @ W
    loop = jnp.arange(n_nodes, dtype=src.dtype)
    src2 = jnp.concatenate([src, loop])
    dst2 = jnp.concatenate([dst, loop])
    deg = jnp.zeros((n_nodes,), dtype=x.dtype).at[dst2].add(1.0)
    dinv = jnp.where(deg > 0, deg ** -0.5, 0.0)
    norm = dinv[src2] * dinv[dst2]
    msgs = x[src2] * norm[:, None]
    out = jax.ops.segment_sum(msgs, dst2, num_segments=n_nodes)
    return out + b


def reference(x, edge_index, edge_attr, W1, b1, W2, b2, fc_w, fc_b):
    src = edge_index[0]
    dst = edge_index[1]
    n = x.shape[0]
    h = _gcn_conv(x, src, dst, W1, b1, n)
    h = jax.nn.relu(h)
    h = _gcn_conv(h, src, dst, W2, b2, n)
    h = jax.nn.relu(h)
    m = jnp.mean(h, axis=0)
    out = m @ fc_w.T + fc_b
    return out

if __name__ == "__main__":
    import jax
    _d = setup_inputs()
    print(jax.jit(kernel)(*tuple(_d.values())))

</pallas_src>

<mosaic_0001>
#map = affine_map<(d0, d1) -> (0, 0)>
module attributes {stable_mosaic.version = 14 : i64} {
  func.func @k(%arg0: i32, %arg1: i32, %arg2: memref<1280x128xi32, #tpu.memory_space<hbm>>, %arg3: memref<10240x128xf32, #tpu.memory_space<hbm>>, %arg4: memref<10240x128xf32, #tpu.memory_space<hbm>>, %arg5: memref<40x128xi32, #tpu.memory_space<vmem>>, %arg6: memref<128x128xf32, #tpu.memory_space<vmem>>, %arg7: memref<128x128xf32, #tpu.memory_space<vmem>>, %arg8: memref<10240x128xf32, #tpu.memory_space<vmem_shared>>, %arg9: memref<!tpu.dma_semaphore, #tpu.memory_space<semaphore_mem>>) attributes {dimension_semantics = [#tpu.dimension_semantics<core_parallel>, #tpu.dimension_semantics<subcore_parallel>], iteration_bounds = array<i64: 2, 16>, scalar_prefetch = 0 : i64, scratch_operands = 5 : i64, tpu.core_type = #tpu.core_type<sc_vector_subcore>, window_params = [{transform_indices = #map}, {transform_indices = #map}, {transform_indices = #map}]} {
    %broadcast_in_dim3A = arith.constant 0.000000e+00 : f32
    %broadcast_in_dim3A_0 = vector.broadcast %broadcast_in_dim3A : f32 to vector<16xf32>
    %broadcast_in_dim3A_1 = arith.constant 1.000000e+00 : f32
    %broadcast_in_dim3A_2 = vector.broadcast %broadcast_in_dim3A_1 : f32 to vector<16xf32>
    %mul3A = arith.constant 16 : i32
    %mul3A_3 = arith.muli %arg0, %mul3A : i32
    %add3A = arith.addi %mul3A_3, %arg1 : i32
    %mul3A_4 = arith.constant 40 : i32
    %mul3A_5 = arith.muli %add3A, %mul3A_4 : i32
    %dma_start3A = arith.constant 0 : i32
    %dma_start3A_6 = tpu.memref_slice %arg2[%mul3A_5, %dma_start3A] : memref<1280x128xi32, #tpu.memory_space<hbm>> -> memref<40x128xi32, #tpu.memory_space<hbm>>
    %dma_start3A_7 = arith.constant 0 : i32
    %dma_start3A_8 = tpu.memref_slice %arg2[%mul3A_5, %dma_start3A_7] : memref<1280x128xi32, #tpu.memory_space<hbm>> -> memref<40x128xi32, #tpu.memory_space<hbm>>
    tpu.enqueue_dma source(%dma_start3A_8 : memref<40x128xi32, #tpu.memory_space<hbm>>) target(%arg5 : memref<40x128xi32, #tpu.memory_space<vmem>>) target_semaphore(%arg9 : memref<!tpu.dma_semaphore, #tpu.memory_space<semaphore_mem>>)
    %scan3A = arith.constant 0 : i32
    %scan3A_9 = arith.constant 0 : i32
    %scan3A_10 = arith.constant 128 : i32
    %scan3A_11 = arith.addi %scan3A_9, %scan3A_10 : i32
    %scan3A_12 = arith.constant 1 : i32
    scf.for %scan3A_51 = %scan3A_9 to %scan3A_11 step %scan3A_12  : i32 {
      %swap3A = arith.index_cast %scan3A_51 : i32 to index
      %swap3A_52 = arith.constant 0 : index
      %swap3A_53 = tpu.vector_load %arg7[%swap3A, %swap3A_52] {strides = array<i32>} : memref<128x128xf32, #tpu.memory_space<vmem>>, vector<1x16xf32>,
      %swap3A_54 = vector.shape_cast %swap3A_53 : vector<1x16xf32> to vector<16xf32>
      %swap3A_55 = vector.shape_cast %broadcast_in_dim3A_0 : vector<16xf32> to vector<1x16xf32>
      tpu.vector_store %arg7[%swap3A, %swap3A_52], %swap3A_55 {strides = array<i32>} : memref<128x128xf32, #tpu.memory_space<vmem>>, vector<1x16xf32>,
      %swap3A_56 = arith.index_cast %scan3A_51 : i32 to index
      %swap3A_57 = arith.constant 0 : index
      %swap3A_58 = tpu.vector_load %arg6[%swap3A_56, %swap3A_57] {strides = array<i32>} : memref<128x128xf32, #tpu.memory_space<vmem>>, vector<1x16xf32>,
      %swap3A_59 = vector.shape_cast %swap3A_58 : vector<1x16xf32> to vector<16xf32>
      %swap3A_60 = vector.shape_cast %broadcast_in_dim3A_2 : vector<16xf32> to vector<1x16xf32>
      tpu.vector_store %arg6[%swap3A_56, %swap3A_57], %swap3A_60 {strides = array<i32>} : memref<128x128xf32, #tpu.memory_space<vmem>>, vector<1x16xf32>,
      %swap3A_61 = arith.index_cast %scan3A_51 : i32 to index
      %swap3A_62 = arith.constant 16 : index
      %swap3A_63 = tpu.vector_load %arg7[%swap3A_61, %swap3A_62] {strides = array<i32>} : memref<128x128xf32, #tpu.memory_space<vmem>>, vector<1x16xf32>,
      %swap3A_64 = vector.shape_cast %swap3A_63 : vector<1x16xf32> to vector<16xf32>
      %swap3A_65 = vector.shape_cast %broadcast_in_dim3A_0 : vector<16xf32> to vector<1x16xf32>
      tpu.vector_store %arg7[%swap3A_61, %swap3A_62], %swap3A_65 {strides = array<i32>} : memref<128x128xf32, #tpu.memory_space<vmem>>, vector<1x16xf32>,
      %swap3A_66 = arith.index_cast %scan3A_51 : i32 to index
      %swap3A_67 = arith.constant 16 : index
      %swap3A_68 = tpu.vector_load %arg6[%swap3A_66, %swap3A_67] {strides = array<i32>} : memref<128x128xf32, #tpu.memory_space<vmem>>, vector<1x16xf32>,
      %swap3A_69 = vector.shape_cast %swap3A_68 : vector<1x16xf32> to vector<16xf32>
      %swap3A_70 = vector.shape_cast %broadcast_in_dim3A_2 : vector<16xf32> to vector<1x16xf32>
      tpu.vector_store %arg6[%swap3A_66, %swap3A_67], %swap3A_70 {strides = array<i32>} : memref<128x128xf32, #tpu.memory_space<vmem>>, vector<1x16xf32>,
      %swap3A_71 = arith.index_cast %scan3A_51 : i32 to index
      %swap3A_72 = arith.constant 32 : index
      %swap3A_73 = tpu.vector_load %arg7[%swap3A_71, %swap3A_72] {strides = array<i32>} : memref<128x128xf32, #tpu.memory_space<vmem>>, vector<1x16xf32>,
      %swap3A_74 = vector.shape_cast %swap3A_73 : vector<1x16xf32> to vector<16xf32>
      %swap3A_75 = vector.shape_cast %broadcast_in_dim3A_0 : vector<16xf32> to vector<1x16xf32>
      tpu.vector_store %arg7[%swap3A_71, %swap3A_72], %swap3A_75 {strides = array<i32>} : memref<128x128xf32, #tpu.memory_space<vmem>>, vector<1x16xf32>,
      %swap3A_76 = arith.index_cast %scan3A_51 : i32 to index
      %swap3A_77 = arith.constant 32 : index
      %swap3A_78 = tpu.vector_load %arg6[%swap3A_76, %swap3A_77] {strides = array<i32>} : memref<128x128xf32, #tpu.memory_space<vmem>>, vector<1x16xf32>,
      %swap3A_79 = vector.shape_cast %swap3A_78 : vector<1x16xf32> to vector<16xf32>
      %swap3A_80 = vector.shape_cast %broadcast_in_dim3A_2 : vector<16xf32> to vector<1x16xf32>
      tpu.vector_store %arg6[%swap3A_76, %swap3A_77], %swap3A_80 {strides = array<i32>} : memref<128x128xf32, #tpu.memory_space<vmem>>, vector<1x16xf32>,
      %swap3A_81 = arith.index_cast %scan3A_51 : i32 to index
      %swap3A_82 = arith.constant 48 : index
      %swap3A_83 = tpu.vector_load %arg7[%swap3A_81, %swap3A_82] {strides = array<i32>} : memref<128x128xf32, #tpu.memory_space<vmem>>, vector<1x16xf32>,
      %swap3A_84 = vector.shape_cast %swap3A_83 : vector<1x16xf32> to vector<16xf32>
      %swap3A_85 = vector.shape_cast %broadcast_in_dim3A_0 : vector<16xf32> to vector<1x16xf32>
      tpu.vector_store %arg7[%swap3A_81, %swap3A_82], %swap3A_85 {strides = array<i32>} : memref<128x128xf32, #tpu.memory_space<vmem>>, vector<1x16xf32>,
      %swap3A_86 = arith.index_cast %scan3A_51 : i32 to index
      %swap3A_87 = arith.constant 48 : index
      %swap3A_88 = tpu.vector_load %arg6[%swap3A_86, %swap3A_87] {strides = array<i32>} : memref<128x128xf32, #tpu.memory_space<vmem>>, vector<1x16xf32>,
      %swap3A_89 = vector.shape_cast %swap3A_88 : vector<1x16xf32> to vector<16xf32>
      %swap3A_90 = vector.shape_cast %broadcast_in_dim3A_2 : vector<16xf32> to vector<1x16xf32>
      tpu.vector_store %arg6[%swap3A_86, %swap3A_87], %swap3A_90 {strides = array<i32>} : memref<128x128xf32, #tpu.memory_space<vmem>>, vector<1x16xf32>,
      %swap3A_91 = arith.index_cast %scan3A_51 : i32 to index
      %swap3A_92 = arith.constant 64 : index
      %swap3A_93 = tpu.vector_load %arg7[%swap3A_91, %swap3A_92] {strides = array<i32>} : memref<128x128xf32, #tpu.memory_space<vmem>>, vector<1x16xf32>,
      %swap3A_94 = vector.shape_cast %swap3A_93 : vector<1x16xf32> to vector<16xf32>
      %swap3A_95 = vector.shape_cast %broadcast_in_dim3A_0 : vector<16xf32> to vector<1x16xf32>
      tpu.vector_store %arg7[%swap3A_91, %swap3A_92], %swap3A_95 {strides = array<i32>} : memref<128x128xf32, #tpu.memory_space<vmem>>, vector<1x16xf32>,
      %swap3A_96 = arith.index_cast %scan3A_51 : i32 to index
      %swap3A_97 = arith.constant 64 : index
      %swap3A_98 = tpu.vector_load %arg6[%swap3A_96, %swap3A_97] {strides = array<i32>} : memref<128x128xf32, #tpu.memory_space<vmem>>, vector<1x16xf32>,
      %swap3A_99 = vector.shape_cast %swap3A_98 : vector<1x16xf32> to vector<16xf32>
      %swap3A_100 = vector.shape_cast %broadcast_in_dim3A_2 : vector<16xf32> to vector<1x16xf32>
      tpu.vector_store %arg6[%swap3A_96, %swap3A_97], %swap3A_100 {strides = array<i32>} : memref<128x128xf32, #tpu.memory_space<vmem>>, vector<1x16xf32>,
      %swap3A_101 = arith.index_cast %scan3A_51 : i32 to index
      %swap3A_102 = arith.constant 80 : index
      %swap3A_103 = tpu.vector_load %arg7[%swap3A_101, %swap3A_102] {strides = array<i32>} : memref<128x128xf32, #tpu.memory_space<vmem>>, vector<1x16xf32>,
      %swap3A_104 = vector.shape_cast %swap3A_103 : vector<1x16xf32> to vector<16xf32>
      %swap3A_105 = vector.shape_cast %broadcast_in_dim3A_0 : vector<16xf32> to vector<1x16xf32>
      tpu.vector_store %arg7[%swap3A_101, %swap3A_102], %swap3A_105 {strides = array<i32>} : memref<128x128xf32, #tpu.memory_space<vmem>>, vector<1x16xf32>,
      %swap3A_106 = arith.index_cast %scan3A_51 : i32 to index
      %swap3A_107 = arith.constant 80 : index
      %swap3A_108 = tpu.vector_load %arg6[%swap3A_106, %swap3A_107] {strides = array<i32>} : memref<128x128xf32, #tpu.memory_space<vmem>>, vector<1x16xf32>,
      %swap3A_109 = vector.shape_cast %swap3A_108 : vector<1x16xf32> to vector<16xf32>
      %swap3A_110 = vector.shape_cast %broadcast_in_dim3A_2 : vector<16xf32> to vector<1x16xf32>
      tpu.vector_store %arg6[%swap3A_106, %swap3A_107], %swap3A_110 {strides = array<i32>} : memref<128x128xf32, #tpu.memory_space<vmem>>, vector<1x16xf32>,
      %swap3A_111 = arith.index_cast %scan3A_51 : i32 to index
      %swap3A_112 = arith.constant 96 : index
      %swap3A_113 = tpu.vector_load %arg7[%swap3A_111, %swap3A_112] {strides = array<i32>} : memref<128x128xf32, #tpu.memory_space<vmem>>, vector<1x16xf32>,
      %swap3A_114 = vector.shape_cast %swap3A_113 : vector<1x16xf32> to vector<16xf32>
      %swap3A_115 = vector.shape_cast %broadcast_in_dim3A_0 : vector<16xf32> to vector<1x16xf32>
      tpu.vector_store %arg7[%swap3A_111, %swap3A_112], %swap3A_115 {strides = array<i32>} : memref<128x128xf32, #tpu.memory_space<vmem>>, vector<1x16xf32>,
      %swap3A_116 = arith.index_cast %scan3A_51 : i32 to index
      %swap3A_117 = arith.constant 96 : index
      %swap3A_118 = tpu.vector_load %arg6[%swap3A_116, %swap3A_117] {strides = array<i32>} : memref<128x128xf32, #tpu.memory_space<vmem>>, vector<1x16xf32>,
      %swap3A_119 = vector.shape_cast %swap3A_118 : vector<1x16xf32> to vector<16xf32>
      %swap3A_120 = vector.shape_cast %broadcast_in_dim3A_2 : vector<16xf32> to vector<1x16xf32>
      tpu.vector_store %arg6[%swap3A_116, %swap3A_117], %swap3A_120 {strides = array<i32>} : memref<128x128xf32, #tpu.memory_space<vmem>>, vector<1x16xf32>,
      %swap3A_121 = arith.index_cast %scan3A_51 : i32 to index
      %swap3A_122 = arith.constant 112 : index
      %swap3A_123 = tpu.vector_load %arg7[%swap3A_121, %swap3A_122] {strides = array<i32>} : memref<128x128xf32, #tpu.memory_space<vmem>>, vector<1x16xf32>,
      %swap3A_124 = vector.shape_cast %swap3A_123 : vector<1x16xf32> to vector<16xf32>
      %swap3A_125 = vector.shape_cast %broadcast_in_dim3A_0 : vector<16xf32> to vector<1x16xf32>
      tpu.vector_store %arg7[%swap3A_121, %swap3A_122], %swap3A_125 {strides = array<i32>} : memref<128x128xf32, #tpu.memory_space<vmem>>, vector<1x16xf32>,
      %swap3A_126 = arith.index_cast %scan3A_51 : i32 to index
      %swap3A_127 = arith.constant 112 : index
      %swap3A_128 = tpu.vector_load %arg6[%swap3A_126, %swap3A_127] {strides = array<i32>} : memref<128x128xf32, #tpu.memory_space<vmem>>, vector<1x16xf32>,
      %swap3A_129 = vector.shape_cast %swap3A_128 : vector<1x16xf32> to vector<16xf32>
      %swap3A_130 = vector.shape_cast %broadcast_in_dim3A_2 : vector<16xf32> to vector<1x16xf32>
      tpu.vector_store %arg6[%swap3A_126, %swap3A_127], %swap3A_130 {strides = array<i32>} : memref<128x128xf32, #tpu.memory_space<vmem>>, vector<1x16xf32>,
    }
    %scan3A_13 = arith.constant 128 : i32
    %mul3A_14 = arith.constant 640 : i32
    %mul3A_15 = arith.muli %arg1, %mul3A_14 : i32
    %add3A_16 = arith.constant 0 : i32
    %add3A_17 = arith.addi %mul3A_15, %add3A_16 : i32
    "tpu.region"() ({
      %run_scoped3A = tpu.sem_alloc : memref<!tpu.dma_semaphore, #tpu.memory_space<semaphore_mem>>
      %dma_start3A_51 = arith.constant 0 : i32
      %dma_start3A_52 = tpu.memref_slice %arg8[%add3A_17, %dma_start3A_51] : memref<10240x128xf32, #tpu.memory_space<vmem_shared>> -> memref<128x128xf32, #tpu.memory_space<vmem_shared>>
      %dma_start3A_53 = arith.constant 0 : i32
      %dma_start3A_54 = tpu.memref_slice %arg8[%add3A_17, %dma_start3A_53] : memref<10240x128xf32, #tpu.memory_space<vmem_shared>> -> memref<128x128xf32, #tpu.memory_space<vmem_shared>>
      tpu.enqueue_dma source(%arg7 : memref<128x128xf32, #tpu.memory_space<vmem>>) target(%dma_start3A_54 : memref<128x128xf32, #tpu.memory_space<vmem_shared>>) target_semaphore(%run_scoped3A : memref<!tpu.dma_semaphore, #tpu.memory_space<semaphore_mem>>)
      %dma_wait3A_55 = arith.constant 0 : i32
      %dma_wait3A_56 = tpu.memref_slice %arg8[%add3A_17, %dma_wait3A_55] : memref<10240x128xf32, #tpu.memory_space<vmem_shared>> -> memref<128x128xf32, #tpu.memory_space<vmem_shared>>
      %dma_wait3A_57 = arith.constant 0 : i32
      %dma_wait3A_58 = tpu.memref_slice %arg8[%add3A_17, %dma_wait3A_57] : memref<10240x128xf32, #tpu.memory_space<vmem_shared>> -> memref<128x128xf32, #tpu.memory_space<vmem_shared>>
      tpu.wait_dma2 semaphore(%run_scoped3A : memref<!tpu.dma_semaphore, #tpu.memory_space<semaphore_mem>>) src(%arg7 : memref<128x128xf32, #tpu.memory_space<vmem>>) dst(%dma_wait3A_58 : memref<128x128xf32, #tpu.memory_space<vmem_shared>>)
      tpu.yield
    }) : () -> ()
    %mul3A_18 = arith.constant 640 : i32
    %mul3A_19 = arith.muli %arg1, %mul3A_18 : i32
    %add3A_20 = arith.constant 128 : i32
    %add3A_21 = arith.addi %mul3A_19, %add3A_20 : i32
    "tpu.region"() ({
      %run_scoped3A = tpu.sem_alloc : memref<!tpu.dma_semaphore, #tpu.memory_space<semaphore_mem>>
      %dma_start3A_51 = arith.constant 0 : i32
      %dma_start3A_52 = tpu.memref_slice %arg8[%add3A_21, %dma_start3A_51] : memref<10240x128xf32, #tpu.memory_space<vmem_shared>> -> memref<128x128xf32, #tpu.memory_space<vmem_shared>>
      %dma_start3A_53 = arith.constant 0 : i32
      %dma_start3A_54 = tpu.memref_slice %arg8[%add3A_21, %dma_start3A_53] : memref<10240x128xf32, #tpu.memory_space<vmem_shared>> -> memref<128x128xf32, #tpu.memory_space<vmem_shared>>
      tpu.enqueue_dma source(%arg7 : memref<128x128xf32, #tpu.memory_space<vmem>>) target(%dma_start3A_54 : memref<128x128xf32, #tpu.memory_space<vmem_shared>>) target_semaphore(%run_scoped3A : memref<!tpu.dma_semaphore, #tpu.memory_space<semaphore_mem>>)
      %dma_wait3A_55 = arith.constant 0 : i32
      %dma_wait3A_56 = tpu.memref_slice %arg8[%add3A_21, %dma_wait3A_55] : memref<10240x128xf32, #tpu.memory_space<vmem_shared>> -> memref<128x128xf32, #tpu.memory_space<vmem_shared>>
      %dma_wait3A_57 = arith.constant 0 : i32
      %dma_wait3A_58 = tpu.memref_slice %arg8[%add3A_21, %dma_wait3A_57] : memref<10240x128xf32, #tpu.memory_space<vmem_shared>> -> memref<128x128xf32, #tpu.memory_space<vmem_shared>>
      tpu.wait_dma2 semaphore(%run_scoped3A : memref<!tpu.dma_semaphore, #tpu.memory_space<semaphore_mem>>) src(%arg7 : memref<128x128xf32, #tpu.memory_space<vmem>>) dst(%dma_wait3A_58 : memref<128x128xf32, #tpu.memory_space<vmem_shared>>)
      tpu.yield
    }) : () -> ()
    %mul3A_22 = arith.constant 640 : i32
    %mul3A_23 = arith.muli %arg1, %mul3A_22 : i32
    %add3A_24 = arith.constant 256 : i32
    %add3A_25 = arith.addi %mul3A_23, %add3A_24 : i32
    "tpu.region"() ({
      %run_scoped3A = tpu.sem_alloc : memref<!tpu.dma_semaphore, #tpu.memory_space<semaphore_mem>>
      %dma_start3A_51 = arith.constant 0 : i32
      %dma_start3A_52 = tpu.memref_slice %arg8[%add3A_25, %dma_start3A_51] : memref<10240x128xf32, #tpu.memory_space<vmem_shared>> -> memref<128x128xf32, #tpu.memory_space<vmem_shared>>
      %dma_start3A_53 = arith.constant 0 : i32
      %dma_start3A_54 = tpu.memref_slice %arg8[%add3A_25, %dma_start3A_53] : memref<10240x128xf32, #tpu.memory_space<vmem_shared>> -> memref<128x128xf32, #tpu.memory_space<vmem_shared>>
      tpu.enqueue_dma source(%arg7 : memref<128x128xf32, #tpu.memory_space<vmem>>) target(%dma_start3A_54 : memref<128x128xf32, #tpu.memory_space<vmem_shared>>) target_semaphore(%run_scoped3A : memref<!tpu.dma_semaphore, #tpu.memory_space<semaphore_mem>>)
      %dma_wait3A_55 = arith.constant 0 : i32
      %dma_wait3A_56 = tpu.memref_slice %arg8[%add3A_25, %dma_wait3A_55] : memref<10240x128xf32, #tpu.memory_space<vmem_shared>> -> memref<128x128xf32, #tpu.memory_space<vmem_shared>>
      %dma_wait3A_57 = arith.constant 0 : i32
      %dma_wait3A_58 = tpu.memref_slice %arg8[%add3A_25, %dma_wait3A_57] : memref<10240x128xf32, #tpu.memory_space<vmem_shared>> -> memref<128x128xf32, #tpu.memory_space<vmem_shared>>
      tpu.wait_dma2 semaphore(%run_scoped3A : memref<!tpu.dma_semaphore, #tpu.memory_space<semaphore_mem>>) src(%arg7 : memref<128x128xf32, #tpu.memory_space<vmem>>) dst(%dma_wait3A_58 : memref<128x128xf32, #tpu.memory_space<vmem_shared>>)
      tpu.yield
    }) : () -> ()
    %mul3A_26 = arith.constant 640 : i32
    %mul3A_27 = arith.muli %arg1, %mul3A_26 : i32
    %add3A_28 = arith.constant 384 : i32
    %add3A_29 = arith.addi %mul3A_27, %add3A_28 : i32
    "tpu.region"() ({
      %run_scoped3A = tpu.sem_alloc : memref<!tpu.dma_semaphore, #tpu.memory_space<semaphore_mem>>
      %dma_start3A_51 = arith.constant 0 : i32
      %dma_start3A_52 = tpu.memref_slice %arg8[%add3A_29, %dma_start3A_51] : memref<10240x128xf32, #tpu.memory_space<vmem_shared>> -> memref<128x128xf32, #tpu.memory_space<vmem_shared>>
      %dma_start3A_53 = arith.constant 0 : i32
      %dma_start3A_54 = tpu.memref_slice %arg8[%add3A_29, %dma_start3A_53] : memref<10240x128xf32, #tpu.memory_space<vmem_shared>> -> memref<128x128xf32, #tpu.memory_space<vmem_shared>>
      tpu.enqueue_dma source(%arg7 : memref<128x128xf32, #tpu.memory_space<vmem>>) target(%dma_start3A_54 : memref<128x128xf32, #tpu.memory_space<vmem_shared>>) target_semaphore(%run_scoped3A : memref<!tpu.dma_semaphore, #tpu.memory_space<semaphore_mem>>)
      %dma_wait3A_55 = arith.constant 0 : i32
      %dma_wait3A_56 = tpu.memref_slice %arg8[%add3A_29, %dma_wait3A_55] : memref<10240x128xf32, #tpu.memory_space<vmem_shared>> -> memref<128x128xf32, #tpu.memory_space<vmem_shared>>
      %dma_wait3A_57 = arith.constant 0 : i32
      %dma_wait3A_58 = tpu.memref_slice %arg8[%add3A_29, %dma_wait3A_57] : memref<10240x128xf32, #tpu.memory_space<vmem_shared>> -> memref<128x128xf32, #tpu.memory_space<vmem_shared>>
      tpu.wait_dma2 semaphore(%run_scoped3A : memref<!tpu.dma_semaphore, #tpu.memory_space<semaphore_mem>>) src(%arg7 : memref<128x128xf32, #tpu.memory_space<vmem>>) dst(%dma_wait3A_58 : memref<128x128xf32, #tpu.memory_space<vmem_shared>>)
      tpu.yield
    }) : () -> ()
    %mul3A_30 = arith.constant 640 : i32
    %mul3A_31 = arith.muli %arg1, %mul3A_30 : i32
    %add3A_32 = arith.constant 512 : i32
    %add3A_33 = arith.addi %mul3A_31, %add3A_32 : i32
    "tpu.region"() ({
      %run_scoped3A = tpu.sem_alloc : memref<!tpu.dma_semaphore, #tpu.memory_space<semaphore_mem>>
      %dma_start3A_51 = arith.constant 0 : i32
      %dma_start3A_52 = tpu.memref_slice %arg8[%add3A_33, %dma_start3A_51] : memref<10240x128xf32, #tpu.memory_space<vmem_shared>> -> memref<128x128xf32, #tpu.memory_space<vmem_shared>>
      %dma_start3A_53 = arith.constant 0 : i32
      %dma_start3A_54 = tpu.memref_slice %arg8[%add3A_33, %dma_start3A_53] : memref<10240x128xf32, #tpu.memory_space<vmem_shared>> -> memref<128x128xf32, #tpu.memory_space<vmem_shared>>
      tpu.enqueue_dma source(%arg7 : memref<128x128xf32, #tpu.memory_space<vmem>>) target(%dma_start3A_54 : memref<128x128xf32, #tpu.memory_space<vmem_shared>>) target_semaphore(%run_scoped3A : memref<!tpu.dma_semaphore, #tpu.memory_space<semaphore_mem>>)
      %dma_wait3A_55 = arith.constant 0 : i32
      %dma_wait3A_56 = tpu.memref_slice %arg8[%add3A_33, %dma_wait3A_55] : memref<10240x128xf32, #tpu.memory_space<vmem_shared>> -> memref<128x128xf32, #tpu.memory_space<vmem_shared>>
      %dma_wait3A_57 = arith.constant 0 : i32
      %dma_wait3A_58 = tpu.memref_slice %arg8[%add3A_33, %dma_wait3A_57] : memref<10240x128xf32, #tpu.memory_space<vmem_shared>> -> memref<128x128xf32, #tpu.memory_space<vmem_shared>>
      tpu.wait_dma2 semaphore(%run_scoped3A : memref<!tpu.dma_semaphore, #tpu.memory_space<semaphore_mem>>) src(%arg7 : memref<128x128xf32, #tpu.memory_space<vmem>>) dst(%dma_wait3A_58 : memref<128x128xf32, #tpu.memory_space<vmem_shared>>)
      tpu.yield
    }) : () -> ()
    %dma_wait3A = arith.constant 0 : i32
    %dma_wait3A_34 = tpu.memref_slice %arg2[%mul3A_5, %dma_wait3A] : memref<1280x128xi32, #tpu.memory_space<hbm>> -> memref<40x128xi32, #tpu.memory_space<hbm>>
    %dma_wait3A_35 = arith.constant 0 : i32
    %dma_wait3A_36 = tpu.memref_slice %arg2[%mul3A_5, %dma_wait3A_35] : memref<1280x128xi32, #tpu.memory_space<hbm>> -> memref<40x128xi32, #tpu.memory_space<hbm>>
    tpu.wait_dma2 semaphore(%arg9 : memref<!tpu.dma_semaphore, #tpu.memory_space<semaphore_mem>>) src(%dma_wait3A_36 : memref<40x128xi32, #tpu.memory_space<hbm>>) dst(%arg5 : memref<40x128xi32, #tpu.memory_space<vmem>>)
    %barrier3A = arith.constant 0 : index
    tpu.barrier barrier_id(%barrier3A)
    %scan3A_37 = arith.constant 0 : i32
    %scan3A_38 = arith.constant 0 : i32
    %scan3A_39 = arith.constant 40 : i32
    %scan3A_40 = arith.addi %scan3A_38, %scan3A_39 : i32
    %scan3A_41 = arith.constant 1 : i32
    scf.for %scan3A_51 = %scan3A_38 to %scan3A_40 step %scan3A_41  : i32 {
      "tpu.region"() ({
        %run_scoped3A = tpu.sem_alloc : memref<!tpu.dma_semaphore, #tpu.memory_space<semaphore_mem>>
        %dma_start3A_52 = arith.constant 0 : i32
        %dma_start3A_53 = tpu.memref_slice %arg5[%scan3A_51, %dma_start3A_52] : memref<40x128xi32, #tpu.memory_space<vmem>> -> memref<1x128xi32, #tpu.memory_space<vmem>>
        %dma_start3A_54 = tpu.memref_squeeze %dma_start3A_53 : memref<1x128xi32, #tpu.memory_space<vmem>> -> memref<128xi32, #tpu.memory_space<vmem>>
        %dma_start3A_55 = arith.constant 0 : i32
        %dma_start3A_56 = arith.constant 0 : i32
        %dma_start3A_57 = tpu.memref_slice %arg8[%dma_start3A_55, %dma_start3A_56] : memref<10240x128xf32, #tpu.memory_space<vmem_shared>> -> memref<10240x128xf32, #tpu.memory_space<vmem_shared>>
        tpu.enqueue_indirect_dma source(%arg6 : memref<128x128xf32, #tpu.memory_space<vmem>>) target(%dma_start3A_57 : memref<10240x128xf32, #tpu.memory_space<vmem_shared>>) offsets(%dma_start3A_54 : memref<128xi32, #tpu.memory_space<vmem>>) semaphore(%run_scoped3A : memref<!tpu.dma_semaphore, #tpu.memory_space<semaphore_mem>>) {add = true}
        %dma_wait3A_58 = arith.constant 0 : i32
        %dma_wait3A_59 = tpu.memref_slice %arg5[%scan3A_51, %dma_wait3A_58] : memref<40x128xi32, #tpu.memory_space<vmem>> -> memref<1x128xi32, #tpu.memory_space<vmem>>
        %dma_wait3A_60 = tpu.memref_squeeze %dma_wait3A_59 : memref<1x128xi32, #tpu.memory_space<vmem>> -> memref<128xi32, #tpu.memory_space<vmem>>
        %dma_wait3A_61 = arith.constant 0 : i32
        %dma_wait3A_62 = arith.constant 0 : i32
        %dma_wait3A_63 = tpu.memref_slice %arg8[%dma_wait3A_61, %dma_wait3A_62] : memref<10240x128xf32, #tpu.memory_space<vmem_shared>> -> memref<10240x128xf32, #tpu.memory_space<vmem_shared>>
        tpu.wait_indirect_dma semaphore(%run_scoped3A : memref<!tpu.dma_semaphore, #tpu.memory_space<semaphore_mem>>) src(%arg6 : memref<128x128xf32, #tpu.memory_space<vmem>>) dst(%dma_wait3A_63 : memref<10240x128xf32, #tpu.memory_space<vmem_shared>>)
        tpu.yield
      }) : () -> ()
    }
    %scan3A_42 = arith.constant 40 : i32
    %barrier3A_43 = arith.constant 0 : index
    tpu.barrier barrier_id(%barrier3A_43)
    %eq3A = arith.constant 0 : i32
    %eq3A_44 = arith.cmpi eq, %arg0, %eq3A : i32
    %convert_element_type3A = arith.extui %eq3A_44 : i1 to i32
    %cond3A = arith.constant 0 : i32
    %cond3A_45 = arith.cmpi ne, %convert_element_type3A, %cond3A : i32
    scf.if %cond3A_45 {
      %mul3A_51 = arith.constant 640 : i32
      %mul3A_52 = arith.muli %arg1, %mul3A_51 : i32
      "tpu.region"() ({
        %run_scoped3A = tpu.sem_alloc : memref<!tpu.dma_semaphore, #tpu.memory_space<semaphore_mem>>
        %dma_start3A_53 = arith.constant 0 : i32
        %dma_start3A_54 = tpu.memref_slice %arg3[%mul3A_52, %dma_start3A_53] : memref<10240x128xf32, #tpu.memory_space<hbm>> -> memref<640x128xf32, #tpu.memory_space<hbm>>
        %dma_start3A_55 = arith.constant 0 : i32
        %dma_start3A_56 = tpu.memref_slice %arg8[%mul3A_52, %dma_start3A_55] : memref<10240x128xf32, #tpu.memory_space<vmem_shared>> -> memref<640x128xf32, #tpu.memory_space<vmem_shared>>
        tpu.enqueue_dma source(%dma_start3A_56 : memref<640x128xf32, #tpu.memory_space<vmem_shared>>) target(%dma_start3A_54 : memref<640x128xf32, #tpu.memory_space<hbm>>) target_semaphore(%run_scoped3A : memref<!tpu.dma_semaphore, #tpu.memory_space<semaphore_mem>>)
        %dma_wait3A_57 = arith.constant 0 : i32
        %dma_wait3A_58 = tpu.memref_slice %arg3[%mul3A_52, %dma_wait3A_57] : memref<10240x128xf32, #tpu.memory_space<hbm>> -> memref<640x128xf32, #tpu.memory_space<hbm>>
        %dma_wait3A_59 = arith.constant 0 : i32
        %dma_wait3A_60 = tpu.memref_slice %arg8[%mul3A_52, %dma_wait3A_59] : memref<10240x128xf32, #tpu.memory_space<vmem_shared>> -> memref<640x128xf32, #tpu.memory_space<vmem_shared>>
        tpu.wait_dma2 semaphore(%run_scoped3A : memref<!tpu.dma_semaphore, #tpu.memory_space<semaphore_mem>>) src(%dma_wait3A_60 : memref<640x128xf32, #tpu.memory_space<vmem_shared>>) dst(%dma_wait3A_58 : memref<640x128xf32, #tpu.memory_space<hbm>>)
        tpu.yield
      }) : () -> ()
    } else {
    }
    %eq3A_46 = arith.constant 1 : i32
    %eq3A_47 = arith.cmpi eq, %arg0, %eq3A_46 : i32
    %convert_element_type3A_48 = arith.extui %eq3A_47 : i1 to i32
    %cond3A_49 = arith.constant 0 : i32
    %cond3A_50 = arith.cmpi ne, %convert_element_type3A_48, %cond3A_49 : i32
    scf.if %cond3A_50 {
      %mul3A_51 = arith.constant 640 : i32
      %mul3A_52 = arith.muli %arg1, %mul3A_51 : i32
      "tpu.region"() ({
        %run_scoped3A = tpu.sem_alloc : memref<!tpu.dma_semaphore, #tpu.memory_space<semaphore_mem>>
        %dma_start3A_53 = arith.constant 0 : i32
        %dma_start3A_54 = tpu.memref_slice %arg4[%mul3A_52, %dma_start3A_53] : memref<10240x128xf32, #tpu.memory_space<hbm>> -> memref<640x128xf32, #tpu.memory_space<hbm>>
        %dma_start3A_55 = arith.constant 0 : i32
        %dma_start3A_56 = tpu.memref_slice %arg8[%mul3A_52, %dma_start3A_55] : memref<10240x128xf32, #tpu.memory_space<vmem_shared>> -> memref<640x128xf32, #tpu.memory_space<vmem_shared>>
        tpu.enqueue_dma source(%dma_start3A_56 : memref<640x128xf32, #tpu.memory_space<vmem_shared>>) target(%dma_start3A_54 : memref<640x128xf32, #tpu.memory_space<hbm>>) target_semaphore(%run_scoped3A : memref<!tpu.dma_semaphore, #tpu.memory_space<semaphore_mem>>)
        %dma_wait3A_57 = arith.constant 0 : i32
        %dma_wait3A_58 = tpu.memref_slice %arg4[%mul3A_52, %dma_wait3A_57] : memref<10240x128xf32, #tpu.memory_space<hbm>> -> memref<640x128xf32, #tpu.memory_space<hbm>>
        %dma_wait3A_59 = arith.constant 0 : i32
        %dma_wait3A_60 = tpu.memref_slice %arg8[%mul3A_52, %dma_wait3A_59] : memref<10240x128xf32, #tpu.memory_space<vmem_shared>> -> memref<640x128xf32, #tpu.memory_space<vmem_shared>>
        tpu.wait_dma2 semaphore(%run_scoped3A : memref<!tpu.dma_semaphore, #tpu.memory_space<semaphore_mem>>) src(%dma_wait3A_60 : memref<640x128xf32, #tpu.memory_space<vmem_shared>>) dst(%dma_wait3A_58 : memref<640x128xf32, #tpu.memory_space<hbm>>)
        tpu.yield
      }) : () -> ()
    } else {
    }
    return
  }
}

#map = affine_map<(d0, d1) -> (0, 0)>
module attributes {stable_mosaic.version = 14 : i64} {
  func.func @k(%arg0: i32, %arg1: i32, %arg2: memref<10240x128xf32, #tpu.memory_space<hbm>>, %arg3: memref<10240x128xf32, #tpu.memory_space<hbm>>, %arg4: memref<1280x128xi32, #tpu.memory_space<hbm>>, %arg5: memref<1280x128xi32, #tpu.memory_space<hbm>>, %arg6: memref<10240x128xf32, #tpu.memory_space<hbm>>, %arg7: memref<10240x128xf32, #tpu.memory_space<hbm>>, %arg8: memref<40x128xi32, #tpu.memory_space<vmem>>, %arg9: memref<40x128xi32, #tpu.memory_space<vmem>>, %arg10: memref<128x128xf32, #tpu.memory_space<vmem>>, %arg11: memref<128x128xf32, #tpu.memory_space<vmem>>, %arg12: memref<10240x128xf32, #tpu.memory_space<vmem_shared>>, %arg13: memref<!tpu.dma_semaphore, #tpu.memory_space<semaphore_mem>>, %arg14: memref<!tpu.dma_semaphore, #tpu.memory_space<semaphore_mem>>) attributes {dimension_semantics = [#tpu.dimension_semantics<core_parallel>, #tpu.dimension_semantics<subcore_parallel>], iteration_bounds = array<i64: 2, 16>, scalar_prefetch = 0 : i64, scratch_operands = 7 : i64, tpu.core_type = #tpu.core_type<sc_vector_subcore>, window_params = [{transform_indices = #map}, {transform_indices = #map}, {transform_indices = #map}, {transform_indices = #map}, {transform_indices = #map}, {transform_indices = #map}]} {
    %broadcast_in_dim3A = arith.constant 0.000000e+00 : f32
    %broadcast_in_dim3A_0 = vector.broadcast %broadcast_in_dim3A : f32 to vector<16xf32>
    %mul3A = arith.constant 80 : i32
    %mul3A_1 = arith.muli %arg1, %mul3A : i32
    %dma_start3A = arith.constant 0 : i32
    %dma_start3A_2 = tpu.memref_slice %arg4[%mul3A_1, %dma_start3A] : memref<1280x128xi32, #tpu.memory_space<hbm>> -> memref<40x128xi32, #tpu.memory_space<hbm>>
    %dma_start3A_3 = arith.constant 0 : i32
    %dma_start3A_4 = tpu.memref_slice %arg4[%mul3A_1, %dma_start3A_3] : memref<1280x128xi32, #tpu.memory_space<hbm>> -> memref<40x128xi32, #tpu.memory_space<hbm>>
    tpu.enqueue_dma source(%dma_start3A_4 : memref<40x128xi32, #tpu.memory_space<hbm>>) target(%arg8 : memref<40x128xi32, #tpu.memory_space<vmem>>) target_semaphore(%arg13 : memref<!tpu.dma_semaphore, #tpu.memory_space<semaphore_mem>>)
    %mul3A_5 = arith.constant 80 : i32
    %mul3A_6 = arith.muli %arg1, %mul3A_5 : i32
    %dma_start3A_7 = arith.constant 0 : i32
    %dma_start3A_8 = tpu.memref_slice %arg5[%mul3A_6, %dma_start3A_7] : memref<1280x128xi32, #tpu.memory_space<hbm>> -> memref<40x128xi32, #tpu.memory_space<hbm>>
    %dma_start3A_9 = arith.constant 0 : i32
    %dma_start3A_10 = tpu.memref_slice %arg5[%mul3A_6, %dma_start3A_9] : memref<1280x128xi32, #tpu.memory_space<hbm>> -> memref<40x128xi32, #tpu.memory_space<hbm>>
    tpu.enqueue_dma source(%dma_start3A_10 : memref<40x128xi32, #tpu.memory_space<hbm>>) target(%arg9 : memref<40x128xi32, #tpu.memory_space<vmem>>) target_semaphore(%arg14 : memref<!tpu.dma_semaphore, #tpu.memory_space<semaphore_mem>>)
    %scan3A = arith.constant 0 : i32
    %scan3A_11 = arith.constant 0 : i32
    %scan3A_12 = arith.constant 128 : i32
    %scan3A_13 = arith.addi %scan3A_11, %scan3A_12 : i32
    %scan3A_14 = arith.constant 1 : i32
    scf.for %scan3A_60 = %scan3A_11 to %scan3A_13 step %scan3A_14  : i32 {
      %swap3A = arith.index_cast %scan3A_60 : i32 to index
      %swap3A_61 = arith.constant 0 : index
      %swap3A_62 = tpu.vector_load %arg10[%swap3A, %swap3A_61] {strides = array<i32>} : memref<128x128xf32, #tpu.memory_space<vmem>>, vector<1x16xf32>,
      %swap3A_63 = vector.shape_cast %swap3A_62 : vector<1x16xf32> to vector<16xf32>
      %swap3A_64 = vector.shape_cast %broadcast_in_dim3A_0 : vector<16xf32> to vector<1x16xf32>
      tpu.vector_store %arg10[%swap3A, %swap3A_61], %swap3A_64 {strides = array<i32>} : memref<128x128xf32, #tpu.memory_space<vmem>>, vector<1x16xf32>,
      %swap3A_65 = arith.index_cast %scan3A_60 : i32 to index
      %swap3A_66 = arith.constant 16 : index
      %swap3A_67 = tpu.vector_load %arg10[%swap3A_65, %swap3A_66] {strides = array<i32>} : memref<128x128xf32, #tpu.memory_space<vmem>>, vector<1x16xf32>,
      %swap3A_68 = vector.shape_cast %swap3A_67 : vector<1x16xf32> to vector<16xf32>
      %swap3A_69 = vector.shape_cast %broadcast_in_dim3A_0 : vector<16xf32> to vector<1x16xf32>
      tpu.vector_store %arg10[%swap3A_65, %swap3A_66], %swap3A_69 {strides = array<i32>} : memref<128x128xf32, #tpu.memory_space<vmem>>, vector<1x16xf32>,
      %swap3A_70 = arith.index_cast %scan3A_60 : i32 to index
      %swap3A_71 = arith.constant 32 : index
      %swap3A_72 = tpu.vector_load %arg10[%swap3A_70, %swap3A_71] {strides = array<i32>} : memref<128x128xf32, #tpu.memory_space<vmem>>, vector<1x16xf32>,
      %swap3A_73 = vector.shape_cast %swap3A_72 : vector<1x16xf32> to vector<16xf32>
      %swap3A_74 = vector.shape_cast %broadcast_in_dim3A_0 : vector<16xf32> to vector<1x16xf32>
      tpu.vector_store %arg10[%swap3A_70, %swap3A_71], %swap3A_74 {strides = array<i32>} : memref<128x128xf32, #tpu.memory_space<vmem>>, vector<1x16xf32>,
      %swap3A_75 = arith.index_cast %scan3A_60 : i32 to index
      %swap3A_76 = arith.constant 48 : index
      %swap3A_77 = tpu.vector_load %arg10[%swap3A_75, %swap3A_76] {strides = array<i32>} : memref<128x128xf32, #tpu.memory_space<vmem>>, vector<1x16xf32>,
      %swap3A_78 = vector.shape_cast %swap3A_77 : vector<1x16xf32> to vector<16xf32>
      %swap3A_79 = vector.shape_cast %broadcast_in_dim3A_0 : vector<16xf32> to vector<1x16xf32>
      tpu.vector_store %arg10[%swap3A_75, %swap3A_76], %swap3A_79 {strides = array<i32>} : memref<128x128xf32, #tpu.memory_space<vmem>>, vector<1x16xf32>,
      %swap3A_80 = arith.index_cast %scan3A_60 : i32 to index
      %swap3A_81 = arith.constant 64 : index
      %swap3A_82 = tpu.vector_load %arg10[%swap3A_80, %swap3A_81] {strides = array<i32>} : memref<128x128xf32, #tpu.memory_space<vmem>>, vector<1x16xf32>,
      %swap3A_83 = vector.shape_cast %swap3A_82 : vector<1x16xf32> to vector<16xf32>
      %swap3A_84 = vector.shape_cast %broadcast_in_dim3A_0 : vector<16xf32> to vector<1x16xf32>
      tpu.vector_store %arg10[%swap3A_80, %swap3A_81], %swap3A_84 {strides = array<i32>} : memref<128x128xf32, #tpu.memory_space<vmem>>, vector<1x16xf32>,
      %swap3A_85 = arith.index_cast %scan3A_60 : i32 to index
      %swap3A_86 = arith.constant 80 : index
      %swap3A_87 = tpu.vector_load %arg10[%swap3A_85, %swap3A_86] {strides = array<i32>} : memref<128x128xf32, #tpu.memory_space<vmem>>, vector<1x16xf32>,
      %swap3A_88 = vector.shape_cast %swap3A_87 : vector<1x16xf32> to vector<16xf32>
      %swap3A_89 = vector.shape_cast %broadcast_in_dim3A_0 : vector<16xf32> to vector<1x16xf32>
      tpu.vector_store %arg10[%swap3A_85, %swap3A_86], %swap3A_89 {strides = array<i32>} : memref<128x128xf32, #tpu.memory_space<vmem>>, vector<1x16xf32>,
      %swap3A_90 = arith.index_cast %scan3A_60 : i32 to index
      %swap3A_91 = arith.constant 96 : index
      %swap3A_92 = tpu.vector_load %arg10[%swap3A_90, %swap3A_91] {strides = array<i32>} : memref<128x128xf32, #tpu.memory_space<vmem>>, vector<1x16xf32>,
      %swap3A_93 = vector.shape_cast %swap3A_92 : vector<1x16xf32> to vector<16xf32>
      %swap3A_94 = vector.shape_cast %broadcast_in_dim3A_0 : vector<16xf32> to vector<1x16xf32>
      tpu.vector_store %arg10[%swap3A_90, %swap3A_91], %swap3A_94 {strides = array<i32>} : memref<128x128xf32, #tpu.memory_space<vmem>>, vector<1x16xf32>,
      %swap3A_95 = arith.index_cast %scan3A_60 : i32 to index
      %swap3A_96 = arith.constant 112 : index
      %swap3A_97 = tpu.vector_load %arg10[%swap3A_95, %swap3A_96] {strides = array<i32>} : memref<128x128xf32, #tpu.memory_space<vmem>>, vector<1x16xf32>,
      %swap3A_98 = vector.shape_cast %swap3A_97 : vector<1x16xf32> to vector<16xf32>
      %swap3A_99 = vector.shape_cast %broadcast_in_dim3A_0 : vector<16xf32> to vector<1x16xf32>
      tpu.vector_store %arg10[%swap3A_95, %swap3A_96], %swap3A_99 {strides = array<i32>} : memref<128x128xf32, #tpu.memory_space<vmem>>, vector<1x16xf32>,
    }
    %scan3A_15 = arith.constant 128 : i32
    %mul3A_16 = arith.constant 640 : i32
    %mul3A_17 = arith.muli %arg1, %mul3A_16 : i32
    %add3A = arith.constant 0 : i32
    %add3A_18 = arith.addi %mul3A_17, %add3A : i32
    "tpu.region"() ({
      %run_scoped3A = tpu.sem_alloc : memref<!tpu.dma_semaphore, #tpu.memory_space<semaphore_mem>>
      %dma_start3A_60 = arith.constant 0 : i32
      %dma_start3A_61 = tpu.memref_slice %arg12[%add3A_18, %dma_start3A_60] : memref<10240x128xf32, #tpu.memory_space<vmem_shared>> -> memref<128x128xf32, #tpu.memory_space<vmem_shared>>
      %dma_start3A_62 = arith.constant 0 : i32
      %dma_start3A_63 = tpu.memref_slice %arg12[%add3A_18, %dma_start3A_62] : memref<10240x128xf32, #tpu.memory_space<vmem_shared>> -> memref<128x128xf32, #tpu.memory_space<vmem_shared>>
      tpu.enqueue_dma source(%arg10 : memref<128x128xf32, #tpu.memory_space<vmem>>) target(%dma_start3A_63 : memref<128x128xf32, #tpu.memory_space<vmem_shared>>) target_semaphore(%run_scoped3A : memref<!tpu.dma_semaphore, #tpu.memory_space<semaphore_mem>>)
      %dma_wait3A_64 = arith.constant 0 : i32
      %dma_wait3A_65 = tpu.memref_slice %arg12[%add3A_18, %dma_wait3A_64] : memref<10240x128xf32, #tpu.memory_space<vmem_shared>> -> memref<128x128xf32, #tpu.memory_space<vmem_shared>>
      %dma_wait3A_66 = arith.constant 0 : i32
      %dma_wait3A_67 = tpu.memref_slice %arg12[%add3A_18, %dma_wait3A_66] : memref<10240x128xf32, #tpu.memory_space<vmem_shared>> -> memref<128x128xf32, #tpu.memory_space<vmem_shared>>
      tpu.wait_dma2 semaphore(%run_scoped3A : memref<!tpu.dma_semaphore, #tpu.memory_space<semaphore_mem>>) src(%arg10 : memref<128x128xf32, #tpu.memory_space<vmem>>) dst(%dma_wait3A_67 : memref<128x128xf32, #tpu.memory_space<vmem_shared>>)
      tpu.yield
    }) : () -> ()
    %mul3A_19 = arith.constant 640 : i32
    %mul3A_20 = arith.muli %arg1, %mul3A_19 : i32
    %add3A_21 = arith.constant 128 : i32
    %add3A_22 = arith.addi %mul3A_20, %add3A_21 : i32
    "tpu.region"() ({
      %run_scoped3A = tpu.sem_alloc : memref<!tpu.dma_semaphore, #tpu.memory_space<semaphore_mem>>
      %dma_start3A_60 = arith.constant 0 : i32
      %dma_start3A_61 = tpu.memref_slice %arg12[%add3A_22, %dma_start3A_60] : memref<10240x128xf32, #tpu.memory_space<vmem_shared>> -> memref<128x128xf32, #tpu.memory_space<vmem_shared>>
      %dma_start3A_62 = arith.constant 0 : i32
      %dma_start3A_63 = tpu.memref_slice %arg12[%add3A_22, %dma_start3A_62] : memref<10240x128xf32, #tpu.memory_space<vmem_shared>> -> memref<128x128xf32, #tpu.memory_space<vmem_shared>>
      tpu.enqueue_dma source(%arg10 : memref<128x128xf32, #tpu.memory_space<vmem>>) target(%dma_start3A_63 : memref<128x128xf32, #tpu.memory_space<vmem_shared>>) target_semaphore(%run_scoped3A : memref<!tpu.dma_semaphore, #tpu.memory_space<semaphore_mem>>)
      %dma_wait3A_64 = arith.constant 0 : i32
      %dma_wait3A_65 = tpu.memref_slice %arg12[%add3A_22, %dma_wait3A_64] : memref<10240x128xf32, #tpu.memory_space<vmem_shared>> -> memref<128x128xf32, #tpu.memory_space<vmem_shared>>
      %dma_wait3A_66 = arith.constant 0 : i32
      %dma_wait3A_67 = tpu.memref_slice %arg12[%add3A_22, %dma_wait3A_66] : memref<10240x128xf32, #tpu.memory_space<vmem_shared>> -> memref<128x128xf32, #tpu.memory_space<vmem_shared>>
      tpu.wait_dma2 semaphore(%run_scoped3A : memref<!tpu.dma_semaphore, #tpu.memory_space<semaphore_mem>>) src(%arg10 : memref<128x128xf32, #tpu.memory_space<vmem>>) dst(%dma_wait3A_67 : memref<128x128xf32, #tpu.memory_space<vmem_shared>>)
      tpu.yield
    }) : () -> ()
    %mul3A_23 = arith.constant 640 : i32
    %mul3A_24 = arith.muli %arg1, %mul3A_23 : i32
    %add3A_25 = arith.constant 256 : i32
    %add3A_26 = arith.addi %mul3A_24, %add3A_25 : i32
    "tpu.region"() ({
      %run_scoped3A = tpu.sem_alloc : memref<!tpu.dma_semaphore, #tpu.memory_space<semaphore_mem>>
      %dma_start3A_60 = arith.constant 0 : i32
      %dma_start3A_61 = tpu.memref_slice %arg12[%add3A_26, %dma_start3A_60] : memref<10240x128xf32, #tpu.memory_space<vmem_shared>> -> memref<128x128xf32, #tpu.memory_space<vmem_shared>>
      %dma_start3A_62 = arith.constant 0 : i32
      %dma_start3A_63 = tpu.memref_slice %arg12[%add3A_26, %dma_start3A_62] : memref<10240x128xf32, #tpu.memory_space<vmem_shared>> -> memref<128x128xf32, #tpu.memory_space<vmem_shared>>
      tpu.enqueue_dma source(%arg10 : memref<128x128xf32, #tpu.memory_space<vmem>>) target(%dma_start3A_63 : memref<128x128xf32, #tpu.memory_space<vmem_shared>>) target_semaphore(%run_scoped3A : memref<!tpu.dma_semaphore, #tpu.memory_space<semaphore_mem>>)
      %dma_wait3A_64 = arith.constant 0 : i32
      %dma_wait3A_65 = tpu.memref_slice %arg12[%add3A_26, %dma_wait3A_64] : memref<10240x128xf32, #tpu.memory_space<vmem_shared>> -> memref<128x128xf32, #tpu.memory_space<vmem_shared>>
      %dma_wait3A_66 = arith.constant 0 : i32
      %dma_wait3A_67 = tpu.memref_slice %arg12[%add3A_26, %dma_wait3A_66] : memref<10240x128xf32, #tpu.memory_space<vmem_shared>> -> memref<128x128xf32, #tpu.memory_space<vmem_shared>>
      tpu.wait_dma2 semaphore(%run_scoped3A : memref<!tpu.dma_semaphore, #tpu.memory_space<semaphore_mem>>) src(%arg10 : memref<128x128xf32, #tpu.memory_space<vmem>>) dst(%dma_wait3A_67 : memref<128x128xf32, #tpu.memory_space<vmem_shared>>)
      tpu.yield
    }) : () -> ()
    %mul3A_27 = arith.constant 640 : i32
    %mul3A_28 = arith.muli %arg1, %mul3A_27 : i32
    %add3A_29 = arith.constant 384 : i32
    %add3A_30 = arith.addi %mul3A_28, %add3A_29 : i32
    "tpu.region"() ({
      %run_scoped3A = tpu.sem_alloc : memref<!tpu.dma_semaphore, #tpu.memory_space<semaphore_mem>>
      %dma_start3A_60 = arith.constant 0 : i32
      %dma_start3A_61 = tpu.memref_slice %arg12[%add3A_30, %dma_start3A_60] : memref<10240x128xf32, #tpu.memory_space<vmem_shared>> -> memref<128x128xf32, #tpu.memory_space<vmem_shared>>
      %dma_start3A_62 = arith.constant 0 : i32
      %dma_start3A_63 = tpu.memref_slice %arg12[%add3A_30, %dma_start3A_62] : memref<10240x128xf32, #tpu.memory_space<vmem_shared>> -> memref<128x128xf32, #tpu.memory_space<vmem_shared>>
      tpu.enqueue_dma source(%arg10 : memref<128x128xf32, #tpu.memory_space<vmem>>) target(%dma_start3A_63 : memref<128x128xf32, #tpu.memory_space<vmem_shared>>) target_semaphore(%run_scoped3A : memref<!tpu.dma_semaphore, #tpu.memory_space<semaphore_mem>>)
      %dma_wait3A_64 = arith.constant 0 : i32
      %dma_wait3A_65 = tpu.memref_slice %arg12[%add3A_30, %dma_wait3A_64] : memref<10240x128xf32, #tpu.memory_space<vmem_shared>> -> memref<128x128xf32, #tpu.memory_space<vmem_shared>>
      %dma_wait3A_66 = arith.constant 0 : i32
      %dma_wait3A_67 = tpu.memref_slice %arg12[%add3A_30, %dma_wait3A_66] : memref<10240x128xf32, #tpu.memory_space<vmem_shared>> -> memref<128x128xf32, #tpu.memory_space<vmem_shared>>
      tpu.wait_dma2 semaphore(%run_scoped3A : memref<!tpu.dma_semaphore, #tpu.memory_space<semaphore_mem>>) src(%arg10 : memref<128x128xf32, #tpu.memory_space<vmem>>) dst(%dma_wait3A_67 : memref<128x128xf32, #tpu.memory_space<vmem_shared>>)
      tpu.yield
    }) : () -> ()
    %mul3A_31 = arith.constant 640 : i32
    %mul3A_32 = arith.muli %arg1, %mul3A_31 : i32
    %add3A_33 = arith.constant 512 : i32
    %add3A_34 = arith.addi %mul3A_32, %add3A_33 : i32
    "tpu.region"() ({
      %run_scoped3A = tpu.sem_alloc : memref<!tpu.dma_semaphore, #tpu.memory_space<semaphore_mem>>
      %dma_start3A_60 = arith.constant 0 : i32
      %dma_start3A_61 = tpu.memref_slice %arg12[%add3A_34, %dma_start3A_60] : memref<10240x128xf32, #tpu.memory_space<vmem_shared>> -> memref<128x128xf32, #tpu.memory_space<vmem_shared>>
      %dma_start3A_62 = arith.constant 0 : i32
      %dma_start3A_63 = tpu.memref_slice %arg12[%add3A_34, %dma_start3A_62] : memref<10240x128xf32, #tpu.memory_space<vmem_shared>> -> memref<128x128xf32, #tpu.memory_space<vmem_shared>>
      tpu.enqueue_dma source(%arg10 : memref<128x128xf32, #tpu.memory_space<vmem>>) target(%dma_start3A_63 : memref<128x128xf32, #tpu.memory_space<vmem_shared>>) target_semaphore(%run_scoped3A : memref<!tpu.dma_semaphore, #tpu.memory_space<semaphore_mem>>)
      %dma_wait3A_64 = arith.constant 0 : i32
      %dma_wait3A_65 = tpu.memref_slice %arg12[%add3A_34, %dma_wait3A_64] : memref<10240x128xf32, #tpu.memory_space<vmem_shared>> -> memref<128x128xf32, #tpu.memory_space<vmem_shared>>
      %dma_wait3A_66 = arith.constant 0 : i32
      %dma_wait3A_67 = tpu.memref_slice %arg12[%add3A_34, %dma_wait3A_66] : memref<10240x128xf32, #tpu.memory_space<vmem_shared>> -> memref<128x128xf32, #tpu.memory_space<vmem_shared>>
      tpu.wait_dma2 semaphore(%run_scoped3A : memref<!tpu.dma_semaphore, #tpu.memory_space<semaphore_mem>>) src(%arg10 : memref<128x128xf32, #tpu.memory_space<vmem>>) dst(%dma_wait3A_67 : memref<128x128xf32, #tpu.memory_space<vmem_shared>>)
      tpu.yield
    }) : () -> ()
    %dma_wait3A = arith.constant 0 : i32
    %dma_wait3A_35 = tpu.memref_slice %arg4[%mul3A_1, %dma_wait3A] : memref<1280x128xi32, #tpu.memory_space<hbm>> -> memref<40x128xi32, #tpu.memory_space<hbm>>
    %dma_wait3A_36 = arith.constant 0 : i32
    %dma_wait3A_37 = tpu.memref_slice %arg4[%mul3A_1, %dma_wait3A_36] : memref<1280x128xi32, #tpu.memory_space<hbm>> -> memref<40x128xi32, #tpu.memory_space<hbm>>
    tpu.wait_dma2 semaphore(%arg13 : memref<!tpu.dma_semaphore, #tpu.memory_space<semaphore_mem>>) src(%dma_wait3A_37 : memref<40x128xi32, #tpu.memory_space<hbm>>) dst(%arg8 : memref<40x128xi32, #tpu.memory_space<vmem>>)
    %dma_wait3A_38 = arith.constant 0 : i32
    %dma_wait3A_39 = tpu.memref_slice %arg5[%mul3A_6, %dma_wait3A_38] : memref<1280x128xi32, #tpu.memory_space<hbm>> -> memref<40x128xi32, #tpu.memory_space<hbm>>
    %dma_wait3A_40 = arith.constant 0 : i32
    %dma_wait3A_41 = tpu.memref_slice %arg5[%mul3A_6, %dma_wait3A_40] : memref<1280x128xi32, #tpu.memory_space<hbm>> -> memref<40x128xi32, #tpu.memory_space<hbm>>
    tpu.wait_dma2 semaphore(%arg14 : memref<!tpu.dma_semaphore, #tpu.memory_space<semaphore_mem>>) src(%dma_wait3A_41 : memref<40x128xi32, #tpu.memory_space<hbm>>) dst(%arg9 : memref<40x128xi32, #tpu.memory_space<vmem>>)
    %barrier3A = arith.constant 0 : index
    tpu.barrier barrier_id(%barrier3A)
    %eq3A = arith.constant 0 : i32
    %eq3A_42 = arith.cmpi eq, %arg0, %eq3A : i32
    %convert_element_type3A = arith.extui %eq3A_42 : i1 to i32
    %cond3A = arith.constant 0 : i32
    %cond3A_43 = arith.cmpi ne, %convert_element_type3A, %cond3A : i32
    scf.if %cond3A_43 {
      %scan3A_60 = arith.constant 0 : i32
      %scan3A_61 = arith.constant 0 : i32
      %scan3A_62 = arith.constant 20 : i32
      %scan3A_63 = arith.addi %scan3A_61, %scan3A_62 : i32
      %scan3A_64 = arith.constant 1 : i32
      scf.for %scan3A_80 = %scan3A_61 to %scan3A_63 step %scan3A_64  : i32 {
        %mul3A_81 = arith.constant 2 : i32
        %mul3A_82 = arith.muli %scan3A_80, %mul3A_81 : i32
        %dma_start3A_83 = arith.constant 0 : i32
        %dma_start3A_84 = tpu.memref_slice %arg8[%mul3A_82, %dma_start3A_83] : memref<40x128xi32, #tpu.memory_space<vmem>> -> memref<1x128xi32, #tpu.memory_space<vmem>>
        %dma_start3A_85 = tpu.memref_squeeze %dma_start3A_84 : memref<1x128xi32, #tpu.memory_space<vmem>> -> memref<128xi32, #tpu.memory_space<vmem>>
        %dma_start3A_86 = arith.constant 0 : i32
        %dma_start3A_87 = arith.constant 0 : i32
        %dma_start3A_88 = tpu.memref_slice %arg2[%dma_start3A_86, %dma_start3A_87] : memref<10240x128xf32, #tpu.memory_space<hbm>> -> memref<10240x128xf32, #tpu.memory_space<hbm>>
        tpu.enqueue_indirect_dma source(%dma_start3A_88 : memref<10240x128xf32, #tpu.memory_space<hbm>>) target(%arg10 : memref<128x128xf32, #tpu.memory_space<vmem>>) offsets(%dma_start3A_85 : memref<128xi32, #tpu.memory_space<vmem>>) semaphore(%arg13 : memref<!tpu.dma_semaphore, #tpu.memory_space<semaphore_mem>>)
        %add3A_89 = arith.constant 1 : i32
        %add3A_90 = arith.addi %mul3A_82, %add3A_89 : i32
        %dma_start3A_91 = arith.constant 0 : i32
        %dma_start3A_92 = tpu.memref_slice %arg8[%add3A_90, %dma_start3A_91] : memref<40x128xi32, #tpu.memory_space<vmem>> -> memref<1x128xi32, #tpu.memory_space<vmem>>
        %dma_start3A_93 = tpu.memref_squeeze %dma_start3A_92 : memref<1x128xi32, #tpu.memory_space<vmem>> -> memref<128xi32, #tpu.memory_space<vmem>>
        %dma_start3A_94 = arith.constant 0 : i32
        %dma_start3A_95 = arith.constant 0 : i32
        %dma_start3A_96 = tpu.memref_slice %arg2[%dma_start3A_94, %dma_start3A_95] : memref<10240x128xf32, #tpu.memory_space<hbm>> -> memref<10240x128xf32, #tpu.memory_space<hbm>>
        tpu.enqueue_indirect_dma source(%dma_start3A_96 : memref<10240x128xf32, #tpu.memory_space<hbm>>) target(%arg11 : memref<128x128xf32, #tpu.memory_space<vmem>>) offsets(%dma_start3A_93 : memref<128xi32, #tpu.memory_space<vmem>>) semaphore(%arg14 : memref<!tpu.dma_semaphore, #tpu.memory_space<semaphore_mem>>)
        %dma_wait3A_97 = arith.constant 0 : i32
        %dma_wait3A_98 = tpu.memref_slice %arg8[%mul3A_82, %dma_wait3A_97] : memref<40x128xi32, #tpu.memory_space<vmem>> -> memref<1x128xi32, #tpu.memory_space<vmem>>
        %dma_wait3A_99 = tpu.memref_squeeze %dma_wait3A_98 : memref<1x128xi32, #tpu.memory_space<vmem>> -> memref<128xi32, #tpu.memory_space<vmem>>
        %dma_wait3A_100 = arith.constant 0 : i32
        %dma_wait3A_101 = arith.constant 0 : i32
        %dma_wait3A_102 = tpu.memref_slice %arg2[%dma_wait3A_100, %dma_wait3A_101] : memref<10240x128xf32, #tpu.memory_space<hbm>> -> memref<10240x128xf32, #tpu.memory_space<hbm>>
        tpu.wait_indirect_dma semaphore(%arg13 : memref<!tpu.dma_semaphore, #tpu.memory_space<semaphore_mem>>) src(%dma_wait3A_102 : memref<10240x128xf32, #tpu.memory_space<hbm>>) dst(%arg10 : memref<128x128xf32, #tpu.memory_space<vmem>>)
        "tpu.region"() ({
          %run_scoped3A = tpu.sem_alloc : memref<!tpu.dma_semaphore, #tpu.memory_space<semaphore_mem>>
          %dma_start3A_111 = arith.constant 0 : i32
          %dma_start3A_112 = tpu.memref_slice %arg9[%mul3A_82, %dma_start3A_111] : memref<40x128xi32, #tpu.memory_space<vmem>> -> memref<1x128xi32, #tpu.memory_space<vmem>>
          %dma_start3A_113 = tpu.memref_squeeze %dma_start3A_112 : memref<1x128xi32, #tpu.memory_space<vmem>> -> memref<128xi32, #tpu.memory_space<vmem>>
          %dma_start3A_114 = arith.constant 0 : i32
          %dma_start3A_115 = arith.constant 0 : i32
          %dma_start3A_116 = tpu.memref_slice %arg12[%dma_start3A_114, %dma_start3A_115] : memref<10240x128xf32, #tpu.memory_space<vmem_shared>> -> memref<10240x128xf32, #tpu.memory_space<vmem_shared>>
          tpu.enqueue_indirect_dma source(%arg10 : memref<128x128xf32, #tpu.memory_space<vmem>>) target(%dma_start3A_116 : memref<10240x128xf32, #tpu.memory_space<vmem_shared>>) offsets(%dma_start3A_113 : memref<128xi32, #tpu.memory_space<vmem>>) semaphore(%run_scoped3A : memref<!tpu.dma_semaphore, #tpu.memory_space<semaphore_mem>>) {add = true}
          %dma_wait3A_117 = arith.constant 0 : i32
          %dma_wait3A_118 = tpu.memref_slice %arg9[%mul3A_82, %dma_wait3A_117] : memref<40x128xi32, #tpu.memory_space<vmem>> -> memref<1x128xi32, #tpu.memory_space<vmem>>
          %dma_wait3A_119 = tpu.memref_squeeze %dma_wait3A_118 : memref<1x128xi32, #tpu.memory_space<vmem>> -> memref<128xi32, #tpu.memory_space<vmem>>
          %dma_wait3A_120 = arith.constant 0 : i32
          %dma_wait3A_121 = arith.constant 0 : i32
          %dma_wait3A_122 = tpu.memref_slice %arg12[%dma_wait3A_120, %dma_wait3A_121] : memref<10240x128xf32, #tpu.memory_space<vmem_shared>> -> memref<10240x128xf32, #tpu.memory_space<vmem_shared>>
          tpu.wait_indirect_dma semaphore(%run_scoped3A : memref<!tpu.dma_semaphore, #tpu.memory_space<semaphore_mem>>) src(%arg10 : memref<128x128xf32, #tpu.memory_space<vmem>>) dst(%dma_wait3A_122 : memref<10240x128xf32, #tpu.memory_space<vmem_shared>>)
          tpu.yield
        }) : () -> ()
        %dma_wait3A_103 = arith.constant 0 : i32
        %dma_wait3A_104 = tpu.memref_slice %arg8[%add3A_90, %dma_wait3A_103] : memref<40x128xi32, #tpu.memory_space<vmem>> -> memref<1x128xi32, #tpu.memory_space<vmem>>
        %dma_wait3A_105 = tpu.memref_squeeze %dma_wait3A_104 : memref<1x128xi32, #tpu.memory_space<vmem>> -> memref<128xi32, #tpu.memory_space<vmem>>
        %dma_wait3A_106 = arith.constant 0 : i32
        %dma_wait3A_107 = arith.constant 0 : i32
        %dma_wait3A_108 = tpu.memref_slice %arg2[%dma_wait3A_106, %dma_wait3A_107] : memref<10240x128xf32, #tpu.memory_space<hbm>> -> memref<10240x128xf32, #tpu.memory_space<hbm>>
        tpu.wait_indirect_dma semaphore(%arg14 : memref<!tpu.dma_semaphore, #tpu.memory_space<semaphore_mem>>) src(%dma_wait3A_108 : memref<10240x128xf32, #tpu.memory_space<hbm>>) dst(%arg11 : memref<128x128xf32, #tpu.memory_space<vmem>>)
        %add3A_109 = arith.constant 1 : i32
        %add3A_110 = arith.addi %mul3A_82, %add3A_109 : i32
        "tpu.region"() ({
          %run_scoped3A = tpu.sem_alloc : memref<!tpu.dma_semaphore, #tpu.memory_space<semaphore_mem>>
          %dma_start3A_111 = arith.constant 0 : i32
          %dma_start3A_112 = tpu.memref_slice %arg9[%add3A_110, %dma_start3A_111] : memref<40x128xi32, #tpu.memory_space<vmem>> -> memref<1x128xi32, #tpu.memory_space<vmem>>
          %dma_start3A_113 = tpu.memref_squeeze %dma_start3A_112 : memref<1x128xi32, #tpu.memory_space<vmem>> -> memref<128xi32, #tpu.memory_space<vmem>>
          %dma_start3A_114 = arith.constant 0 : i32
          %dma_start3A_115 = arith.constant 0 : i32
          %dma_start3A_116 = tpu.memref_slice %arg12[%dma_start3A_114, %dma_start3A_115] : memref<10240x128xf32, #tpu.memory_space<vmem_shared>> -> memref<10240x128xf32, #tpu.memory_space<vmem_shared>>
          tpu.enqueue_indirect_dma source(%arg11 : memref<128x128xf32, #tpu.memory_space<vmem>>) target(%dma_start3A_116 : memref<10240x128xf32, #tpu.memory_space<vmem_shared>>) offsets(%dma_start3A_113 : memref<128xi32, #tpu.memory_space<vmem>>) semaphore(%run_scoped3A : memref<!tpu.dma_semaphore, #tpu.memory_space<semaphore_mem>>) {add = true}
          %dma_wait3A_117 = arith.constant 0 : i32
          %dma_wait3A_118 = tpu.memref_slice %arg9[%add3A_110, %dma_wait3A_117] : memref<40x128xi32, #tpu.memory_space<vmem>> -> memref<1x128xi32, #tpu.memory_space<vmem>>
          %dma_wait3A_119 = tpu.memref_squeeze %dma_wait3A_118 : memref<1x128xi32, #tpu.memory_space<vmem>> -> memref<128xi32, #tpu.memory_space<vmem>>
          %dma_wait3A_120 = arith.constant 0 : i32
          %dma_wait3A_121 = arith.constant 0 : i32
          %dma_wait3A_122 = tpu.memref_slice %arg12[%dma_wait3A_120, %dma_wait3A_121] : memref<10240x128xf32, #tpu.memory_space<vmem_shared>> -> memref<10240x128xf32, #tpu.memory_space<vmem_shared>>
          tpu.wait_indirect_dma semaphore(%run_scoped3A : memref<!tpu.dma_semaphore, #tpu.memory_space<semaphore_mem>>) src(%arg11 : memref<128x128xf32, #tpu.memory_space<vmem>>) dst(%dma_wait3A_122 : memref<10240x128xf32, #tpu.memory_space<vmem_shared>>)
          tpu.yield
        }) : () -> ()
      }
      %scan3A_65 = arith.constant 20 : i32
      %mul3A_66 = arith.constant 80 : i32
      %mul3A_67 = arith.muli %arg1, %mul3A_66 : i32
      %add3A_68 = arith.constant 40 : i32
      %add3A_69 = arith.addi %mul3A_67, %add3A_68 : i32
      "tpu.region"() ({
        %run_scoped3A = tpu.sem_alloc : memref<!tpu.dma_semaphore, #tpu.memory_space<semaphore_mem>>
        %dma_start3A_80 = arith.constant 0 : i32
        %dma_start3A_81 = tpu.memref_slice %arg4[%add3A_69, %dma_start3A_80] : memref<1280x128xi32, #tpu.memory_space<hbm>> -> memref<40x128xi32, #tpu.memory_space<hbm>>
        %dma_start3A_82 = arith.constant 0 : i32
        %dma_start3A_83 = tpu.memref_slice %arg4[%add3A_69, %dma_start3A_82] : memref<1280x128xi32, #tpu.memory_space<hbm>> -> memref<40x128xi32, #tpu.memory_space<hbm>>
        tpu.enqueue_dma source(%dma_start3A_83 : memref<40x128xi32, #tpu.memory_space<hbm>>) target(%arg8 : memref<40x128xi32, #tpu.memory_space<vmem>>) target_semaphore(%run_scoped3A : memref<!tpu.dma_semaphore, #tpu.memory_space<semaphore_mem>>)
        %dma_wait3A_84 = arith.constant 0 : i32
        %dma_wait3A_85 = tpu.memref_slice %arg4[%add3A_69, %dma_wait3A_84] : memref<1280x128xi32, #tpu.memory_space<hbm>> -> memref<40x128xi32, #tpu.memory_space<hbm>>
        %dma_wait3A_86 = arith.constant 0 : i32
        %dma_wait3A_87 = tpu.memref_slice %arg4[%add3A_69, %dma_wait3A_86] : memref<1280x128xi32, #tpu.memory_space<hbm>> -> memref<40x128xi32, #tpu.memory_space<hbm>>
        tpu.wait_dma2 semaphore(%run_scoped3A : memref<!tpu.dma_semaphore, #tpu.memory_space<semaphore_mem>>) src(%dma_wait3A_87 : memref<40x128xi32, #tpu.memory_space<hbm>>) dst(%arg8 : memref<40x128xi32, #tpu.memory_space<vmem>>)
        tpu.yield
      }) : () -> ()
      %mul3A_70 = arith.constant 80 : i32
      %mul3A_71 = arith.muli %arg1, %mul3A_70 : i32
      %add3A_72 = arith.constant 40 : i32
      %add3A_73 = arith.addi %mul3A_71, %add3A_72 : i32
      "tpu.region"() ({
        %run_scoped3A = tpu.sem_alloc : memref<!tpu.dma_semaphore, #tpu.memory_space<semaphore_mem>>
        %dma_start3A_80 = arith.constant 0 : i32
        %dma_start3A_81 = tpu.memref_slice %arg5[%add3A_73, %dma_start3A_80] : memref<1280x128xi32, #tpu.memory_space<hbm>> -> memref<40x128xi32, #tpu.memory_space<hbm>>
        %dma_start3A_82 = arith.constant 0 : i32
        %dma_start3A_83 = tpu.memref_slice %arg5[%add3A_73, %dma_start3A_82] : memref<1280x128xi32, #tpu.memory_space<hbm>> -> memref<40x128xi32, #tpu.memory_space<hbm>>
        tpu.enqueue_dma source(%dma_start3A_83 : memref<40x128xi32, #tpu.memory_space<hbm>>) target(%arg9 : memref<40x128xi32, #tpu.memory_space<vmem>>) target_semaphore(%run_scoped3A : memref<!tpu.dma_semaphore, #tpu.memory_space<semaphore_mem>>)
        %dma_wait3A_84 = arith.constant 0 : i32
        %dma_wait3A_85 = tpu.memref_slice %arg5[%add3A_73, %dma_wait3A_84] : memref<1280x128xi32, #tpu.memory_space<hbm>> -> memref<40x128xi32, #tpu.memory_space<hbm>>
        %dma_wait3A_86 = arith.constant 0 : i32
        %dma_wait3A_87 = tpu.memref_slice %arg5[%add3A_73, %dma_wait3A_86] : memref<1280x128xi32, #tpu.memory_space<hbm>> -> memref<40x128xi32, #tpu.memory_space<hbm>>
        tpu.wait_dma2 semaphore(%run_scoped3A : memref<!tpu.dma_semaphore, #tpu.memory_space<semaphore_mem>>) src(%dma_wait3A_87 : memref<40x128xi32, #tpu.memory_space<hbm>>) dst(%arg9 : memref<40x128xi32, #tpu.memory_space<vmem>>)
        tpu.yield
      }) : () -> ()
      %scan3A_74 = arith.constant 0 : i32
      %scan3A_75 = arith.constant 0 : i32
      %scan3A_76 = arith.constant 20 : i32
      %scan3A_77 = arith.addi %scan3A_75, %scan3A_76 : i32
      %scan3A_78 = arith.constant 1 : i32
      scf.for %scan3A_80 = %scan3A_75 to %scan3A_77 step %scan3A_78  : i32 {
        %mul3A_81 = arith.constant 2 : i32
        %mul3A_82 = arith.muli %scan3A_80, %mul3A_81 : i32
        %dma_start3A_83 = arith.constant 0 : i32
        %dma_start3A_84 = tpu.memref_slice %arg8[%mul3A_82, %dma_start3A_83] : memref<40x128xi32, #tpu.memory_space<vmem>> -> memref<1x128xi32, #tpu.memory_space<vmem>>
        %dma_start3A_85 = tpu.memref_squeeze %dma_start3A_84 : memref<1x128xi32, #tpu.memory_space<vmem>> -> memref<128xi32, #tpu.memory_space<vmem>>
        %dma_start3A_86 = arith.constant 0 : i32
        %dma_start3A_87 = arith.constant 0 : i32
        %dma_start3A_88 = tpu.memref_slice %arg2[%dma_start3A_86, %dma_start3A_87] : memref<10240x128xf32, #tpu.memory_space<hbm>> -> memref<10240x128xf32, #tpu.memory_space<hbm>>
        tpu.enqueue_indirect_dma source(%dma_start3A_88 : memref<10240x128xf32, #tpu.memory_space<hbm>>) target(%arg10 : memref<128x128xf32, #tpu.memory_space<vmem>>) offsets(%dma_start3A_85 : memref<128xi32, #tpu.memory_space<vmem>>) semaphore(%arg13 : memref<!tpu.dma_semaphore, #tpu.memory_space<semaphore_mem>>)
        %add3A_89 = arith.constant 1 : i32
        %add3A_90 = arith.addi %mul3A_82, %add3A_89 : i32
        %dma_start3A_91 = arith.constant 0 : i32
        %dma_start3A_92 = tpu.memref_slice %arg8[%add3A_90, %dma_start3A_91] : memref<40x128xi32, #tpu.memory_space<vmem>> -> memref<1x128xi32, #tpu.memory_space<vmem>>
        %dma_start3A_93 = tpu.memref_squeeze %dma_start3A_92 : memref<1x128xi32, #tpu.memory_space<vmem>> -> memref<128xi32, #tpu.memory_space<vmem>>
        %dma_start3A_94 = arith.constant 0 : i32
        %dma_start3A_95 = arith.constant 0 : i32
        %dma_start3A_96 = tpu.memref_slice %arg2[%dma_start3A_94, %dma_start3A_95] : memref<10240x128xf32, #tpu.memory_space<hbm>> -> memref<10240x128xf32, #tpu.memory_space<hbm>>
        tpu.enqueue_indirect_dma source(%dma_start3A_96 : memref<10240x128xf32, #tpu.memory_space<hbm>>) target(%arg11 : memref<128x128xf32, #tpu.memory_space<vmem>>) offsets(%dma_start3A_93 : memref<128xi32, #tpu.memory_space<vmem>>) semaphore(%arg14 : memref<!tpu.dma_semaphore, #tpu.memory_space<semaphore_mem>>)
        %dma_wait3A_97 = arith.constant 0 : i32
        %dma_wait3A_98 = tpu.memref_slice %arg8[%mul3A_82, %dma_wait3A_97] : memref<40x128xi32, #tpu.memory_space<vmem>> -> memref<1x128xi32, #tpu.memory_space<vmem>>
        %dma_wait3A_99 = tpu.memref_squeeze %dma_wait3A_98 : memref<1x128xi32, #tpu.memory_space<vmem>> -> memref<128xi32, #tpu.memory_space<vmem>>
        %dma_wait3A_100 = arith.constant 0 : i32
        %dma_wait3A_101 = arith.constant 0 : i32
        %dma_wait3A_102 = tpu.memref_slice %arg2[%dma_wait3A_100, %dma_wait3A_101] : memref<10240x128xf32, #tpu.memory_space<hbm>> -> memref<10240x128xf32, #tpu.memory_space<hbm>>
        tpu.wait_indirect_dma semaphore(%arg13 : memref<!tpu.dma_semaphore, #tpu.memory_space<semaphore_mem>>) src(%dma_wait3A_102 : memref<10240x128xf32, #tpu.memory_space<hbm>>) dst(%arg10 : memref<128x128xf32, #tpu.memory_space<vmem>>)
        "tpu.region"() ({
          %run_scoped3A = tpu.sem_alloc : memref<!tpu.dma_semaphore, #tpu.memory_space<semaphore_mem>>
          %dma_start3A_111 = arith.constant 0 : i32
          %dma_start3A_112 = tpu.memref_slice %arg9[%mul3A_82, %dma_start3A_111] : memref<40x128xi32, #tpu.memory_space<vmem>> -> memref<1x128xi32, #tpu.memory_space<vmem>>
          %dma_start3A_113 = tpu.memref_squeeze %dma_start3A_112 : memref<1x128xi32, #tpu.memory_space<vmem>> -> memref<128xi32, #tpu.memory_space<vmem>>
          %dma_start3A_114 = arith.constant 0 : i32
          %dma_start3A_115 = arith.constant 0 : i32
          %dma_start3A_116 = tpu.memref_slice %arg12[%dma_start3A_114, %dma_start3A_115] : memref<10240x128xf32, #tpu.memory_space<vmem_shared>> -> memref<10240x128xf32, #tpu.memory_space<vmem_shared>>
          tpu.enqueue_indirect_dma source(%arg10 : memref<128x128xf32, #tpu.memory_space<vmem>>) target(%dma_start3A_116 : memref<10240x128xf32, #tpu.memory_space<vmem_shared>>) offsets(%dma_start3A_113 : memref<128xi32, #tpu.memory_space<vmem>>) semaphore(%run_scoped3A : memref<!tpu.dma_semaphore, #tpu.memory_space<semaphore_mem>>) {add = true}
          %dma_wait3A_117 = arith.constant 0 : i32
          %dma_wait3A_118 = tpu.memref_slice %arg9[%mul3A_82, %dma_wait3A_117] : memref<40x128xi32, #tpu.memory_space<vmem>> -> memref<1x128xi32, #tpu.memory_space<vmem>>
          %dma_wait3A_119 = tpu.memref_squeeze %dma_wait3A_118 : memref<1x128xi32, #tpu.memory_space<vmem>> -> memref<128xi32, #tpu.memory_space<vmem>>
          %dma_wait3A_120 = arith.constant 0 : i32
          %dma_wait3A_121 = arith.constant 0 : i32
          %dma_wait3A_122 = tpu.memref_slice %arg12[%dma_wait3A_120, %dma_wait3A_121] : memref<10240x128xf32, #tpu.memory_space<vmem_shared>> -> memref<10240x128xf32, #tpu.memory_space<vmem_shared>>
          tpu.wait_indirect_dma semaphore(%run_scoped3A : memref<!tpu.dma_semaphore, #tpu.memory_space<semaphore_mem>>) src(%arg10 : memref<128x128xf32, #tpu.memory_space<vmem>>) dst(%dma_wait3A_122 : memref<10240x128xf32, #tpu.memory_space<vmem_shared>>)
          tpu.yield
        }) : () -> ()
        %dma_wait3A_103 = arith.constant 0 : i32
        %dma_wait3A_104 = tpu.memref_slice %arg8[%add3A_90, %dma_wait3A_103] : memref<40x128xi32, #tpu.memory_space<vmem>> -> memref<1x128xi32, #tpu.memory_space<vmem>>
        %dma_wait3A_105 = tpu.memref_squeeze %dma_wait3A_104 : memref<1x128xi32, #tpu.memory_space<vmem>> -> memref<128xi32, #tpu.memory_space<vmem>>
        %dma_wait3A_106 = arith.constant 0 : i32
        %dma_wait3A_107 = arith.constant 0 : i32
        %dma_wait3A_108 = tpu.memref_slice %arg2[%dma_wait3A_106, %dma_wait3A_107] : memref<10240x128xf32, #tpu.memory_space<hbm>> -> memref<10240x128xf32, #tpu.memory_space<hbm>>
        tpu.wait_indirect_dma semaphore(%arg14 : memref<!tpu.dma_semaphore, #tpu.memory_space<semaphore_mem>>) src(%dma_wait3A_108 : memref<10240x128xf32, #tpu.memory_space<hbm>>) dst(%arg11 : memref<128x128xf32, #tpu.memory_space<vmem>>)
        %add3A_109 = arith.constant 1 : i32
        %add3A_110 = arith.addi %mul3A_82, %add3A_109 : i32
        "tpu.region"() ({
          %run_scoped3A = tpu.sem_alloc : memref<!tpu.dma_semaphore, #tpu.memory_space<semaphore_mem>>
          %dma_start3A_111 = arith.constant 0 : i32
          %dma_start3A_112 = tpu.memref_slice %arg9[%add3A_110, %dma_start3A_111] : memref<40x128xi32, #tpu.memory_space<vmem>> -> memref<1x128xi32, #tpu.memory_space<vmem>>
          %dma_start3A_113 = tpu.memref_squeeze %dma_start3A_112 : memref<1x128xi32, #tpu.memory_space<vmem>> -> memref<128xi32, #tpu.memory_space<vmem>>
          %dma_start3A_114 = arith.constant 0 : i32
          %dma_start3A_115 = arith.constant 0 : i32
          %dma_start3A_116 = tpu.memref_slice %arg12[%dma_start3A_114, %dma_start3A_115] : memref<10240x128xf32, #tpu.memory_space<vmem_shared>> -> memref<10240x128xf32, #tpu.memory_space<vmem_shared>>
          tpu.enqueue_indirect_dma source(%arg11 : memref<128x128xf32, #tpu.memory_space<vmem>>) target(%dma_start3A_116 : memref<10240x128xf32, #tpu.memory_space<vmem_shared>>) offsets(%dma_start3A_113 : memref<128xi32, #tpu.memory_space<vmem>>) semaphore(%run_scoped3A : memref<!tpu.dma_semaphore, #tpu.memory_space<semaphore_mem>>) {add = true}
          %dma_wait3A_117 = arith.constant 0 : i32
          %dma_wait3A_118 = tpu.memref_slice %arg9[%add3A_110, %dma_wait3A_117] : memref<40x128xi32, #tpu.memory_space<vmem>> -> memref<1x128xi32, #tpu.memory_space<vmem>>
          %dma_wait3A_119 = tpu.memref_squeeze %dma_wait3A_118 : memref<1x128xi32, #tpu.memory_space<vmem>> -> memref<128xi32, #tpu.memory_space<vmem>>
          %dma_wait3A_120 = arith.constant 0 : i32
          %dma_wait3A_121 = arith.constant 0 : i32
          %dma_wait3A_122 = tpu.memref_slice %arg12[%dma_wait3A_120, %dma_wait3A_121] : memref<10240x128xf32, #tpu.memory_space<vmem_shared>> -> memref<10240x128xf32, #tpu.memory_space<vmem_shared>>
          tpu.wait_indirect_dma semaphore(%run_scoped3A : memref<!tpu.dma_semaphore, #tpu.memory_space<semaphore_mem>>) src(%arg11 : memref<128x128xf32, #tpu.memory_space<vmem>>) dst(%dma_wait3A_122 : memref<10240x128xf32, #tpu.memory_space<vmem_shared>>)
          tpu.yield
        }) : () -> ()
      }
      %scan3A_79 = arith.constant 20 : i32
    } else {
    }
    %eq3A_44 = arith.constant 1 : i32
    %eq3A_45 = arith.cmpi eq, %arg0, %eq3A_44 : i32
    %convert_element_type3A_46 = arith.extui %eq3A_45 : i1 to i32
    %cond3A_47 = arith.constant 0 : i32
    %cond3A_48 = arith.cmpi ne, %convert_element_type3A_46, %cond3A_47 : i32
    scf.if %cond3A_48 {
      %scan3A_60 = arith.constant 0 : i32
      %scan3A_61 = arith.constant 0 : i32
      %scan3A_62 = arith.constant 20 : i32
      %scan3A_63 = arith.addi %scan3A_61, %scan3A_62 : i32
      %scan3A_64 = arith.constant 1 : i32
      scf.for %scan3A_80 = %scan3A_61 to %scan3A_63 step %scan3A_64  : i32 {
        %mul3A_81 = arith.constant 2 : i32
        %mul3A_82 = arith.muli %scan3A_80, %mul3A_81 : i32
        %dma_start3A_83 = arith.constant 0 : i32
        %dma_start3A_84 = tpu.memref_slice %arg8[%mul3A_82, %dma_start3A_83] : memref<40x128xi32, #tpu.memory_space<vmem>> -> memref<1x128xi32, #tpu.memory_space<vmem>>
        %dma_start3A_85 = tpu.memref_squeeze %dma_start3A_84 : memref<1x128xi32, #tpu.memory_space<vmem>> -> memref<128xi32, #tpu.memory_space<vmem>>
        %dma_start3A_86 = arith.constant 0 : i32
        %dma_start3A_87 = arith.constant 0 : i32
        %dma_start3A_88 = tpu.memref_slice %arg3[%dma_start3A_86, %dma_start3A_87] : memref<10240x128xf32, #tpu.memory_space<hbm>> -> memref<10240x128xf32, #tpu.memory_space<hbm>>
        tpu.enqueue_indirect_dma source(%dma_start3A_88 : memref<10240x128xf32, #tpu.memory_space<hbm>>) target(%arg10 : memref<128x128xf32, #tpu.memory_space<vmem>>) offsets(%dma_start3A_85 : memref<128xi32, #tpu.memory_space<vmem>>) semaphore(%arg13 : memref<!tpu.dma_semaphore, #tpu.memory_space<semaphore_mem>>)
        %add3A_89 = arith.constant 1 : i32
        %add3A_90 = arith.addi %mul3A_82, %add3A_89 : i32
        %dma_start3A_91 = arith.constant 0 : i32
        %dma_start3A_92 = tpu.memref_slice %arg8[%add3A_90, %dma_start3A_91] : memref<40x128xi32, #tpu.memory_space<vmem>> -> memref<1x128xi32, #tpu.memory_space<vmem>>
        %dma_start3A_93 = tpu.memref_squeeze %dma_start3A_92 : memref<1x128xi32, #tpu.memory_space<vmem>> -> memref<128xi32, #tpu.memory_space<vmem>>
        %dma_start3A_94 = arith.constant 0 : i32
        %dma_start3A_95 = arith.constant 0 : i32
        %dma_start3A_96 = tpu.memref_slice %arg3[%dma_start3A_94, %dma_start3A_95] : memref<10240x128xf32, #tpu.memory_space<hbm>> -> memref<10240x128xf32, #tpu.memory_space<hbm>>
        tpu.enqueue_indirect_dma source(%dma_start3A_96 : memref<10240x128xf32, #tpu.memory_space<hbm>>) target(%arg11 : memref<128x128xf32, #tpu.memory_space<vmem>>) offsets(%dma_start3A_93 : memref<128xi32, #tpu.memory_space<vmem>>) semaphore(%arg14 : memref<!tpu.dma_semaphore, #tpu.memory_space<semaphore_mem>>)
        %dma_wait3A_97 = arith.constant 0 : i32
        %dma_wait3A_98 = tpu.memref_slice %arg8[%mul3A_82, %dma_wait3A_97] : memref<40x128xi32, #tpu.memory_space<vmem>> -> memref<1x128xi32, #tpu.memory_space<vmem>>
        %dma_wait3A_99 = tpu.memref_squeeze %dma_wait3A_98 : memref<1x128xi32, #tpu.memory_space<vmem>> -> memref<128xi32, #tpu.memory_space<vmem>>
        %dma_wait3A_100 = arith.constant 0 : i32
        %dma_wait3A_101 = arith.constant 0 : i32
        %dma_wait3A_102 = tpu.memref_slice %arg3[%dma_wait3A_100, %dma_wait3A_101] : memref<10240x128xf32, #tpu.memory_space<hbm>> -> memref<10240x128xf32, #tpu.memory_space<hbm>>
        tpu.wait_indirect_dma semaphore(%arg13 : memref<!tpu.dma_semaphore, #tpu.memory_space<semaphore_mem>>) src(%dma_wait3A_102 : memref<10240x128xf32, #tpu.memory_space<hbm>>) dst(%arg10 : memref<128x128xf32, #tpu.memory_space<vmem>>)
        "tpu.region"() ({
          %run_scoped3A = tpu.sem_alloc : memref<!tpu.dma_semaphore, #tpu.memory_space<semaphore_mem>>
          %dma_start3A_111 = arith.constant 0 : i32
          %dma_start3A_112 = tpu.memref_slice %arg9[%mul3A_82, %dma_start3A_111] : memref<40x128xi32, #tpu.memory_space<vmem>> -> memref<1x128xi32, #tpu.memory_space<vmem>>
          %dma_start3A_113 = tpu.memref_squeeze %dma_start3A_112 : memref<1x128xi32, #tpu.memory_space<vmem>> -> memref<128xi32, #tpu.memory_space<vmem>>
          %dma_start3A_114 = arith.constant 0 : i32
          %dma_start3A_115 = arith.constant 0 : i32
          %dma_start3A_116 = tpu.memref_slice %arg12[%dma_start3A_114, %dma_start3A_115] : memref<10240x128xf32, #tpu.memory_space<vmem_shared>> -> memref<10240x128xf32, #tpu.memory_space<vmem_shared>>
          tpu.enqueue_indirect_dma source(%arg10 : memref<128x128xf32, #tpu.memory_space<vmem>>) target(%dma_start3A_116 : memref<10240x128xf32, #tpu.memory_space<vmem_shared>>) offsets(%dma_start3A_113 : memref<128xi32, #tpu.memory_space<vmem>>) semaphore(%run_scoped3A : memref<!tpu.dma_semaphore, #tpu.memory_space<semaphore_mem>>) {add = true}
          %dma_wait3A_117 = arith.constant 0 : i32
          %dma_wait3A_118 = tpu.memref_slice %arg9[%mul3A_82, %dma_wait3A_117] : memref<40x128xi32, #tpu.memory_space<vmem>> -> memref<1x128xi32, #tpu.memory_space<vmem>>
          %dma_wait3A_119 = tpu.memref_squeeze %dma_wait3A_118 : memref<1x128xi32, #tpu.memory_space<vmem>> -> memref<128xi32, #tpu.memory_space<vmem>>
          %dma_wait3A_120 = arith.constant 0 : i32
          %dma_wait3A_121 = arith.constant 0 : i32
          %dma_wait3A_122 = tpu.memref_slice %arg12[%dma_wait3A_120, %dma_wait3A_121] : memref<10240x128xf32, #tpu.memory_space<vmem_shared>> -> memref<10240x128xf32, #tpu.memory_space<vmem_shared>>
          tpu.wait_indirect_dma semaphore(%run_scoped3A : memref<!tpu.dma_semaphore, #tpu.memory_space<semaphore_mem>>) src(%arg10 : memref<128x128xf32, #tpu.memory_space<vmem>>) dst(%dma_wait3A_122 : memref<10240x128xf32, #tpu.memory_space<vmem_shared>>)
          tpu.yield
        }) : () -> ()
        %dma_wait3A_103 = arith.constant 0 : i32
        %dma_wait3A_104 = tpu.memref_slice %arg8[%add3A_90, %dma_wait3A_103] : memref<40x128xi32, #tpu.memory_space<vmem>> -> memref<1x128xi32, #tpu.memory_space<vmem>>
        %dma_wait3A_105 = tpu.memref_squeeze %dma_wait3A_104 : memref<1x128xi32, #tpu.memory_space<vmem>> -> memref<128xi32, #tpu.memory_space<vmem>>
        %dma_wait3A_106 = arith.constant 0 : i32
        %dma_wait3A_107 = arith.constant 0 : i32
        %dma_wait3A_108 = tpu.memref_slice %arg3[%dma_wait3A_106, %dma_wait3A_107] : memref<10240x128xf32, #tpu.memory_space<hbm>> -> memref<10240x128xf32, #tpu.memory_space<hbm>>
        tpu.wait_indirect_dma semaphore(%arg14 : memref<!tpu.dma_semaphore, #tpu.memory_space<semaphore_mem>>) src(%dma_wait3A_108 : memref<10240x128xf32, #tpu.memory_space<hbm>>) dst(%arg11 : memref<128x128xf32, #tpu.memory_space<vmem>>)
        %add3A_109 = arith.constant 1 : i32
        %add3A_110 = arith.addi %mul3A_82, %add3A_109 : i32
        "tpu.region"() ({
          %run_scoped3A = tpu.sem_alloc : memref<!tpu.dma_semaphore, #tpu.memory_space<semaphore_mem>>
          %dma_start3A_111 = arith.constant 0 : i32
          %dma_start3A_112 = tpu.memref_slice %arg9[%add3A_110, %dma_start3A_111] : memref<40x128xi32, #tpu.memory_space<vmem>> -> memref<1x128xi32, #tpu.memory_space<vmem>>
          %dma_start3A_113 = tpu.memref_squeeze %dma_start3A_112 : memref<1x128xi32, #tpu.memory_space<vmem>> -> memref<128xi32, #tpu.memory_space<vmem>>
          %dma_start3A_114 = arith.constant 0 : i32
          %dma_start3A_115 = arith.constant 0 : i32
          %dma_start3A_116 = tpu.memref_slice %arg12[%dma_start3A_114, %dma_start3A_115] : memref<10240x128xf32, #tpu.memory_space<vmem_shared>> -> memref<10240x128xf32, #tpu.memory_space<vmem_shared>>
          tpu.enqueue_indirect_dma source(%arg11 : memref<128x128xf32, #tpu.memory_space<vmem>>) target(%dma_start3A_116 : memref<10240x128xf32, #tpu.memory_space<vmem_shared>>) offsets(%dma_start3A_113 : memref<128xi32, #tpu.memory_space<vmem>>) semaphore(%run_scoped3A : memref<!tpu.dma_semaphore, #tpu.memory_space<semaphore_mem>>) {add = true}
          %dma_wait3A_117 = arith.constant 0 : i32
          %dma_wait3A_118 = tpu.memref_slice %arg9[%add3A_110, %dma_wait3A_117] : memref<40x128xi32, #tpu.memory_space<vmem>> -> memref<1x128xi32, #tpu.memory_space<vmem>>
          %dma_wait3A_119 = tpu.memref_squeeze %dma_wait3A_118 : memref<1x128xi32, #tpu.memory_space<vmem>> -> memref<128xi32, #tpu.memory_space<vmem>>
          %dma_wait3A_120 = arith.constant 0 : i32
          %dma_wait3A_121 = arith.constant 0 : i32
          %dma_wait3A_122 = tpu.memref_slice %arg12[%dma_wait3A_120, %dma_wait3A_121] : memref<10240x128xf32, #tpu.memory_space<vmem_shared>> -> memref<10240x128xf32, #tpu.memory_space<vmem_shared>>
          tpu.wait_indirect_dma semaphore(%run_scoped3A : memref<!tpu.dma_semaphore, #tpu.memory_space<semaphore_mem>>) src(%arg11 : memref<128x128xf32, #tpu.memory_space<vmem>>) dst(%dma_wait3A_122 : memref<10240x128xf32, #tpu.memory_space<vmem_shared>>)
          tpu.yield
        }) : () -> ()
      }
      %scan3A_65 = arith.constant 20 : i32
      %mul3A_66 = arith.constant 80 : i32
      %mul3A_67 = arith.muli %arg1, %mul3A_66 : i32
      %add3A_68 = arith.constant 40 : i32
      %add3A_69 = arith.addi %mul3A_67, %add3A_68 : i32
      "tpu.region"() ({
        %run_scoped3A = tpu.sem_alloc : memref<!tpu.dma_semaphore, #tpu.memory_space<semaphore_mem>>
        %dma_start3A_80 = arith.constant 0 : i32
        %dma_start3A_81 = tpu.memref_slice %arg4[%add3A_69, %dma_start3A_80] : memref<1280x128xi32, #tpu.memory_space<hbm>> -> memref<40x128xi32, #tpu.memory_space<hbm>>
        %dma_start3A_82 = arith.constant 0 : i32
        %dma_start3A_83 = tpu.memref_slice %arg4[%add3A_69, %dma_start3A_82] : memref<1280x128xi32, #tpu.memory_space<hbm>> -> memref<40x128xi32, #tpu.memory_space<hbm>>
        tpu.enqueue_dma source(%dma_start3A_83 : memref<40x128xi32, #tpu.memory_space<hbm>>) target(%arg8 : memref<40x128xi32, #tpu.memory_space<vmem>>) target_semaphore(%run_scoped3A : memref<!tpu.dma_semaphore, #tpu.memory_space<semaphore_mem>>)
        %dma_wait3A_84 = arith.constant 0 : i32
        %dma_wait3A_85 = tpu.memref_slice %arg4[%add3A_69, %dma_wait3A_84] : memref<1280x128xi32, #tpu.memory_space<hbm>> -> memref<40x128xi32, #tpu.memory_space<hbm>>
        %dma_wait3A_86 = arith.constant 0 : i32
        %dma_wait3A_87 = tpu.memref_slice %arg4[%add3A_69, %dma_wait3A_86] : memref<1280x128xi32, #tpu.memory_space<hbm>> -> memref<40x128xi32, #tpu.memory_space<hbm>>
        tpu.wait_dma2 semaphore(%run_scoped3A : memref<!tpu.dma_semaphore, #tpu.memory_space<semaphore_mem>>) src(%dma_wait3A_87 : memref<40x128xi32, #tpu.memory_space<hbm>>) dst(%arg8 : memref<40x128xi32, #tpu.memory_space<vmem>>)
        tpu.yield
      }) : () -> ()
      %mul3A_70 = arith.constant 80 : i32
      %mul3A_71 = arith.muli %arg1, %mul3A_70 : i32
      %add3A_72 = arith.constant 40 : i32
      %add3A_73 = arith.addi %mul3A_71, %add3A_72 : i32
      "tpu.region"() ({
        %run_scoped3A = tpu.sem_alloc : memref<!tpu.dma_semaphore, #tpu.memory_space<semaphore_mem>>
        %dma_start3A_80 = arith.constant 0 : i32
        %dma_start3A_81 = tpu.memref_slice %arg5[%add3A_73, %dma_start3A_80] : memref<1280x128xi32, #tpu.memory_space<hbm>> -> memref<40x128xi32, #tpu.memory_space<hbm>>
        %dma_start3A_82 = arith.constant 0 : i32
        %dma_start3A_83 = tpu.memref_slice %arg5[%add3A_73, %dma_start3A_82] : memref<1280x128xi32, #tpu.memory_space<hbm>> -> memref<40x128xi32, #tpu.memory_space<hbm>>
        tpu.enqueue_dma source(%dma_start3A_83 : memref<40x128xi32, #tpu.memory_space<hbm>>) target(%arg9 : memref<40x128xi32, #tpu.memory_space<vmem>>) target_semaphore(%run_scoped3A : memref<!tpu.dma_semaphore, #tpu.memory_space<semaphore_mem>>)
        %dma_wait3A_84 = arith.constant 0 : i32
        %dma_wait3A_85 = tpu.memref_slice %arg5[%add3A_73, %dma_wait3A_84] : memref<1280x128xi32, #tpu.memory_space<hbm>> -> memref<40x128xi32, #tpu.memory_space<hbm>>
        %dma_wait3A_86 = arith.constant 0 : i32
        %dma_wait3A_87 = tpu.memref_slice %arg5[%add3A_73, %dma_wait3A_86] : memref<1280x128xi32, #tpu.memory_space<hbm>> -> memref<40x128xi32, #tpu.memory_space<hbm>>
        tpu.wait_dma2 semaphore(%run_scoped3A : memref<!tpu.dma_semaphore, #tpu.memory_space<semaphore_mem>>) src(%dma_wait3A_87 : memref<40x128xi32, #tpu.memory_space<hbm>>) dst(%arg9 : memref<40x128xi32, #tpu.memory_space<vmem>>)
        tpu.yield
      }) : () -> ()
      %scan3A_74 = arith.constant 0 : i32
      %scan3A_75 = arith.constant 0 : i32
      %scan3A_76 = arith.constant 20 : i32
      %scan3A_77 = arith.addi %scan3A_75, %scan3A_76 : i32
      %scan3A_78 = arith.constant 1 : i32
      scf.for %scan3A_80 = %scan3A_75 to %scan3A_77 step %scan3A_78  : i32 {
        %mul3A_81 = arith.constant 2 : i32
        %mul3A_82 = arith.muli %scan3A_80, %mul3A_81 : i32
        %dma_start3A_83 = arith.constant 0 : i32
        %dma_start3A_84 = tpu.memref_slice %arg8[%mul3A_82, %dma_start3A_83] : memref<40x128xi32, #tpu.memory_space<vmem>> -> memref<1x128xi32, #tpu.memory_space<vmem>>
        %dma_start3A_85 = tpu.memref_squeeze %dma_start3A_84 : memref<1x128xi32, #tpu.memory_space<vmem>> -> memref<128xi32, #tpu.memory_space<vmem>>
        %dma_start3A_86 = arith.constant 0 : i32
        %dma_start3A_87 = arith.constant 0 : i32
        %dma_start3A_88 = tpu.memref_slice %arg3[%dma_start3A_86, %dma_start3A_87] : memref<10240x128xf32, #tpu.memory_space<hbm>> -> memref<10240x128xf32, #tpu.memory_space<hbm>>
        tpu.enqueue_indirect_dma source(%dma_start3A_88 : memref<10240x128xf32, #tpu.memory_space<hbm>>) target(%arg10 : memref<128x128xf32, #tpu.memory_space<vmem>>) offsets(%dma_start3A_85 : memref<128xi32, #tpu.memory_space<vmem>>) semaphore(%arg13 : memref<!tpu.dma_semaphore, #tpu.memory_space<semaphore_mem>>)
        %add3A_89 = arith.constant 1 : i32
        %add3A_90 = arith.addi %mul3A_82, %add3A_89 : i32
        %dma_start3A_91 = arith.constant 0 : i32
        %dma_start3A_92 = tpu.memref_slice %arg8[%add3A_90, %dma_start3A_91] : memref<40x128xi32, #tpu.memory_space<vmem>> -> memref<1x128xi32, #tpu.memory_space<vmem>>
        %dma_start3A_93 = tpu.memref_squeeze %dma_start3A_92 : memref<1x128xi32, #tpu.memory_space<vmem>> -> memref<128xi32, #tpu.memory_space<vmem>>
        %dma_start3A_94 = arith.constant 0 : i32
        %dma_start3A_95 = arith.constant 0 : i32
        %dma_start3A_96 = tpu.memref_slice %arg3[%dma_start3A_94, %dma_start3A_95] : memref<10240x128xf32, #tpu.memory_space<hbm>> -> memref<10240x128xf32, #tpu.memory_space<hbm>>
        tpu.enqueue_indirect_dma source(%dma_start3A_96 : memref<10240x128xf32, #tpu.memory_space<hbm>>) target(%arg11 : memref<128x128xf32, #tpu.memory_space<vmem>>) offsets(%dma_start3A_93 : memref<128xi32, #tpu.memory_space<vmem>>) semaphore(%arg14 : memref<!tpu.dma_semaphore, #tpu.memory_space<semaphore_mem>>)
        %dma_wait3A_97 = arith.constant 0 : i32
        %dma_wait3A_98 = tpu.memref_slice %arg8[%mul3A_82, %dma_wait3A_97] : memref<40x128xi32, #tpu.memory_space<vmem>> -> memref<1x128xi32, #tpu.memory_space<vmem>>
        %dma_wait3A_99 = tpu.memref_squeeze %dma_wait3A_98 : memref<1x128xi32, #tpu.memory_space<vmem>> -> memref<128xi32, #tpu.memory_space<vmem>>
        %dma_wait3A_100 = arith.constant 0 : i32
        %dma_wait3A_101 = arith.constant 0 : i32
        %dma_wait3A_102 = tpu.memref_slice %arg3[%dma_wait3A_100, %dma_wait3A_101] : memref<10240x128xf32, #tpu.memory_space<hbm>> -> memref<10240x128xf32, #tpu.memory_space<hbm>>
        tpu.wait_indirect_dma semaphore(%arg13 : memref<!tpu.dma_semaphore, #tpu.memory_space<semaphore_mem>>) src(%dma_wait3A_102 : memref<10240x128xf32, #tpu.memory_space<hbm>>) dst(%arg10 : memref<128x128xf32, #tpu.memory_space<vmem>>)
        "tpu.region"() ({
          %run_scoped3A = tpu.sem_alloc : memref<!tpu.dma_semaphore, #tpu.memory_space<semaphore_mem>>
          %dma_start3A_111 = arith.constant 0 : i32
          %dma_start3A_112 = tpu.memref_slice %arg9[%mul3A_82, %dma_start3A_111] : memref<40x128xi32, #tpu.memory_space<vmem>> -> memref<1x128xi32, #tpu.memory_space<vmem>>
          %dma_start3A_113 = tpu.memref_squeeze %dma_start3A_112 : memref<1x128xi32, #tpu.memory_space<vmem>> -> memref<128xi32, #tpu.memory_space<vmem>>
          %dma_start3A_114 = arith.constant 0 : i32
          %dma_start3A_115 = arith.constant 0 : i32
          %dma_start3A_116 = tpu.memref_slice %arg12[%dma_start3A_114, %dma_start3A_115] : memref<10240x128xf32, #tpu.memory_space<vmem_shared>> -> memref<10240x128xf32, #tpu.memory_space<vmem_shared>>
          tpu.enqueue_indirect_dma source(%arg10 : memref<128x128xf32, #tpu.memory_space<vmem>>) target(%dma_start3A_116 : memref<10240x128xf32, #tpu.memory_space<vmem_shared>>) offsets(%dma_start3A_113 : memref<128xi32, #tpu.memory_space<vmem>>) semaphore(%run_scoped3A : memref<!tpu.dma_semaphore, #tpu.memory_space<semaphore_mem>>) {add = true}
          %dma_wait3A_117 = arith.constant 0 : i32
          %dma_wait3A_118 = tpu.memref_slice %arg9[%mul3A_82, %dma_wait3A_117] : memref<40x128xi32, #tpu.memory_space<vmem>> -> memref<1x128xi32, #tpu.memory_space<vmem>>
          %dma_wait3A_119 = tpu.memref_squeeze %dma_wait3A_118 : memref<1x128xi32, #tpu.memory_space<vmem>> -> memref<128xi32, #tpu.memory_space<vmem>>
          %dma_wait3A_120 = arith.constant 0 : i32
          %dma_wait3A_121 = arith.constant 0 : i32
          %dma_wait3A_122 = tpu.memref_slice %arg12[%dma_wait3A_120, %dma_wait3A_121] : memref<10240x128xf32, #tpu.memory_space<vmem_shared>> -> memref<10240x128xf32, #tpu.memory_space<vmem_shared>>
          tpu.wait_indirect_dma semaphore(%run_scoped3A : memref<!tpu.dma_semaphore, #tpu.memory_space<semaphore_mem>>) src(%arg10 : memref<128x128xf32, #tpu.memory_space<vmem>>) dst(%dma_wait3A_122 : memref<10240x128xf32, #tpu.memory_space<vmem_shared>>)
          tpu.yield
        }) : () -> ()
        %dma_wait3A_103 = arith.constant 0 : i32
        %dma_wait3A_104 = tpu.memref_slice %arg8[%add3A_90, %dma_wait3A_103] : memref<40x128xi32, #tpu.memory_space<vmem>> -> memref<1x128xi32, #tpu.memory_space<vmem>>
        %dma_wait3A_105 = tpu.memref_squeeze %dma_wait3A_104 : memref<1x128xi32, #tpu.memory_space<vmem>> -> memref<128xi32, #tpu.memory_space<vmem>>
        %dma_wait3A_106 = arith.constant 0 : i32
        %dma_wait3A_107 = arith.constant 0 : i32
        %dma_wait3A_108 = tpu.memref_slice %arg3[%dma_wait3A_106, %dma_wait3A_107] : memref<10240x128xf32, #tpu.memory_space<hbm>> -> memref<10240x128xf32, #tpu.memory_space<hbm>>
        tpu.wait_indirect_dma semaphore(%arg14 : memref<!tpu.dma_semaphore, #tpu.memory_space<semaphore_mem>>) src(%dma_wait3A_108 : memref<10240x128xf32, #tpu.memory_space<hbm>>) dst(%arg11 : memref<128x128xf32, #tpu.memory_space<vmem>>)
        %add3A_109 = arith.constant 1 : i32
        %add3A_110 = arith.addi %mul3A_82, %add3A_109 : i32
        "tpu.region"() ({
          %run_scoped3A = tpu.sem_alloc : memref<!tpu.dma_semaphore, #tpu.memory_space<semaphore_mem>>
          %dma_start3A_111 = arith.constant 0 : i32
          %dma_start3A_112 = tpu.memref_slice %arg9[%add3A_110, %dma_start3A_111] : memref<40x128xi32, #tpu.memory_space<vmem>> -> memref<1x128xi32, #tpu.memory_space<vmem>>
          %dma_start3A_113 = tpu.memref_squeeze %dma_start3A_112 : memref<1x128xi32, #tpu.memory_space<vmem>> -> memref<128xi32, #tpu.memory_space<vmem>>
          %dma_start3A_114 = arith.constant 0 : i32
          %dma_start3A_115 = arith.constant 0 : i32
          %dma_start3A_116 = tpu.memref_slice %arg12[%dma_start3A_114, %dma_start3A_115] : memref<10240x128xf32, #tpu.memory_space<vmem_shared>> -> memref<10240x128xf32, #tpu.memory_space<vmem_shared>>
          tpu.enqueue_indirect_dma source(%arg11 : memref<128x128xf32, #tpu.memory_space<vmem>>) target(%dma_start3A_116 : memref<10240x128xf32, #tpu.memory_space<vmem_shared>>) offsets(%dma_start3A_113 : memref<128xi32, #tpu.memory_space<vmem>>) semaphore(%run_scoped3A : memref<!tpu.dma_semaphore, #tpu.memory_space<semaphore_mem>>) {add = true}
          %dma_wait3A_117 = arith.constant 0 : i32
          %dma_wait3A_118 = tpu.memref_slice %arg9[%add3A_110, %dma_wait3A_117] : memref<40x128xi32, #tpu.memory_space<vmem>> -> memref<1x128xi32, #tpu.memory_space<vmem>>
          %dma_wait3A_119 = tpu.memref_squeeze %dma_wait3A_118 : memref<1x128xi32, #tpu.memory_space<vmem>> -> memref<128xi32, #tpu.memory_space<vmem>>
          %dma_wait3A_120 = arith.constant 0 : i32
          %dma_wait3A_121 = arith.constant 0 : i32
          %dma_wait3A_122 = tpu.memref_slice %arg12[%dma_wait3A_120, %dma_wait3A_121] : memref<10240x128xf32, #tpu.memory_space<vmem_shared>> -> memref<10240x128xf32, #tpu.memory_space<vmem_shared>>
          tpu.wait_indirect_dma semaphore(%run_scoped3A : memref<!tpu.dma_semaphore, #tpu.memory_space<semaphore_mem>>) src(%arg11 : memref<128x128xf32, #tpu.memory_space<vmem>>) dst(%dma_wait3A_122 : memref<10240x128xf32, #tpu.memory_space<vmem_shared>>)
          tpu.yield
        }) : () -> ()
      }
      %scan3A_79 = arith.constant 20 : i32
    } else {
    }
    %barrier3A_49 = arith.constant 0 : index
    tpu.barrier barrier_id(%barrier3A_49)
    %eq3A_50 = arith.constant 0 : i32
    %eq3A_51 = arith.cmpi eq, %arg0, %eq3A_50 : i32
    %convert_element_type3A_52 = arith.extui %eq3A_51 : i1 to i32
    %cond3A_53 = arith.constant 0 : i32
    %cond3A_54 = arith.cmpi ne, %convert_element_type3A_52, %cond3A_53 : i32
    scf.if %cond3A_54 {
      %mul3A_60 = arith.constant 640 : i32
      %mul3A_61 = arith.muli %arg1, %mul3A_60 : i32
      "tpu.region"() ({
        %run_scoped3A = tpu.sem_alloc : memref<!tpu.dma_semaphore, #tpu.memory_space<semaphore_mem>>
        %dma_start3A_62 = arith.constant 0 : i32
        %dma_start3A_63 = tpu.memref_slice %arg6[%mul3A_61, %dma_start3A_62] : memref<10240x128xf32, #tpu.memory_space<hbm>> -> memref<640x128xf32, #tpu.memory_space<hbm>>
        %dma_start3A_64 = arith.constant 0 : i32
        %dma_start3A_65 = tpu.memref_slice %arg12[%mul3A_61, %dma_start3A_64] : memref<10240x128xf32, #tpu.memory_space<vmem_shared>> -> memref<640x128xf32, #tpu.memory_space<vmem_shared>>
        tpu.enqueue_dma source(%dma_start3A_65 : memref<640x128xf32, #tpu.memory_space<vmem_shared>>) target(%dma_start3A_63 : memref<640x128xf32, #tpu.memory_space<hbm>>) target_semaphore(%run_scoped3A : memref<!tpu.dma_semaphore, #tpu.memory_space<semaphore_mem>>)
        %dma_wait3A_66 = arith.constant 0 : i32
        %dma_wait3A_67 = tpu.memref_slice %arg6[%mul3A_61, %dma_wait3A_66] : memref<10240x128xf32, #tpu.memory_space<hbm>> -> memref<640x128xf32, #tpu.memory_space<hbm>>
        %dma_wait3A_68 = arith.constant 0 : i32
        %dma_wait3A_69 = tpu.memref_slice %arg12[%mul3A_61, %dma_wait3A_68] : memref<10240x128xf32, #tpu.memory_space<vmem_shared>> -> memref<640x128xf32, #tpu.memory_space<vmem_shared>>
        tpu.wait_dma2 semaphore(%run_scoped3A : memref<!tpu.dma_semaphore, #tpu.memory_space<semaphore_mem>>) src(%dma_wait3A_69 : memref<640x128xf32, #tpu.memory_space<vmem_shared>>) dst(%dma_wait3A_67 : memref<640x128xf32, #tpu.memory_space<hbm>>)
        tpu.yield
      }) : () -> ()
    } else {
    }
    %eq3A_55 = arith.constant 1 : i32
    %eq3A_56 = arith.cmpi eq, %arg0, %eq3A_55 : i32
    %convert_element_type3A_57 = arith.extui %eq3A_56 : i1 to i32
    %cond3A_58 = arith.constant 0 : i32
    %cond3A_59 = arith.cmpi ne, %convert_element_type3A_57, %cond3A_58 : i32
    scf.if %cond3A_59 {
      %mul3A_60 = arith.constant 640 : i32
      %mul3A_61 = arith.muli %arg1, %mul3A_60 : i32
      "tpu.region"() ({
        %run_scoped3A = tpu.sem_alloc : memref<!tpu.dma_semaphore, #tpu.memory_space<semaphore_mem>>
        %dma_start3A_62 = arith.constant 0 : i32
        %dma_start3A_63 = tpu.memref_slice %arg7[%mul3A_61, %dma_start3A_62] : memref<10240x128xf32, #tpu.memory_space<hbm>> -> memref<640x128xf32, #tpu.memory_space<hbm>>
        %dma_start3A_64 = arith.constant 0 : i32
        %dma_start3A_65 = tpu.memref_slice %arg12[%mul3A_61, %dma_start3A_64] : memref<10240x128xf32, #tpu.memory_space<vmem_shared>> -> memref<640x128xf32, #tpu.memory_space<vmem_shared>>
        tpu.enqueue_dma source(%dma_start3A_65 : memref<640x128xf32, #tpu.memory_space<vmem_shared>>) target(%dma_start3A_63 : memref<640x128xf32, #tpu.memory_space<hbm>>) target_semaphore(%run_scoped3A : memref<!tpu.dma_semaphore, #tpu.memory_space<semaphore_mem>>)
        %dma_wait3A_66 = arith.constant 0 : i32
        %dma_wait3A_67 = tpu.memref_slice %arg7[%mul3A_61, %dma_wait3A_66] : memref<10240x128xf32, #tpu.memory_space<hbm>> -> memref<640x128xf32, #tpu.memory_space<hbm>>
        %dma_wait3A_68 = arith.constant 0 : i32
        %dma_wait3A_69 = tpu.memref_slice %arg12[%mul3A_61, %dma_wait3A_68] : memref<10240x128xf32, #tpu.memory_space<vmem_shared>> -> memref<640x128xf32, #tpu.memory_space<vmem_shared>>
        tpu.wait_dma2 semaphore(%run_scoped3A : memref<!tpu.dma_semaphore, #tpu.memory_space<semaphore_mem>>) src(%dma_wait3A_69 : memref<640x128xf32, #tpu.memory_space<vmem_shared>>) dst(%dma_wait3A_67 : memref<640x128xf32, #tpu.memory_space<hbm>>)
        tpu.yield
      }) : () -> ()
    } else {
    }
    return
  }
}

#map = affine_map<(d0, d1) -> (0, 0)>
module attributes {stable_mosaic.version = 14 : i64} {
  func.func @k(%arg0: i32, %arg1: i32, %arg2: memref<10240x128xf32, #tpu.memory_space<hbm>>, %arg3: memref<10240x128xf32, #tpu.memory_space<hbm>>, %arg4: memref<1280x128xi32, #tpu.memory_space<hbm>>, %arg5: memref<1280x128xi32, #tpu.memory_space<hbm>>, %arg6: memref<10240x128xf32, #tpu.memory_space<hbm>>, %arg7: memref<10240x128xf32, #tpu.memory_space<hbm>>, %arg8: memref<40x128xi32, #tpu.memory_space<vmem>>, %arg9: memref<40x128xi32, #tpu.memory_space<vmem>>, %arg10: memref<128x128xf32, #tpu.memory_space<vmem>>, %arg11: memref<128x128xf32, #tpu.memory_space<vmem>>, %arg12: memref<10240x128xf32, #tpu.memory_space<vmem_shared>>, %arg13: memref<!tpu.dma_semaphore, #tpu.memory_space<semaphore_mem>>, %arg14: memref<!tpu.dma_semaphore, #tpu.memory_space<semaphore_mem>>) attributes {dimension_semantics = [#tpu.dimension_semantics<core_parallel>, #tpu.dimension_semantics<subcore_parallel>], iteration_bounds = array<i64: 2, 16>, scalar_prefetch = 0 : i64, scratch_operands = 7 : i64, tpu.core_type = #tpu.core_type<sc_vector_subcore>, window_params = [{transform_indices = #map}, {transform_indices = #map}, {transform_indices = #map}, {transform_indices = #map}, {transform_indices = #map}, {transform_indices = #map}]} {
    %broadcast_in_dim3A = arith.constant 0.000000e+00 : f32
    %broadcast_in_dim3A_0 = vector.broadcast %broadcast_in_dim3A : f32 to vector<16xf32>
    %mul3A = arith.constant 80 : i32
    %mul3A_1 = arith.muli %arg1, %mul3A : i32
    %dma_start3A = arith.constant 0 : i32
    %dma_start3A_2 = tpu.memref_slice %arg4[%mul3A_1, %dma_start3A] : memref<1280x128xi32, #tpu.memory_space<hbm>> -> memref<40x128xi32, #tpu.memory_space<hbm>>
    %dma_start3A_3 = arith.constant 0 : i32
    %dma_start3A_4 = tpu.memref_slice %arg4[%mul3A_1, %dma_start3A_3] : memref<1280x128xi32, #tpu.memory_space<hbm>> -> memref<40x128xi32, #tpu.memory_space<hbm>>
    tpu.enqueue_dma source(%dma_start3A_4 : memref<40x128xi32, #tpu.memory_space<hbm>>) target(%arg8 : memref<40x128xi32, #tpu.memory_space<vmem>>) target_semaphore(%arg13 : memref<!tpu.dma_semaphore, #tpu.memory_space<semaphore_mem>>)
    %mul3A_5 = arith.constant 80 : i32
    %mul3A_6 = arith.muli %arg1, %mul3A_5 : i32
    %dma_start3A_7 = arith.constant 0 : i32
    %dma_start3A_8 = tpu.memref_slice %arg5[%mul3A_6, %dma_start3A_7] : memref<1280x128xi32, #tpu.memory_space<hbm>> -> memref<40x128xi32, #tpu.memory_space<hbm>>
    %dma_start3A_9 = arith.constant 0 : i32
    %dma_start3A_10 = tpu.memref_slice %arg5[%mul3A_6, %dma_start3A_9] : memref<1280x128xi32, #tpu.memory_space<hbm>> -> memref<40x128xi32, #tpu.memory_space<hbm>>
    tpu.enqueue_dma source(%dma_start3A_10 : memref<40x128xi32, #tpu.memory_space<hbm>>) target(%arg9 : memref<40x128xi32, #tpu.memory_space<vmem>>) target_semaphore(%arg14 : memref<!tpu.dma_semaphore, #tpu.memory_space<semaphore_mem>>)
    %scan3A = arith.constant 0 : i32
    %scan3A_11 = arith.constant 0 : i32
    %scan3A_12 = arith.constant 128 : i32
    %scan3A_13 = arith.addi %scan3A_11, %scan3A_12 : i32
    %scan3A_14 = arith.constant 1 : i32
    scf.for %scan3A_60 = %scan3A_11 to %scan3A_13 step %scan3A_14  : i32 {
      %swap3A = arith.index_cast %scan3A_60 : i32 to index
      %swap3A_61 = arith.constant 0 : index
      %swap3A_62 = tpu.vector_load %arg10[%swap3A, %swap3A_61] {strides = array<i32>} : memref<128x128xf32, #tpu.memory_space<vmem>>, vector<1x16xf32>,
      %swap3A_63 = vector.shape_cast %swap3A_62 : vector<1x16xf32> to vector<16xf32>
      %swap3A_64 = vector.shape_cast %broadcast_in_dim3A_0 : vector<16xf32> to vector<1x16xf32>
      tpu.vector_store %arg10[%swap3A, %swap3A_61], %swap3A_64 {strides = array<i32>} : memref<128x128xf32, #tpu.memory_space<vmem>>, vector<1x16xf32>,
      %swap3A_65 = arith.index_cast %scan3A_60 : i32 to index
      %swap3A_66 = arith.constant 16 : index
      %swap3A_67 = tpu.vector_load %arg10[%swap3A_65, %swap3A_66] {strides = array<i32>} : memref<128x128xf32, #tpu.memory_space<vmem>>, vector<1x16xf32>,
      %swap3A_68 = vector.shape_cast %swap3A_67 : vector<1x16xf32> to vector<16xf32>
      %swap3A_69 = vector.shape_cast %broadcast_in_dim3A_0 : vector<16xf32> to vector<1x16xf32>
      tpu.vector_store %arg10[%swap3A_65, %swap3A_66], %swap3A_69 {strides = array<i32>} : memref<128x128xf32, #tpu.memory_space<vmem>>, vector<1x16xf32>,
      %swap3A_70 = arith.index_cast %scan3A_60 : i32 to index
      %swap3A_71 = arith.constant 32 : index
      %swap3A_72 = tpu.vector_load %arg10[%swap3A_70, %swap3A_71] {strides = array<i32>} : memref<128x128xf32, #tpu.memory_space<vmem>>, vector<1x16xf32>,
      %swap3A_73 = vector.shape_cast %swap3A_72 : vector<1x16xf32> to vector<16xf32>
      %swap3A_74 = vector.shape_cast %broadcast_in_dim3A_0 : vector<16xf32> to vector<1x16xf32>
      tpu.vector_store %arg10[%swap3A_70, %swap3A_71], %swap3A_74 {strides = array<i32>} : memref<128x128xf32, #tpu.memory_space<vmem>>, vector<1x16xf32>,
      %swap3A_75 = arith.index_cast %scan3A_60 : i32 to index
      %swap3A_76 = arith.constant 48 : index
      %swap3A_77 = tpu.vector_load %arg10[%swap3A_75, %swap3A_76] {strides = array<i32>} : memref<128x128xf32, #tpu.memory_space<vmem>>, vector<1x16xf32>,
      %swap3A_78 = vector.shape_cast %swap3A_77 : vector<1x16xf32> to vector<16xf32>
      %swap3A_79 = vector.shape_cast %broadcast_in_dim3A_0 : vector<16xf32> to vector<1x16xf32>
      tpu.vector_store %arg10[%swap3A_75, %swap3A_76], %swap3A_79 {strides = array<i32>} : memref<128x128xf32, #tpu.memory_space<vmem>>, vector<1x16xf32>,
      %swap3A_80 = arith.index_cast %scan3A_60 : i32 to index
      %swap3A_81 = arith.constant 64 : index
      %swap3A_82 = tpu.vector_load %arg10[%swap3A_80, %swap3A_81] {strides = array<i32>} : memref<128x128xf32, #tpu.memory_space<vmem>>, vector<1x16xf32>,
      %swap3A_83 = vector.shape_cast %swap3A_82 : vector<1x16xf32> to vector<16xf32>
      %swap3A_84 = vector.shape_cast %broadcast_in_dim3A_0 : vector<16xf32> to vector<1x16xf32>
      tpu.vector_store %arg10[%swap3A_80, %swap3A_81], %swap3A_84 {strides = array<i32>} : memref<128x128xf32, #tpu.memory_space<vmem>>, vector<1x16xf32>,
      %swap3A_85 = arith.index_cast %scan3A_60 : i32 to index
      %swap3A_86 = arith.constant 80 : index
      %swap3A_87 = tpu.vector_load %arg10[%swap3A_85, %swap3A_86] {strides = array<i32>} : memref<128x128xf32, #tpu.memory_space<vmem>>, vector<1x16xf32>,
      %swap3A_88 = vector.shape_cast %swap3A_87 : vector<1x16xf32> to vector<16xf32>
      %swap3A_89 = vector.shape_cast %broadcast_in_dim3A_0 : vector<16xf32> to vector<1x16xf32>
      tpu.vector_store %arg10[%swap3A_85, %swap3A_86], %swap3A_89 {strides = array<i32>} : memref<128x128xf32, #tpu.memory_space<vmem>>, vector<1x16xf32>,
      %swap3A_90 = arith.index_cast %scan3A_60 : i32 to index
      %swap3A_91 = arith.constant 96 : index
      %swap3A_92 = tpu.vector_load %arg10[%swap3A_90, %swap3A_91] {strides = array<i32>} : memref<128x128xf32, #tpu.memory_space<vmem>>, vector<1x16xf32>,
      %swap3A_93 = vector.shape_cast %swap3A_92 : vector<1x16xf32> to vector<16xf32>
      %swap3A_94 = vector.shape_cast %broadcast_in_dim3A_0 : vector<16xf32> to vector<1x16xf32>
      tpu.vector_store %arg10[%swap3A_90, %swap3A_91], %swap3A_94 {strides = array<i32>} : memref<128x128xf32, #tpu.memory_space<vmem>>, vector<1x16xf32>,
      %swap3A_95 = arith.index_cast %scan3A_60 : i32 to index
      %swap3A_96 = arith.constant 112 : index
      %swap3A_97 = tpu.vector_load %arg10[%swap3A_95, %swap3A_96] {strides = array<i32>} : memref<128x128xf32, #tpu.memory_space<vmem>>, vector<1x16xf32>,
      %swap3A_98 = vector.shape_cast %swap3A_97 : vector<1x16xf32> to vector<16xf32>
      %swap3A_99 = vector.shape_cast %broadcast_in_dim3A_0 : vector<16xf32> to vector<1x16xf32>
      tpu.vector_store %arg10[%swap3A_95, %swap3A_96], %swap3A_99 {strides = array<i32>} : memref<128x128xf32, #tpu.memory_space<vmem>>, vector<1x16xf32>,
    }
    %scan3A_15 = arith.constant 128 : i32
    %mul3A_16 = arith.constant 640 : i32
    %mul3A_17 = arith.muli %arg1, %mul3A_16 : i32
    %add3A = arith.constant 0 : i32
    %add3A_18 = arith.addi %mul3A_17, %add3A : i32
    "tpu.region"() ({
      %run_scoped3A = tpu.sem_alloc : memref<!tpu.dma_semaphore, #tpu.memory_space<semaphore_mem>>
      %dma_start3A_60 = arith.constant 0 : i32
      %dma_start3A_61 = tpu.memref_slice %arg12[%add3A_18, %dma_start3A_60] : memref<10240x128xf32, #tpu.memory_space<vmem_shared>> -> memref<128x128xf32, #tpu.memory_space<vmem_shared>>
      %dma_start3A_62 = arith.constant 0 : i32
      %dma_start3A_63 = tpu.memref_slice %arg12[%add3A_18, %dma_start3A_62] : memref<10240x128xf32, #tpu.memory_space<vmem_shared>> -> memref<128x128xf32, #tpu.memory_space<vmem_shared>>
      tpu.enqueue_dma source(%arg10 : memref<128x128xf32, #tpu.memory_space<vmem>>) target(%dma_start3A_63 : memref<128x128xf32, #tpu.memory_space<vmem_shared>>) target_semaphore(%run_scoped3A : memref<!tpu.dma_semaphore, #tpu.memory_space<semaphore_mem>>)
      %dma_wait3A_64 = arith.constant 0 : i32
      %dma_wait3A_65 = tpu.memref_slice %arg12[%add3A_18, %dma_wait3A_64] : memref<10240x128xf32, #tpu.memory_space<vmem_shared>> -> memref<128x128xf32, #tpu.memory_space<vmem_shared>>
      %dma_wait3A_66 = arith.constant 0 : i32
      %dma_wait3A_67 = tpu.memref_slice %arg12[%add3A_18, %dma_wait3A_66] : memref<10240x128xf32, #tpu.memory_space<vmem_shared>> -> memref<128x128xf32, #tpu.memory_space<vmem_shared>>
      tpu.wait_dma2 semaphore(%run_scoped3A : memref<!tpu.dma_semaphore, #tpu.memory_space<semaphore_mem>>) src(%arg10 : memref<128x128xf32, #tpu.memory_space<vmem>>) dst(%dma_wait3A_67 : memref<128x128xf32, #tpu.memory_space<vmem_shared>>)
      tpu.yield
    }) : () -> ()
    %mul3A_19 = arith.constant 640 : i32
    %mul3A_20 = arith.muli %arg1, %mul3A_19 : i32
    %add3A_21 = arith.constant 128 : i32
    %add3A_22 = arith.addi %mul3A_20, %add3A_21 : i32
    "tpu.region"() ({
      %run_scoped3A = tpu.sem_alloc : memref<!tpu.dma_semaphore, #tpu.memory_space<semaphore_mem>>
      %dma_start3A_60 = arith.constant 0 : i32
      %dma_start3A_61 = tpu.memref_slice %arg12[%add3A_22, %dma_start3A_60] : memref<10240x128xf32, #tpu.memory_space<vmem_shared>> -> memref<128x128xf32, #tpu.memory_space<vmem_shared>>
      %dma_start3A_62 = arith.constant 0 : i32
      %dma_start3A_63 = tpu.memref_slice %arg12[%add3A_22, %dma_start3A_62] : memref<10240x128xf32, #tpu.memory_space<vmem_shared>> -> memref<128x128xf32, #tpu.memory_space<vmem_shared>>
      tpu.enqueue_dma source(%arg10 : memref<128x128xf32, #tpu.memory_space<vmem>>) target(%dma_start3A_63 : memref<128x128xf32, #tpu.memory_space<vmem_shared>>) target_semaphore(%run_scoped3A : memref<!tpu.dma_semaphore, #tpu.memory_space<semaphore_mem>>)
      %dma_wait3A_64 = arith.constant 0 : i32
      %dma_wait3A_65 = tpu.memref_slice %arg12[%add3A_22, %dma_wait3A_64] : memref<10240x128xf32, #tpu.memory_space<vmem_shared>> -> memref<128x128xf32, #tpu.memory_space<vmem_shared>>
      %dma_wait3A_66 = arith.constant 0 : i32
      %dma_wait3A_67 = tpu.memref_slice %arg12[%add3A_22, %dma_wait3A_66] : memref<10240x128xf32, #tpu.memory_space<vmem_shared>> -> memref<128x128xf32, #tpu.memory_space<vmem_shared>>
      tpu.wait_dma2 semaphore(%run_scoped3A : memref<!tpu.dma_semaphore, #tpu.memory_space<semaphore_mem>>) src(%arg10 : memref<128x128xf32, #tpu.memory_space<vmem>>) dst(%dma_wait3A_67 : memref<128x128xf32, #tpu.memory_space<vmem_shared>>)
      tpu.yield
    }) : () -> ()
    %mul3A_23 = arith.constant 640 : i32
    %mul3A_24 = arith.muli %arg1, %mul3A_23 : i32
    %add3A_25 = arith.constant 256 : i32
    %add3A_26 = arith.addi %mul3A_24, %add3A_25 : i32
    "tpu.region"() ({
      %run_scoped3A = tpu.sem_alloc : memref<!tpu.dma_semaphore, #tpu.memory_space<semaphore_mem>>
      %dma_start3A_60 = arith.constant 0 : i32
      %dma_start3A_61 = tpu.memref_slice %arg12[%add3A_26, %dma_start3A_60] : memref<10240x128xf32, #tpu.memory_space<vmem_shared>> -> memref<128x128xf32, #tpu.memory_space<vmem_shared>>
      %dma_start3A_62 = arith.constant 0 : i32
      %dma_start3A_63 = tpu.memref_slice %arg12[%add3A_26, %dma_start3A_62] : memref<10240x128xf32, #tpu.memory_space<vmem_shared>> -> memref<128x128xf32, #tpu.memory_space<vmem_shared>>
      tpu.enqueue_dma source(%arg10 : memref<128x128xf32, #tpu.memory_space<vmem>>) target(%dma_start3A_63 : memref<128x128xf32, #tpu.memory_space<vmem_shared>>) target_semaphore(%run_scoped3A : memref<!tpu.dma_semaphore, #tpu.memory_space<semaphore_mem>>)
      %dma_wait3A_64 = arith.constant 0 : i32
      %dma_wait3A_65 = tpu.memref_slice %arg12[%add3A_26, %dma_wait3A_64] : memref<10240x128xf32, #tpu.memory_space<vmem_shared>> -> memref<128x128xf32, #tpu.memory_space<vmem_shared>>
      %dma_wait3A_66 = arith.constant 0 : i32
      %dma_wait3A_67 = tpu.memref_slice %arg12[%add3A_26, %dma_wait3A_66] : memref<10240x128xf32, #tpu.memory_space<vmem_shared>> -> memref<128x128xf32, #tpu.memory_space<vmem_shared>>
      tpu.wait_dma2 semaphore(%run_scoped3A : memref<!tpu.dma_semaphore, #tpu.memory_space<semaphore_mem>>) src(%arg10 : memref<128x128xf32, #tpu.memory_space<vmem>>) dst(%dma_wait3A_67 : memref<128x128xf32, #tpu.memory_space<vmem_shared>>)
      tpu.yield
    }) : () -> ()
    %mul3A_27 = arith.constant 640 : i32
    %mul3A_28 = arith.muli %arg1, %mul3A_27 : i32
    %add3A_29 = arith.constant 384 : i32
    %add3A_30 = arith.addi %mul3A_28, %add3A_29 : i32
    "tpu.region"() ({
      %run_scoped3A = tpu.sem_alloc : memref<!tpu.dma_semaphore, #tpu.memory_space<semaphore_mem>>
      %dma_start3A_60 = arith.constant 0 : i32
      %dma_start3A_61 = tpu.memref_slice %arg12[%add3A_30, %dma_start3A_60] : memref<10240x128xf32, #tpu.memory_space<vmem_shared>> -> memref<128x128xf32, #tpu.memory_space<vmem_shared>>
      %dma_start3A_62 = arith.constant 0 : i32
      %dma_start3A_63 = tpu.memref_slice %arg12[%add3A_30, %dma_start3A_62] : memref<10240x128xf32, #tpu.memory_space<vmem_shared>> -> memref<128x128xf32, #tpu.memory_space<vmem_shared>>
      tpu.enqueue_dma source(%arg10 : memref<128x128xf32, #tpu.memory_space<vmem>>) target(%dma_start3A_63 : memref<128x128xf32, #tpu.memory_space<vmem_shared>>) target_semaphore(%run_scoped3A : memref<!tpu.dma_semaphore, #tpu.memory_space<semaphore_mem>>)
      %dma_wait3A_64 = arith.constant 0 : i32
      %dma_wait3A_65 = tpu.memref_slice %arg12[%add3A_30, %dma_wait3A_64] : memref<10240x128xf32, #tpu.memory_space<vmem_shared>> -> memref<128x128xf32, #tpu.memory_space<vmem_shared>>
      %dma_wait3A_66 = arith.constant 0 : i32
      %dma_wait3A_67 = tpu.memref_slice %arg12[%add3A_30, %dma_wait3A_66] : memref<10240x128xf32, #tpu.memory_space<vmem_shared>> -> memref<128x128xf32, #tpu.memory_space<vmem_shared>>
      tpu.wait_dma2 semaphore(%run_scoped3A : memref<!tpu.dma_semaphore, #tpu.memory_space<semaphore_mem>>) src(%arg10 : memref<128x128xf32, #tpu.memory_space<vmem>>) dst(%dma_wait3A_67 : memref<128x128xf32, #tpu.memory_space<vmem_shared>>)
      tpu.yield
    }) : () -> ()
    %mul3A_31 = arith.constant 640 : i32
    %mul3A_32 = arith.muli %arg1, %mul3A_31 : i32
    %add3A_33 = arith.constant 512 : i32
    %add3A_34 = arith.addi %mul3A_32, %add3A_33 : i32
    "tpu.region"() ({
      %run_scoped3A = tpu.sem_alloc : memref<!tpu.dma_semaphore, #tpu.memory_space<semaphore_mem>>
      %dma_start3A_60 = arith.constant 0 : i32
      %dma_start3A_61 = tpu.memref_slice %arg12[%add3A_34, %dma_start3A_60] : memref<10240x128xf32, #tpu.memory_space<vmem_shared>> -> memref<128x128xf32, #tpu.memory_space<vmem_shared>>
      %dma_start3A_62 = arith.constant 0 : i32
      %dma_start3A_63 = tpu.memref_slice %arg12[%add3A_34, %dma_start3A_62] : memref<10240x128xf32, #tpu.memory_space<vmem_shared>> -> memref<128x128xf32, #tpu.memory_space<vmem_shared>>
      tpu.enqueue_dma source(%arg10 : memref<128x128xf32, #tpu.memory_space<vmem>>) target(%dma_start3A_63 : memref<128x128xf32, #tpu.memory_space<vmem_shared>>) target_semaphore(%run_scoped3A : memref<!tpu.dma_semaphore, #tpu.memory_space<semaphore_mem>>)
      %dma_wait3A_64 = arith.constant 0 : i32
      %dma_wait3A_65 = tpu.memref_slice %arg12[%add3A_34, %dma_wait3A_64] : memref<10240x128xf32, #tpu.memory_space<vmem_shared>> -> memref<128x128xf32, #tpu.memory_space<vmem_shared>>
      %dma_wait3A_66 = arith.constant 0 : i32
      %dma_wait3A_67 = tpu.memref_slice %arg12[%add3A_34, %dma_wait3A_66] : memref<10240x128xf32, #tpu.memory_space<vmem_shared>> -> memref<128x128xf32, #tpu.memory_space<vmem_shared>>
      tpu.wait_dma2 semaphore(%run_scoped3A : memref<!tpu.dma_semaphore, #tpu.memory_space<semaphore_mem>>) src(%arg10 : memref<128x128xf32, #tpu.memory_space<vmem>>) dst(%dma_wait3A_67 : memref<128x128xf32, #tpu.memory_space<vmem_shared>>)
      tpu.yield
    }) : () -> ()
    %dma_wait3A = arith.constant 0 : i32
    %dma_wait3A_35 = tpu.memref_slice %arg4[%mul3A_1, %dma_wait3A] : memref<1280x128xi32, #tpu.memory_space<hbm>> -> memref<40x128xi32, #tpu.memory_space<hbm>>
    %dma_wait3A_36 = arith.constant 0 : i32
    %dma_wait3A_37 = tpu.memref_slice %arg4[%mul3A_1, %dma_wait3A_36] : memref<1280x128xi32, #tpu.memory_space<hbm>> -> memref<40x128xi32, #tpu.memory_space<hbm>>
    tpu.wait_dma2 semaphore(%arg13 : memref<!tpu.dma_semaphore, #tpu.memory_space<semaphore_mem>>) src(%dma_wait3A_37 : memref<40x128xi32, #tpu.memory_space<hbm>>) dst(%arg8 : memref<40x128xi32, #tpu.memory_space<vmem>>)
    %dma_wait3A_38 = arith.constant 0 : i32
    %dma_wait3A_39 = tpu.memref_slice %arg5[%mul3A_6, %dma_wait3A_38] : memref<1280x128xi32, #tpu.memory_space<hbm>> -> memref<40x128xi32, #tpu.memory_space<hbm>>
    %dma_wait3A_40 = arith.constant 0 : i32
    %dma_wait3A_41 = tpu.memref_slice %arg5[%mul3A_6, %dma_wait3A_40] : memref<1280x128xi32, #tpu.memory_space<hbm>> -> memref<40x128xi32, #tpu.memory_space<hbm>>
    tpu.wait_dma2 semaphore(%arg14 : memref<!tpu.dma_semaphore, #tpu.memory_space<semaphore_mem>>) src(%dma_wait3A_41 : memref<40x128xi32, #tpu.memory_space<hbm>>) dst(%arg9 : memref<40x128xi32, #tpu.memory_space<vmem>>)
    %barrier3A = arith.constant 0 : index
    tpu.barrier barrier_id(%barrier3A)
    %eq3A = arith.constant 0 : i32
    %eq3A_42 = arith.cmpi eq, %arg0, %eq3A : i32
    %convert_element_type3A = arith.extui %eq3A_42 : i1 to i32
    %cond3A = arith.constant 0 : i32
    %cond3A_43 = arith.cmpi ne, %convert_element_type3A, %cond3A : i32
    scf.if %cond3A_43 {
      %scan3A_60 = arith.constant 0 : i32
      %scan3A_61 = arith.constant 0 : i32
      %scan3A_62 = arith.constant 20 : i32
      %scan3A_63 = arith.addi %scan3A_61, %scan3A_62 : i32
      %scan3A_64 = arith.constant 1 : i32
      scf.for %scan3A_80 = %scan3A_61 to %scan3A_63 step %scan3A_64  : i32 {
        %mul3A_81 = arith.constant 2 : i32
        %mul3A_82 = arith.muli %scan3A_80, %mul3A_81 : i32
        %dma_start3A_83 = arith.constant 0 : i32
        %dma_start3A_84 = tpu.memref_slice %arg8[%mul3A_82, %dma_start3A_83] : memref<40x128xi32, #tpu.memory_space<vmem>> -> memref<1x128xi32, #tpu.memory_space<vmem>>
        %dma_start3A_85 = tpu.memref_squeeze %dma_start3A_84 : memref<1x128xi32, #tpu.memory_space<vmem>> -> memref<128xi32, #tpu.memory_space<vmem>>
        %dma_start3A_86 = arith.constant 0 : i32
        %dma_start3A_87 = arith.constant 0 : i32
        %dma_start3A_88 = tpu.memref_slice %arg2[%dma_start3A_86, %dma_start3A_87] : memref<10240x128xf32, #tpu.memory_space<hbm>> -> memref<10240x128xf32, #tpu.memory_space<hbm>>
        tpu.enqueue_indirect_dma source(%dma_start3A_88 : memref<10240x128xf32, #tpu.memory_space<hbm>>) target(%arg10 : memref<128x128xf32, #tpu.memory_space<vmem>>) offsets(%dma_start3A_85 : memref<128xi32, #tpu.memory_space<vmem>>) semaphore(%arg13 : memref<!tpu.dma_semaphore, #tpu.memory_space<semaphore_mem>>)
        %add3A_89 = arith.constant 1 : i32
        %add3A_90 = arith.addi %mul3A_82, %add3A_89 : i32
        %dma_start3A_91 = arith.constant 0 : i32
        %dma_start3A_92 = tpu.memref_slice %arg8[%add3A_90, %dma_start3A_91] : memref<40x128xi32, #tpu.memory_space<vmem>> -> memref<1x128xi32, #tpu.memory_space<vmem>>
        %dma_start3A_93 = tpu.memref_squeeze %dma_start3A_92 : memref<1x128xi32, #tpu.memory_space<vmem>> -> memref<128xi32, #tpu.memory_space<vmem>>
        %dma_start3A_94 = arith.constant 0 : i32
        %dma_start3A_95 = arith.constant 0 : i32
        %dma_start3A_96 = tpu.memref_slice %arg2[%dma_start3A_94, %dma_start3A_95] : memref<10240x128xf32, #tpu.memory_space<hbm>> -> memref<10240x128xf32, #tpu.memory_space<hbm>>
        tpu.enqueue_indirect_dma source(%dma_start3A_96 : memref<10240x128xf32, #tpu.memory_space<hbm>>) target(%arg11 : memref<128x128xf32, #tpu.memory_space<vmem>>) offsets(%dma_start3A_93 : memref<128xi32, #tpu.memory_space<vmem>>) semaphore(%arg14 : memref<!tpu.dma_semaphore, #tpu.memory_space<semaphore_mem>>)
        %dma_wait3A_97 = arith.constant 0 : i32
        %dma_wait3A_98 = tpu.memref_slice %arg8[%mul3A_82, %dma_wait3A_97] : memref<40x128xi32, #tpu.memory_space<vmem>> -> memref<1x128xi32, #tpu.memory_space<vmem>>
        %dma_wait3A_99 = tpu.memref_squeeze %dma_wait3A_98 : memref<1x128xi32, #tpu.memory_space<vmem>> -> memref<128xi32, #tpu.memory_space<vmem>>
        %dma_wait3A_100 = arith.constant 0 : i32
        %dma_wait3A_101 = arith.constant 0 : i32
        %dma_wait3A_102 = tpu.memref_slice %arg2[%dma_wait3A_100, %dma_wait3A_101] : memref<10240x128xf32, #tpu.memory_space<hbm>> -> memref<10240x128xf32, #tpu.memory_space<hbm>>
        tpu.wait_indirect_dma semaphore(%arg13 : memref<!tpu.dma_semaphore, #tpu.memory_space<semaphore_mem>>) src(%dma_wait3A_102 : memref<10240x128xf32, #tpu.memory_space<hbm>>) dst(%arg10 : memref<128x128xf32, #tpu.memory_space<vmem>>)
        "tpu.region"() ({
          %run_scoped3A = tpu.sem_alloc : memref<!tpu.dma_semaphore, #tpu.memory_space<semaphore_mem>>
          %dma_start3A_111 = arith.constant 0 : i32
          %dma_start3A_112 = tpu.memref_slice %arg9[%mul3A_82, %dma_start3A_111] : memref<40x128xi32, #tpu.memory_space<vmem>> -> memref<1x128xi32, #tpu.memory_space<vmem>>
          %dma_start3A_113 = tpu.memref_squeeze %dma_start3A_112 : memref<1x128xi32, #tpu.memory_space<vmem>> -> memref<128xi32, #tpu.memory_space<vmem>>
          %dma_start3A_114 = arith.constant 0 : i32
          %dma_start3A_115 = arith.constant 0 : i32
          %dma_start3A_116 = tpu.memref_slice %arg12[%dma_start3A_114, %dma_start3A_115] : memref<10240x128xf32, #tpu.memory_space<vmem_shared>> -> memref<10240x128xf32, #tpu.memory_space<vmem_shared>>
          tpu.enqueue_indirect_dma source(%arg10 : memref<128x128xf32, #tpu.memory_space<vmem>>) target(%dma_start3A_116 : memref<10240x128xf32, #tpu.memory_space<vmem_shared>>) offsets(%dma_start3A_113 : memref<128xi32, #tpu.memory_space<vmem>>) semaphore(%run_scoped3A : memref<!tpu.dma_semaphore, #tpu.memory_space<semaphore_mem>>) {add = true}
          %dma_wait3A_117 = arith.constant 0 : i32
          %dma_wait3A_118 = tpu.memref_slice %arg9[%mul3A_82, %dma_wait3A_117] : memref<40x128xi32, #tpu.memory_space<vmem>> -> memref<1x128xi32, #tpu.memory_space<vmem>>
          %dma_wait3A_119 = tpu.memref_squeeze %dma_wait3A_118 : memref<1x128xi32, #tpu.memory_space<vmem>> -> memref<128xi32, #tpu.memory_space<vmem>>
          %dma_wait3A_120 = arith.constant 0 : i32
          %dma_wait3A_121 = arith.constant 0 : i32
          %dma_wait3A_122 = tpu.memref_slice %arg12[%dma_wait3A_120, %dma_wait3A_121] : memref<10240x128xf32, #tpu.memory_space<vmem_shared>> -> memref<10240x128xf32, #tpu.memory_space<vmem_shared>>
          tpu.wait_indirect_dma semaphore(%run_scoped3A : memref<!tpu.dma_semaphore, #tpu.memory_space<semaphore_mem>>) src(%arg10 : memref<128x128xf32, #tpu.memory_space<vmem>>) dst(%dma_wait3A_122 : memref<10240x128xf32, #tpu.memory_space<vmem_shared>>)
          tpu.yield
        }) : () -> ()
        %dma_wait3A_103 = arith.constant 0 : i32
        %dma_wait3A_104 = tpu.memref_slice %arg8[%add3A_90, %dma_wait3A_103] : memref<40x128xi32, #tpu.memory_space<vmem>> -> memref<1x128xi32, #tpu.memory_space<vmem>>
        %dma_wait3A_105 = tpu.memref_squeeze %dma_wait3A_104 : memref<1x128xi32, #tpu.memory_space<vmem>> -> memref<128xi32, #tpu.memory_space<vmem>>
        %dma_wait3A_106 = arith.constant 0 : i32
        %dma_wait3A_107 = arith.constant 0 : i32
        %dma_wait3A_108 = tpu.memref_slice %arg2[%dma_wait3A_106, %dma_wait3A_107] : memref<10240x128xf32, #tpu.memory_space<hbm>> -> memref<10240x128xf32, #tpu.memory_space<hbm>>
        tpu.wait_indirect_dma semaphore(%arg14 : memref<!tpu.dma_semaphore, #tpu.memory_space<semaphore_mem>>) src(%dma_wait3A_108 : memref<10240x128xf32, #tpu.memory_space<hbm>>) dst(%arg11 : memref<128x128xf32, #tpu.memory_space<vmem>>)
        %add3A_109 = arith.constant 1 : i32
        %add3A_110 = arith.addi %mul3A_82, %add3A_109 : i32
        "tpu.region"() ({
          %run_scoped3A = tpu.sem_alloc : memref<!tpu.dma_semaphore, #tpu.memory_space<semaphore_mem>>
          %dma_start3A_111 = arith.constant 0 : i32
          %dma_start3A_112 = tpu.memref_slice %arg9[%add3A_110, %dma_start3A_111] : memref<40x128xi32, #tpu.memory_space<vmem>> -> memref<1x128xi32, #tpu.memory_space<vmem>>
          %dma_start3A_113 = tpu.memref_squeeze %dma_start3A_112 : memref<1x128xi32, #tpu.memory_space<vmem>> -> memref<128xi32, #tpu.memory_space<vmem>>
          %dma_start3A_114 = arith.constant 0 : i32
          %dma_start3A_115 = arith.constant 0 : i32
          %dma_start3A_116 = tpu.memref_slice %arg12[%dma_start3A_114, %dma_start3A_115] : memref<10240x128xf32, #tpu.memory_space<vmem_shared>> -> memref<10240x128xf32, #tpu.memory_space<vmem_shared>>
          tpu.enqueue_indirect_dma source(%arg11 : memref<128x128xf32, #tpu.memory_space<vmem>>) target(%dma_start3A_116 : memref<10240x128xf32, #tpu.memory_space<vmem_shared>>) offsets(%dma_start3A_113 : memref<128xi32, #tpu.memory_space<vmem>>) semaphore(%run_scoped3A : memref<!tpu.dma_semaphore, #tpu.memory_space<semaphore_mem>>) {add = true}
          %dma_wait3A_117 = arith.constant 0 : i32
          %dma_wait3A_118 = tpu.memref_slice %arg9[%add3A_110, %dma_wait3A_117] : memref<40x128xi32, #tpu.memory_space<vmem>> -> memref<1x128xi32, #tpu.memory_space<vmem>>
          %dma_wait3A_119 = tpu.memref_squeeze %dma_wait3A_118 : memref<1x128xi32, #tpu.memory_space<vmem>> -> memref<128xi32, #tpu.memory_space<vmem>>
          %dma_wait3A_120 = arith.constant 0 : i32
          %dma_wait3A_121 = arith.constant 0 : i32
          %dma_wait3A_122 = tpu.memref_slice %arg12[%dma_wait3A_120, %dma_wait3A_121] : memref<10240x128xf32, #tpu.memory_space<vmem_shared>> -> memref<10240x128xf32, #tpu.memory_space<vmem_shared>>
          tpu.wait_indirect_dma semaphore(%run_scoped3A : memref<!tpu.dma_semaphore, #tpu.memory_space<semaphore_mem>>) src(%arg11 : memref<128x128xf32, #tpu.memory_space<vmem>>) dst(%dma_wait3A_122 : memref<10240x128xf32, #tpu.memory_space<vmem_shared>>)
          tpu.yield
        }) : () -> ()
      }
      %scan3A_65 = arith.constant 20 : i32
      %mul3A_66 = arith.constant 80 : i32
      %mul3A_67 = arith.muli %arg1, %mul3A_66 : i32
      %add3A_68 = arith.constant 40 : i32
      %add3A_69 = arith.addi %mul3A_67, %add3A_68 : i32
      "tpu.region"() ({
        %run_scoped3A = tpu.sem_alloc : memref<!tpu.dma_semaphore, #tpu.memory_space<semaphore_mem>>
        %dma_start3A_80 = arith.constant 0 : i32
        %dma_start3A_81 = tpu.memref_slice %arg4[%add3A_69, %dma_start3A_80] : memref<1280x128xi32, #tpu.memory_space<hbm>> -> memref<40x128xi32, #tpu.memory_space<hbm>>
        %dma_start3A_82 = arith.constant 0 : i32
        %dma_start3A_83 = tpu.memref_slice %arg4[%add3A_69, %dma_start3A_82] : memref<1280x128xi32, #tpu.memory_space<hbm>> -> memref<40x128xi32, #tpu.memory_space<hbm>>
        tpu.enqueue_dma source(%dma_start3A_83 : memref<40x128xi32, #tpu.memory_space<hbm>>) target(%arg8 : memref<40x128xi32, #tpu.memory_space<vmem>>) target_semaphore(%run_scoped3A : memref<!tpu.dma_semaphore, #tpu.memory_space<semaphore_mem>>)
        %dma_wait3A_84 = arith.constant 0 : i32
        %dma_wait3A_85 = tpu.memref_slice %arg4[%add3A_69, %dma_wait3A_84] : memref<1280x128xi32, #tpu.memory_space<hbm>> -> memref<40x128xi32, #tpu.memory_space<hbm>>
        %dma_wait3A_86 = arith.constant 0 : i32
        %dma_wait3A_87 = tpu.memref_slice %arg4[%add3A_69, %dma_wait3A_86] : memref<1280x128xi32, #tpu.memory_space<hbm>> -> memref<40x128xi32, #tpu.memory_space<hbm>>
        tpu.wait_dma2 semaphore(%run_scoped3A : memref<!tpu.dma_semaphore, #tpu.memory_space<semaphore_mem>>) src(%dma_wait3A_87 : memref<40x128xi32, #tpu.memory_space<hbm>>) dst(%arg8 : memref<40x128xi32, #tpu.memory_space<vmem>>)
        tpu.yield
      }) : () -> ()
      %mul3A_70 = arith.constant 80 : i32
      %mul3A_71 = arith.muli %arg1, %mul3A_70 : i32
      %add3A_72 = arith.constant 40 : i32
      %add3A_73 = arith.addi %mul3A_71, %add3A_72 : i32
      "tpu.region"() ({
        %run_scoped3A = tpu.sem_alloc : memref<!tpu.dma_semaphore, #tpu.memory_space<semaphore_mem>>
        %dma_start3A_80 = arith.constant 0 : i32
        %dma_start3A_81 = tpu.memref_slice %arg5[%add3A_73, %dma_start3A_80] : memref<1280x128xi32, #tpu.memory_space<hbm>> -> memref<40x128xi32, #tpu.memory_space<hbm>>
        %dma_start3A_82 = arith.constant 0 : i32
        %dma_start3A_83 = tpu.memref_slice %arg5[%add3A_73, %dma_start3A_82] : memref<1280x128xi32, #tpu.memory_space<hbm>> -> memref<40x128xi32, #tpu.memory_space<hbm>>
        tpu.enqueue_dma source(%dma_start3A_83 : memref<40x128xi32, #tpu.memory_space<hbm>>) target(%arg9 : memref<40x128xi32, #tpu.memory_space<vmem>>) target_semaphore(%run_scoped3A : memref<!tpu.dma_semaphore, #tpu.memory_space<semaphore_mem>>)
        %dma_wait3A_84 = arith.constant 0 : i32
        %dma_wait3A_85 = tpu.memref_slice %arg5[%add3A_73, %dma_wait3A_84] : memref<1280x128xi32, #tpu.memory_space<hbm>> -> memref<40x128xi32, #tpu.memory_space<hbm>>
        %dma_wait3A_86 = arith.constant 0 : i32
        %dma_wait3A_87 = tpu.memref_slice %arg5[%add3A_73, %dma_wait3A_86] : memref<1280x128xi32, #tpu.memory_space<hbm>> -> memref<40x128xi32, #tpu.memory_space<hbm>>
        tpu.wait_dma2 semaphore(%run_scoped3A : memref<!tpu.dma_semaphore, #tpu.memory_space<semaphore_mem>>) src(%dma_wait3A_87 : memref<40x128xi32, #tpu.memory_space<hbm>>) dst(%arg9 : memref<40x128xi32, #tpu.memory_space<vmem>>)
        tpu.yield
      }) : () -> ()
      %scan3A_74 = arith.constant 0 : i32
      %scan3A_75 = arith.constant 0 : i32
      %scan3A_76 = arith.constant 20 : i32
      %scan3A_77 = arith.addi %scan3A_75, %scan3A_76 : i32
      %scan3A_78 = arith.constant 1 : i32
      scf.for %scan3A_80 = %scan3A_75 to %scan3A_77 step %scan3A_78  : i32 {
        %mul3A_81 = arith.constant 2 : i32
        %mul3A_82 = arith.muli %scan3A_80, %mul3A_81 : i32
        %dma_start3A_83 = arith.constant 0 : i32
        %dma_start3A_84 = tpu.memref_slice %arg8[%mul3A_82, %dma_start3A_83] : memref<40x128xi32, #tpu.memory_space<vmem>> -> memref<1x128xi32, #tpu.memory_space<vmem>>
        %dma_start3A_85 = tpu.memref_squeeze %dma_start3A_84 : memref<1x128xi32, #tpu.memory_space<vmem>> -> memref<128xi32, #tpu.memory_space<vmem>>
        %dma_start3A_86 = arith.constant 0 : i32
        %dma_start3A_87 = arith.constant 0 : i32
        %dma_start3A_88 = tpu.memref_slice %arg2[%dma_start3A_86, %dma_start3A_87] : memref<10240x128xf32, #tpu.memory_space<hbm>> -> memref<10240x128xf32, #tpu.memory_space<hbm>>
        tpu.enqueue_indirect_dma source(%dma_start3A_88 : memref<10240x128xf32, #tpu.memory_space<hbm>>) target(%arg10 : memref<128x128xf32, #tpu.memory_space<vmem>>) offsets(%dma_start3A_85 : memref<128xi32, #tpu.memory_space<vmem>>) semaphore(%arg13 : memref<!tpu.dma_semaphore, #tpu.memory_space<semaphore_mem>>)
        %add3A_89 = arith.constant 1 : i32
        %add3A_90 = arith.addi %mul3A_82, %add3A_89 : i32
        %dma_start3A_91 = arith.constant 0 : i32
        %dma_start3A_92 = tpu.memref_slice %arg8[%add3A_90, %dma_start3A_91] : memref<40x128xi32, #tpu.memory_space<vmem>> -> memref<1x128xi32, #tpu.memory_space<vmem>>
        %dma_start3A_93 = tpu.memref_squeeze %dma_start3A_92 : memref<1x128xi32, #tpu.memory_space<vmem>> -> memref<128xi32, #tpu.memory_space<vmem>>
        %dma_start3A_94 = arith.constant 0 : i32
        %dma_start3A_95 = arith.constant 0 : i32
        %dma_start3A_96 = tpu.memref_slice %arg2[%dma_start3A_94, %dma_start3A_95] : memref<10240x128xf32, #tpu.memory_space<hbm>> -> memref<10240x128xf32, #tpu.memory_space<hbm>>
        tpu.enqueue_indirect_dma source(%dma_start3A_96 : memref<10240x128xf32, #tpu.memory_space<hbm>>) target(%arg11 : memref<128x128xf32, #tpu.memory_space<vmem>>) offsets(%dma_start3A_93 : memref<128xi32, #tpu.memory_space<vmem>>) semaphore(%arg14 : memref<!tpu.dma_semaphore, #tpu.memory_space<semaphore_mem>>)
        %dma_wait3A_97 = arith.constant 0 : i32
        %dma_wait3A_98 = tpu.memref_slice %arg8[%mul3A_82, %dma_wait3A_97] : memref<40x128xi32, #tpu.memory_space<vmem>> -> memref<1x128xi32, #tpu.memory_space<vmem>>
        %dma_wait3A_99 = tpu.memref_squeeze %dma_wait3A_98 : memref<1x128xi32, #tpu.memory_space<vmem>> -> memref<128xi32, #tpu.memory_space<vmem>>
        %dma_wait3A_100 = arith.constant 0 : i32
        %dma_wait3A_101 = arith.constant 0 : i32
        %dma_wait3A_102 = tpu.memref_slice %arg2[%dma_wait3A_100, %dma_wait3A_101] : memref<10240x128xf32, #tpu.memory_space<hbm>> -> memref<10240x128xf32, #tpu.memory_space<hbm>>
        tpu.wait_indirect_dma semaphore(%arg13 : memref<!tpu.dma_semaphore, #tpu.memory_space<semaphore_mem>>) src(%dma_wait3A_102 : memref<10240x128xf32, #tpu.memory_space<hbm>>) dst(%arg10 : memref<128x128xf32, #tpu.memory_space<vmem>>)
        "tpu.region"() ({
          %run_scoped3A = tpu.sem_alloc : memref<!tpu.dma_semaphore, #tpu.memory_space<semaphore_mem>>
          %dma_start3A_111 = arith.constant 0 : i32
          %dma_start3A_112 = tpu.memref_slice %arg9[%mul3A_82, %dma_start3A_111] : memref<40x128xi32, #tpu.memory_space<vmem>> -> memref<1x128xi32, #tpu.memory_space<vmem>>
          %dma_start3A_113 = tpu.memref_squeeze %dma_start3A_112 : memref<1x128xi32, #tpu.memory_space<vmem>> -> memref<128xi32, #tpu.memory_space<vmem>>
          %dma_start3A_114 = arith.constant 0 : i32
          %dma_start3A_115 = arith.constant 0 : i32
          %dma_start3A_116 = tpu.memref_slice %arg12[%dma_start3A_114, %dma_start3A_115] : memref<10240x128xf32, #tpu.memory_space<vmem_shared>> -> memref<10240x128xf32, #tpu.memory_space<vmem_shared>>
          tpu.enqueue_indirect_dma source(%arg10 : memref<128x128xf32, #tpu.memory_space<vmem>>) target(%dma_start3A_116 : memref<10240x128xf32, #tpu.memory_space<vmem_shared>>) offsets(%dma_start3A_113 : memref<128xi32, #tpu.memory_space<vmem>>) semaphore(%run_scoped3A : memref<!tpu.dma_semaphore, #tpu.memory_space<semaphore_mem>>) {add = true}
          %dma_wait3A_117 = arith.constant 0 : i32
          %dma_wait3A_118 = tpu.memref_slice %arg9[%mul3A_82, %dma_wait3A_117] : memref<40x128xi32, #tpu.memory_space<vmem>> -> memref<1x128xi32, #tpu.memory_space<vmem>>
          %dma_wait3A_119 = tpu.memref_squeeze %dma_wait3A_118 : memref<1x128xi32, #tpu.memory_space<vmem>> -> memref<128xi32, #tpu.memory_space<vmem>>
          %dma_wait3A_120 = arith.constant 0 : i32
          %dma_wait3A_121 = arith.constant 0 : i32
          %dma_wait3A_122 = tpu.memref_slice %arg12[%dma_wait3A_120, %dma_wait3A_121] : memref<10240x128xf32, #tpu.memory_space<vmem_shared>> -> memref<10240x128xf32, #tpu.memory_space<vmem_shared>>
          tpu.wait_indirect_dma semaphore(%run_scoped3A : memref<!tpu.dma_semaphore, #tpu.memory_space<semaphore_mem>>) src(%arg10 : memref<128x128xf32, #tpu.memory_space<vmem>>) dst(%dma_wait3A_122 : memref<10240x128xf32, #tpu.memory_space<vmem_shared>>)
          tpu.yield
        }) : () -> ()
        %dma_wait3A_103 = arith.constant 0 : i32
        %dma_wait3A_104 = tpu.memref_slice %arg8[%add3A_90, %dma_wait3A_103] : memref<40x128xi32, #tpu.memory_space<vmem>> -> memref<1x128xi32, #tpu.memory_space<vmem>>
        %dma_wait3A_105 = tpu.memref_squeeze %dma_wait3A_104 : memref<1x128xi32, #tpu.memory_space<vmem>> -> memref<128xi32, #tpu.memory_space<vmem>>
        %dma_wait3A_106 = arith.constant 0 : i32
        %dma_wait3A_107 = arith.constant 0 : i32
        %dma_wait3A_108 = tpu.memref_slice %arg2[%dma_wait3A_106, %dma_wait3A_107] : memref<10240x128xf32, #tpu.memory_space<hbm>> -> memref<10240x128xf32, #tpu.memory_space<hbm>>
        tpu.wait_indirect_dma semaphore(%arg14 : memref<!tpu.dma_semaphore, #tpu.memory_space<semaphore_mem>>) src(%dma_wait3A_108 : memref<10240x128xf32, #tpu.memory_space<hbm>>) dst(%arg11 : memref<128x128xf32, #tpu.memory_space<vmem>>)
        %add3A_109 = arith.constant 1 : i32
        %add3A_110 = arith.addi %mul3A_82, %add3A_109 : i32
        "tpu.region"() ({
          %run_scoped3A = tpu.sem_alloc : memref<!tpu.dma_semaphore, #tpu.memory_space<semaphore_mem>>
          %dma_start3A_111 = arith.constant 0 : i32
          %dma_start3A_112 = tpu.memref_slice %arg9[%add3A_110, %dma_start3A_111] : memref<40x128xi32, #tpu.memory_space<vmem>> -> memref<1x128xi32, #tpu.memory_space<vmem>>
          %dma_start3A_113 = tpu.memref_squeeze %dma_start3A_112 : memref<1x128xi32, #tpu.memory_space<vmem>> -> memref<128xi32, #tpu.memory_space<vmem>>
          %dma_start3A_114 = arith.constant 0 : i32
          %dma_start3A_115 = arith.constant 0 : i32
          %dma_start3A_116 = tpu.memref_slice %arg12[%dma_start3A_114, %dma_start3A_115] : memref<10240x128xf32, #tpu.memory_space<vmem_shared>> -> memref<10240x128xf32, #tpu.memory_space<vmem_shared>>
          tpu.enqueue_indirect_dma source(%arg11 : memref<128x128xf32, #tpu.memory_space<vmem>>) target(%dma_start3A_116 : memref<10240x128xf32, #tpu.memory_space<vmem_shared>>) offsets(%dma_start3A_113 : memref<128xi32, #tpu.memory_space<vmem>>) semaphore(%run_scoped3A : memref<!tpu.dma_semaphore, #tpu.memory_space<semaphore_mem>>) {add = true}
          %dma_wait3A_117 = arith.constant 0 : i32
          %dma_wait3A_118 = tpu.memref_slice %arg9[%add3A_110, %dma_wait3A_117] : memref<40x128xi32, #tpu.memory_space<vmem>> -> memref<1x128xi32, #tpu.memory_space<vmem>>
          %dma_wait3A_119 = tpu.memref_squeeze %dma_wait3A_118 : memref<1x128xi32, #tpu.memory_space<vmem>> -> memref<128xi32, #tpu.memory_space<vmem>>
          %dma_wait3A_120 = arith.constant 0 : i32
          %dma_wait3A_121 = arith.constant 0 : i32
          %dma_wait3A_122 = tpu.memref_slice %arg12[%dma_wait3A_120, %dma_wait3A_121] : memref<10240x128xf32, #tpu.memory_space<vmem_shared>> -> memref<10240x128xf32, #tpu.memory_space<vmem_shared>>
          tpu.wait_indirect_dma semaphore(%run_scoped3A : memref<!tpu.dma_semaphore, #tpu.memory_space<semaphore_mem>>) src(%arg11 : memref<128x128xf32, #tpu.memory_space<vmem>>) dst(%dma_wait3A_122 : memref<10240x128xf32, #tpu.memory_space<vmem_shared>>)
          tpu.yield
        }) : () -> ()
      }
      %scan3A_79 = arith.constant 20 : i32
    } else {
    }
    %eq3A_44 = arith.constant 1 : i32
    %eq3A_45 = arith.cmpi eq, %arg0, %eq3A_44 : i32
    %convert_element_type3A_46 = arith.extui %eq3A_45 : i1 to i32
    %cond3A_47 = arith.constant 0 : i32
    %cond3A_48 = arith.cmpi ne, %convert_element_type3A_46, %cond3A_47 : i32
    scf.if %cond3A_48 {
      %scan3A_60 = arith.constant 0 : i32
      %scan3A_61 = arith.constant 0 : i32
      %scan3A_62 = arith.constant 20 : i32
      %scan3A_63 = arith.addi %scan3A_61, %scan3A_62 : i32
      %scan3A_64 = arith.constant 1 : i32
      scf.for %scan3A_80 = %scan3A_61 to %scan3A_63 step %scan3A_64  : i32 {
        %mul3A_81 = arith.constant 2 : i32
        %mul3A_82 = arith.muli %scan3A_80, %mul3A_81 : i32
        %dma_start3A_83 = arith.constant 0 : i32
        %dma_start3A_84 = tpu.memref_slice %arg8[%mul3A_82, %dma_start3A_83] : memref<40x128xi32, #tpu.memory_space<vmem>> -> memref<1x128xi32, #tpu.memory_space<vmem>>
        %dma_start3A_85 = tpu.memref_squeeze %dma_start3A_84 : memref<1x128xi32, #tpu.memory_space<vmem>> -> memref<128xi32, #tpu.memory_space<vmem>>
        %dma_start3A_86 = arith.constant 0 : i32
        %dma_start3A_87 = arith.constant 0 : i32
        %dma_start3A_88 = tpu.memref_slice %arg3[%dma_start3A_86, %dma_start3A_87] : memref<10240x128xf32, #tpu.memory_space<hbm>> -> memref<10240x128xf32, #tpu.memory_space<hbm>>
        tpu.enqueue_indirect_dma source(%dma_start3A_88 : memref<10240x128xf32, #tpu.memory_space<hbm>>) target(%arg10 : memref<128x128xf32, #tpu.memory_space<vmem>>) offsets(%dma_start3A_85 : memref<128xi32, #tpu.memory_space<vmem>>) semaphore(%arg13 : memref<!tpu.dma_semaphore, #tpu.memory_space<semaphore_mem>>)
        %add3A_89 = arith.constant 1 : i32
        %add3A_90 = arith.addi %mul3A_82, %add3A_89 : i32
        %dma_start3A_91 = arith.constant 0 : i32
        %dma_start3A_92 = tpu.memref_slice %arg8[%add3A_90, %dma_start3A_91] : memref<40x128xi32, #tpu.memory_space<vmem>> -> memref<1x128xi32, #tpu.memory_space<vmem>>
        %dma_start3A_93 = tpu.memref_squeeze %dma_start3A_92 : memref<1x128xi32, #tpu.memory_space<vmem>> -> memref<128xi32, #tpu.memory_space<vmem>>
        %dma_start3A_94 = arith.constant 0 : i32
        %dma_start3A_95 = arith.constant 0 : i32
        %dma_start3A_96 = tpu.memref_slice %arg3[%dma_start3A_94, %dma_start3A_95] : memref<10240x128xf32, #tpu.memory_space<hbm>> -> memref<10240x128xf32, #tpu.memory_space<hbm>>
        tpu.enqueue_indirect_dma source(%dma_start3A_96 : memref<10240x128xf32, #tpu.memory_space<hbm>>) target(%arg11 : memref<128x128xf32, #tpu.memory_space<vmem>>) offsets(%dma_start3A_93 : memref<128xi32, #tpu.memory_space<vmem>>) semaphore(%arg14 : memref<!tpu.dma_semaphore, #tpu.memory_space<semaphore_mem>>)
        %dma_wait3A_97 = arith.constant 0 : i32
        %dma_wait3A_98 = tpu.memref_slice %arg8[%mul3A_82, %dma_wait3A_97] : memref<40x128xi32, #tpu.memory_space<vmem>> -> memref<1x128xi32, #tpu.memory_space<vmem>>
        %dma_wait3A_99 = tpu.memref_squeeze %dma_wait3A_98 : memref<1x128xi32, #tpu.memory_space<vmem>> -> memref<128xi32, #tpu.memory_space<vmem>>
        %dma_wait3A_100 = arith.constant 0 : i32
        %dma_wait3A_101 = arith.constant 0 : i32
        %dma_wait3A_102 = tpu.memref_slice %arg3[%dma_wait3A_100, %dma_wait3A_101] : memref<10240x128xf32, #tpu.memory_space<hbm>> -> memref<10240x128xf32, #tpu.memory_space<hbm>>
        tpu.wait_indirect_dma semaphore(%arg13 : memref<!tpu.dma_semaphore, #tpu.memory_space<semaphore_mem>>) src(%dma_wait3A_102 : memref<10240x128xf32, #tpu.memory_space<hbm>>) dst(%arg10 : memref<128x128xf32, #tpu.memory_space<vmem>>)
        "tpu.region"() ({
          %run_scoped3A = tpu.sem_alloc : memref<!tpu.dma_semaphore, #tpu.memory_space<semaphore_mem>>
          %dma_start3A_111 = arith.constant 0 : i32
          %dma_start3A_112 = tpu.memref_slice %arg9[%mul3A_82, %dma_start3A_111] : memref<40x128xi32, #tpu.memory_space<vmem>> -> memref<1x128xi32, #tpu.memory_space<vmem>>
          %dma_start3A_113 = tpu.memref_squeeze %dma_start3A_112 : memref<1x128xi32, #tpu.memory_space<vmem>> -> memref<128xi32, #tpu.memory_space<vmem>>
          %dma_start3A_114 = arith.constant 0 : i32
          %dma_start3A_115 = arith.constant 0 : i32
          %dma_start3A_116 = tpu.memref_slice %arg12[%dma_start3A_114, %dma_start3A_115] : memref<10240x128xf32, #tpu.memory_space<vmem_shared>> -> memref<10240x128xf32, #tpu.memory_space<vmem_shared>>
          tpu.enqueue_indirect_dma source(%arg10 : memref<128x128xf32, #tpu.memory_space<vmem>>) target(%dma_start3A_116 : memref<10240x128xf32, #tpu.memory_space<vmem_shared>>) offsets(%dma_start3A_113 : memref<128xi32, #tpu.memory_space<vmem>>) semaphore(%run_scoped3A : memref<!tpu.dma_semaphore, #tpu.memory_space<semaphore_mem>>) {add = true}
          %dma_wait3A_117 = arith.constant 0 : i32
          %dma_wait3A_118 = tpu.memref_slice %arg9[%mul3A_82, %dma_wait3A_117] : memref<40x128xi32, #tpu.memory_space<vmem>> -> memref<1x128xi32, #tpu.memory_space<vmem>>
          %dma_wait3A_119 = tpu.memref_squeeze %dma_wait3A_118 : memref<1x128xi32, #tpu.memory_space<vmem>> -> memref<128xi32, #tpu.memory_space<vmem>>
          %dma_wait3A_120 = arith.constant 0 : i32
          %dma_wait3A_121 = arith.constant 0 : i32
          %dma_wait3A_122 = tpu.memref_slice %arg12[%dma_wait3A_120, %dma_wait3A_121] : memref<10240x128xf32, #tpu.memory_space<vmem_shared>> -> memref<10240x128xf32, #tpu.memory_space<vmem_shared>>
          tpu.wait_indirect_dma semaphore(%run_scoped3A : memref<!tpu.dma_semaphore, #tpu.memory_space<semaphore_mem>>) src(%arg10 : memref<128x128xf32, #tpu.memory_space<vmem>>) dst(%dma_wait3A_122 : memref<10240x128xf32, #tpu.memory_space<vmem_shared>>)
          tpu.yield
        }) : () -> ()
        %dma_wait3A_103 = arith.constant 0 : i32
        %dma_wait3A_104 = tpu.memref_slice %arg8[%add3A_90, %dma_wait3A_103] : memref<40x128xi32, #tpu.memory_space<vmem>> -> memref<1x128xi32, #tpu.memory_space<vmem>>
        %dma_wait3A_105 = tpu.memref_squeeze %dma_wait3A_104 : memref<1x128xi32, #tpu.memory_space<vmem>> -> memref<128xi32, #tpu.memory_space<vmem>>
        %dma_wait3A_106 = arith.constant 0 : i32
        %dma_wait3A_107 = arith.constant 0 : i32
        %dma_wait3A_108 = tpu.memref_slice %arg3[%dma_wait3A_106, %dma_wait3A_107] : memref<10240x128xf32, #tpu.memory_space<hbm>> -> memref<10240x128xf32, #tpu.memory_space<hbm>>
        tpu.wait_indirect_dma semaphore(%arg14 : memref<!tpu.dma_semaphore, #tpu.memory_space<semaphore_mem>>) src(%dma_wait3A_108 : memref<10240x128xf32, #tpu.memory_space<hbm>>) dst(%arg11 : memref<128x128xf32, #tpu.memory_space<vmem>>)
        %add3A_109 = arith.constant 1 : i32
        %add3A_110 = arith.addi %mul3A_82, %add3A_109 : i32
        "tpu.region"() ({
          %run_scoped3A = tpu.sem_alloc : memref<!tpu.dma_semaphore, #tpu.memory_space<semaphore_mem>>
          %dma_start3A_111 = arith.constant 0 : i32
          %dma_start3A_112 = tpu.memref_slice %arg9[%add3A_110, %dma_start3A_111] : memref<40x128xi32, #tpu.memory_space<vmem>> -> memref<1x128xi32, #tpu.memory_space<vmem>>
          %dma_start3A_113 = tpu.memref_squeeze %dma_start3A_112 : memref<1x128xi32, #tpu.memory_space<vmem>> -> memref<128xi32, #tpu.memory_space<vmem>>
          %dma_start3A_114 = arith.constant 0 : i32
          %dma_start3A_115 = arith.constant 0 : i32
          %dma_start3A_116 = tpu.memref_slice %arg12[%dma_start3A_114, %dma_start3A_115] : memref<10240x128xf32, #tpu.memory_space<vmem_shared>> -> memref<10240x128xf32, #tpu.memory_space<vmem_shared>>
          tpu.enqueue_indirect_dma source(%arg11 : memref<128x128xf32, #tpu.memory_space<vmem>>) target(%dma_start3A_116 : memref<10240x128xf32, #tpu.memory_space<vmem_shared>>) offsets(%dma_start3A_113 : memref<128xi32, #tpu.memory_space<vmem>>) semaphore(%run_scoped3A : memref<!tpu.dma_semaphore, #tpu.memory_space<semaphore_mem>>) {add = true}
          %dma_wait3A_117 = arith.constant 0 : i32
          %dma_wait3A_118 = tpu.memref_slice %arg9[%add3A_110, %dma_wait3A_117] : memref<40x128xi32, #tpu.memory_space<vmem>> -> memref<1x128xi32, #tpu.memory_space<vmem>>
          %dma_wait3A_119 = tpu.memref_squeeze %dma_wait3A_118 : memref<1x128xi32, #tpu.memory_space<vmem>> -> memref<128xi32, #tpu.memory_space<vmem>>
          %dma_wait3A_120 = arith.constant 0 : i32
          %dma_wait3A_121 = arith.constant 0 : i32
          %dma_wait3A_122 = tpu.memref_slice %arg12[%dma_wait3A_120, %dma_wait3A_121] : memref<10240x128xf32, #tpu.memory_space<vmem_shared>> -> memref<10240x128xf32, #tpu.memory_space<vmem_shared>>
          tpu.wait_indirect_dma semaphore(%run_scoped3A : memref<!tpu.dma_semaphore, #tpu.memory_space<semaphore_mem>>) src(%arg11 : memref<128x128xf32, #tpu.memory_space<vmem>>) dst(%dma_wait3A_122 : memref<10240x128xf32, #tpu.memory_space<vmem_shared>>)
          tpu.yield
        }) : () -> ()
      }
      %scan3A_65 = arith.constant 20 : i32
      %mul3A_66 = arith.constant 80 : i32
      %mul3A_67 = arith.muli %arg1, %mul3A_66 : i32
      %add3A_68 = arith.constant 40 : i32
      %add3A_69 = arith.addi %mul3A_67, %add3A_68 : i32
      "tpu.region"() ({
        %run_scoped3A = tpu.sem_alloc : memref<!tpu.dma_semaphore, #tpu.memory_space<semaphore_mem>>
        %dma_start3A_80 = arith.constant 0 : i32
        %dma_start3A_81 = tpu.memref_slice %arg4[%add3A_69, %dma_start3A_80] : memref<1280x128xi32, #tpu.memory_space<hbm>> -> memref<40x128xi32, #tpu.memory_space<hbm>>
        %dma_start3A_82 = arith.constant 0 : i32
        %dma_start3A_83 = tpu.memref_slice %arg4[%add3A_69, %dma_start3A_82] : memref<1280x128xi32, #tpu.memory_space<hbm>> -> memref<40x128xi32, #tpu.memory_space<hbm>>
        tpu.enqueue_dma source(%dma_start3A_83 : memref<40x128xi32, #tpu.memory_space<hbm>>) target(%arg8 : memref<40x128xi32, #tpu.memory_space<vmem>>) target_semaphore(%run_scoped3A : memref<!tpu.dma_semaphore, #tpu.memory_space<semaphore_mem>>)
        %dma_wait3A_84 = arith.constant 0 : i32
        %dma_wait3A_85 = tpu.memref_slice %arg4[%add3A_69, %dma_wait3A_84] : memref<1280x128xi32, #tpu.memory_space<hbm>> -> memref<40x128xi32, #tpu.memory_space<hbm>>
        %dma_wait3A_86 = arith.constant 0 : i32
        %dma_wait3A_87 = tpu.memref_slice %arg4[%add3A_69, %dma_wait3A_86] : memref<1280x128xi32, #tpu.memory_space<hbm>> -> memref<40x128xi32, #tpu.memory_space<hbm>>
        tpu.wait_dma2 semaphore(%run_scoped3A : memref<!tpu.dma_semaphore, #tpu.memory_space<semaphore_mem>>) src(%dma_wait3A_87 : memref<40x128xi32, #tpu.memory_space<hbm>>) dst(%arg8 : memref<40x128xi32, #tpu.memory_space<vmem>>)
        tpu.yield
      }) : () -> ()
      %mul3A_70 = arith.constant 80 : i32
      %mul3A_71 = arith.muli %arg1, %mul3A_70 : i32
      %add3A_72 = arith.constant 40 : i32
      %add3A_73 = arith.addi %mul3A_71, %add3A_72 : i32
      "tpu.region"() ({
        %run_scoped3A = tpu.sem_alloc : memref<!tpu.dma_semaphore, #tpu.memory_space<semaphore_mem>>
        %dma_start3A_80 = arith.constant 0 : i32
        %dma_start3A_81 = tpu.memref_slice %arg5[%add3A_73, %dma_start3A_80] : memref<1280x128xi32, #tpu.memory_space<hbm>> -> memref<40x128xi32, #tpu.memory_space<hbm>>
        %dma_start3A_82 = arith.constant 0 : i32
        %dma_start3A_83 = tpu.memref_slice %arg5[%add3A_73, %dma_start3A_82] : memref<1280x128xi32, #tpu.memory_space<hbm>> -> memref<40x128xi32, #tpu.memory_space<hbm>>
        tpu.enqueue_dma source(%dma_start3A_83 : memref<40x128xi32, #tpu.memory_space<hbm>>) target(%arg9 : memref<40x128xi32, #tpu.memory_space<vmem>>) target_semaphore(%run_scoped3A : memref<!tpu.dma_semaphore, #tpu.memory_space<semaphore_mem>>)
        %dma_wait3A_84 = arith.constant 0 : i32
        %dma_wait3A_85 = tpu.memref_slice %arg5[%add3A_73, %dma_wait3A_84] : memref<1280x128xi32, #tpu.memory_space<hbm>> -> memref<40x128xi32, #tpu.memory_space<hbm>>
        %dma_wait3A_86 = arith.constant 0 : i32
        %dma_wait3A_87 = tpu.memref_slice %arg5[%add3A_73, %dma_wait3A_86] : memref<1280x128xi32, #tpu.memory_space<hbm>> -> memref<40x128xi32, #tpu.memory_space<hbm>>
        tpu.wait_dma2 semaphore(%run_scoped3A : memref<!tpu.dma_semaphore, #tpu.memory_space<semaphore_mem>>) src(%dma_wait3A_87 : memref<40x128xi32, #tpu.memory_space<hbm>>) dst(%arg9 : memref<40x128xi32, #tpu.memory_space<vmem>>)
        tpu.yield
      }) : () -> ()
      %scan3A_74 = arith.constant 0 : i32
      %scan3A_75 = arith.constant 0 : i32
      %scan3A_76 = arith.constant 20 : i32
      %scan3A_77 = arith.addi %scan3A_75, %scan3A_76 : i32
      %scan3A_78 = arith.constant 1 : i32
      scf.for %scan3A_80 = %scan3A_75 to %scan3A_77 step %scan3A_78  : i32 {
        %mul3A_81 = arith.constant 2 : i32
        %mul3A_82 = arith.muli %scan3A_80, %mul3A_81 : i32
        %dma_start3A_83 = arith.constant 0 : i32
        %dma_start3A_84 = tpu.memref_slice %arg8[%mul3A_82, %dma_start3A_83] : memref<40x128xi32, #tpu.memory_space<vmem>> -> memref<1x128xi32, #tpu.memory_space<vmem>>
        %dma_start3A_85 = tpu.memref_squeeze %dma_start3A_84 : memref<1x128xi32, #tpu.memory_space<vmem>> -> memref<128xi32, #tpu.memory_space<vmem>>
        %dma_start3A_86 = arith.constant 0 : i32
        %dma_start3A_87 = arith.constant 0 : i32
        %dma_start3A_88 = tpu.memref_slice %arg3[%dma_start3A_86, %dma_start3A_87] : memref<10240x128xf32, #tpu.memory_space<hbm>> -> memref<10240x128xf32, #tpu.memory_space<hbm>>
        tpu.enqueue_indirect_dma source(%dma_start3A_88 : memref<10240x128xf32, #tpu.memory_space<hbm>>) target(%arg10 : memref<128x128xf32, #tpu.memory_space<vmem>>) offsets(%dma_start3A_85 : memref<128xi32, #tpu.memory_space<vmem>>) semaphore(%arg13 : memref<!tpu.dma_semaphore, #tpu.memory_space<semaphore_mem>>)
        %add3A_89 = arith.constant 1 : i32
        %add3A_90 = arith.addi %mul3A_82, %add3A_89 : i32
        %dma_start3A_91 = arith.constant 0 : i32
        %dma_start3A_92 = tpu.memref_slice %arg8[%add3A_90, %dma_start3A_91] : memref<40x128xi32, #tpu.memory_space<vmem>> -> memref<1x128xi32, #tpu.memory_space<vmem>>
        %dma_start3A_93 = tpu.memref_squeeze %dma_start3A_92 : memref<1x128xi32, #tpu.memory_space<vmem>> -> memref<128xi32, #tpu.memory_space<vmem>>
        %dma_start3A_94 = arith.constant 0 : i32
        %dma_start3A_95 = arith.constant 0 : i32
        %dma_start3A_96 = tpu.memref_slice %arg3[%dma_start3A_94, %dma_start3A_95] : memref<10240x128xf32, #tpu.memory_space<hbm>> -> memref<10240x128xf32, #tpu.memory_space<hbm>>
        tpu.enqueue_indirect_dma source(%dma_start3A_96 : memref<10240x128xf32, #tpu.memory_space<hbm>>) target(%arg11 : memref<128x128xf32, #tpu.memory_space<vmem>>) offsets(%dma_start3A_93 : memref<128xi32, #tpu.memory_space<vmem>>) semaphore(%arg14 : memref<!tpu.dma_semaphore, #tpu.memory_space<semaphore_mem>>)
        %dma_wait3A_97 = arith.constant 0 : i32
        %dma_wait3A_98 = tpu.memref_slice %arg8[%mul3A_82, %dma_wait3A_97] : memref<40x128xi32, #tpu.memory_space<vmem>> -> memref<1x128xi32, #tpu.memory_space<vmem>>
        %dma_wait3A_99 = tpu.memref_squeeze %dma_wait3A_98 : memref<1x128xi32, #tpu.memory_space<vmem>> -> memref<128xi32, #tpu.memory_space<vmem>>
        %dma_wait3A_100 = arith.constant 0 : i32
        %dma_wait3A_101 = arith.constant 0 : i32
        %dma_wait3A_102 = tpu.memref_slice %arg3[%dma_wait3A_100, %dma_wait3A_101] : memref<10240x128xf32, #tpu.memory_space<hbm>> -> memref<10240x128xf32, #tpu.memory_space<hbm>>
        tpu.wait_indirect_dma semaphore(%arg13 : memref<!tpu.dma_semaphore, #tpu.memory_space<semaphore_mem>>) src(%dma_wait3A_102 : memref<10240x128xf32, #tpu.memory_space<hbm>>) dst(%arg10 : memref<128x128xf32, #tpu.memory_space<vmem>>)
        "tpu.region"() ({
          %run_scoped3A = tpu.sem_alloc : memref<!tpu.dma_semaphore, #tpu.memory_space<semaphore_mem>>
          %dma_start3A_111 = arith.constant 0 : i32
          %dma_start3A_112 = tpu.memref_slice %arg9[%mul3A_82, %dma_start3A_111] : memref<40x128xi32, #tpu.memory_space<vmem>> -> memref<1x128xi32, #tpu.memory_space<vmem>>
          %dma_start3A_113 = tpu.memref_squeeze %dma_start3A_112 : memref<1x128xi32, #tpu.memory_space<vmem>> -> memref<128xi32, #tpu.memory_space<vmem>>
          %dma_start3A_114 = arith.constant 0 : i32
          %dma_start3A_115 = arith.constant 0 : i32
          %dma_start3A_116 = tpu.memref_slice %arg12[%dma_start3A_114, %dma_start3A_115] : memref<10240x128xf32, #tpu.memory_space<vmem_shared>> -> memref<10240x128xf32, #tpu.memory_space<vmem_shared>>
          tpu.enqueue_indirect_dma source(%arg10 : memref<128x128xf32, #tpu.memory_space<vmem>>) target(%dma_start3A_116 : memref<10240x128xf32, #tpu.memory_space<vmem_shared>>) offsets(%dma_start3A_113 : memref<128xi32, #tpu.memory_space<vmem>>) semaphore(%run_scoped3A : memref<!tpu.dma_semaphore, #tpu.memory_space<semaphore_mem>>) {add = true}
          %dma_wait3A_117 = arith.constant 0 : i32
          %dma_wait3A_118 = tpu.memref_slice %arg9[%mul3A_82, %dma_wait3A_117] : memref<40x128xi32, #tpu.memory_space<vmem>> -> memref<1x128xi32, #tpu.memory_space<vmem>>
          %dma_wait3A_119 = tpu.memref_squeeze %dma_wait3A_118 : memref<1x128xi32, #tpu.memory_space<vmem>> -> memref<128xi32, #tpu.memory_space<vmem>>
          %dma_wait3A_120 = arith.constant 0 : i32
          %dma_wait3A_121 = arith.constant 0 : i32
          %dma_wait3A_122 = tpu.memref_slice %arg12[%dma_wait3A_120, %dma_wait3A_121] : memref<10240x128xf32, #tpu.memory_space<vmem_shared>> -> memref<10240x128xf32, #tpu.memory_space<vmem_shared>>
          tpu.wait_indirect_dma semaphore(%run_scoped3A : memref<!tpu.dma_semaphore, #tpu.memory_space<semaphore_mem>>) src(%arg10 : memref<128x128xf32, #tpu.memory_space<vmem>>) dst(%dma_wait3A_122 : memref<10240x128xf32, #tpu.memory_space<vmem_shared>>)
          tpu.yield
        }) : () -> ()
        %dma_wait3A_103 = arith.constant 0 : i32
        %dma_wait3A_104 = tpu.memref_slice %arg8[%add3A_90, %dma_wait3A_103] : memref<40x128xi32, #tpu.memory_space<vmem>> -> memref<1x128xi32, #tpu.memory_space<vmem>>
        %dma_wait3A_105 = tpu.memref_squeeze %dma_wait3A_104 : memref<1x128xi32, #tpu.memory_space<vmem>> -> memref<128xi32, #tpu.memory_space<vmem>>
        %dma_wait3A_106 = arith.constant 0 : i32
        %dma_wait3A_107 = arith.constant 0 : i32
        %dma_wait3A_108 = tpu.memref_slice %arg3[%dma_wait3A_106, %dma_wait3A_107] : memref<10240x128xf32, #tpu.memory_space<hbm>> -> memref<10240x128xf32, #tpu.memory_space<hbm>>
        tpu.wait_indirect_dma semaphore(%arg14 : memref<!tpu.dma_semaphore, #tpu.memory_space<semaphore_mem>>) src(%dma_wait3A_108 : memref<10240x128xf32, #tpu.memory_space<hbm>>) dst(%arg11 : memref<128x128xf32, #tpu.memory_space<vmem>>)
        %add3A_109 = arith.constant 1 : i32
        %add3A_110 = arith.addi %mul3A_82, %add3A_109 : i32
        "tpu.region"() ({
          %run_scoped3A = tpu.sem_alloc : memref<!tpu.dma_semaphore, #tpu.memory_space<semaphore_mem>>
          %dma_start3A_111 = arith.constant 0 : i32
          %dma_start3A_112 = tpu.memref_slice %arg9[%add3A_110, %dma_start3A_111] : memref<40x128xi32, #tpu.memory_space<vmem>> -> memref<1x128xi32, #tpu.memory_space<vmem>>
          %dma_start3A_113 = tpu.memref_squeeze %dma_start3A_112 : memref<1x128xi32, #tpu.memory_space<vmem>> -> memref<128xi32, #tpu.memory_space<vmem>>
          %dma_start3A_114 = arith.constant 0 : i32
          %dma_start3A_115 = arith.constant 0 : i32
          %dma_start3A_116 = tpu.memref_slice %arg12[%dma_start3A_114, %dma_start3A_115] : memref<10240x128xf32, #tpu.memory_space<vmem_shared>> -> memref<10240x128xf32, #tpu.memory_space<vmem_shared>>
          tpu.enqueue_indirect_dma source(%arg11 : memref<128x128xf32, #tpu.memory_space<vmem>>) target(%dma_start3A_116 : memref<10240x128xf32, #tpu.memory_space<vmem_shared>>) offsets(%dma_start3A_113 : memref<128xi32, #tpu.memory_space<vmem>>) semaphore(%run_scoped3A : memref<!tpu.dma_semaphore, #tpu.memory_space<semaphore_mem>>) {add = true}
          %dma_wait3A_117 = arith.constant 0 : i32
          %dma_wait3A_118 = tpu.memref_slice %arg9[%add3A_110, %dma_wait3A_117] : memref<40x128xi32, #tpu.memory_space<vmem>> -> memref<1x128xi32, #tpu.memory_space<vmem>>
          %dma_wait3A_119 = tpu.memref_squeeze %dma_wait3A_118 : memref<1x128xi32, #tpu.memory_space<vmem>> -> memref<128xi32, #tpu.memory_space<vmem>>
          %dma_wait3A_120 = arith.constant 0 : i32
          %dma_wait3A_121 = arith.constant 0 : i32
          %dma_wait3A_122 = tpu.memref_slice %arg12[%dma_wait3A_120, %dma_wait3A_121] : memref<10240x128xf32, #tpu.memory_space<vmem_shared>> -> memref<10240x128xf32, #tpu.memory_space<vmem_shared>>
          tpu.wait_indirect_dma semaphore(%run_scoped3A : memref<!tpu.dma_semaphore, #tpu.memory_space<semaphore_mem>>) src(%arg11 : memref<128x128xf32, #tpu.memory_space<vmem>>) dst(%dma_wait3A_122 : memref<10240x128xf32, #tpu.memory_space<vmem_shared>>)
          tpu.yield
        }) : () -> ()
      }
      %scan3A_79 = arith.constant 20 : i32
    } else {
    }
    %barrier3A_49 = arith.constant 0 : index
    tpu.barrier barrier_id(%barrier3A_49)
    %eq3A_50 = arith.constant 0 : i32
    %eq3A_51 = arith.cmpi eq, %arg0, %eq3A_50 : i32
    %convert_element_type3A_52 = arith.extui %eq3A_51 : i1 to i32
    %cond3A_53 = arith.constant 0 : i32
    %cond3A_54 = arith.cmpi ne, %convert_element_type3A_52, %cond3A_53 : i32
    scf.if %cond3A_54 {
      %mul3A_60 = arith.constant 640 : i32
      %mul3A_61 = arith.muli %arg1, %mul3A_60 : i32
      "tpu.region"() ({
        %run_scoped3A = tpu.sem_alloc : memref<!tpu.dma_semaphore, #tpu.memory_space<semaphore_mem>>
        %dma_start3A_62 = arith.constant 0 : i32
        %dma_start3A_63 = tpu.memref_slice %arg6[%mul3A_61, %dma_start3A_62] : memref<10240x128xf32, #tpu.memory_space<hbm>> -> memref<640x128xf32, #tpu.memory_space<hbm>>
        %dma_start3A_64 = arith.constant 0 : i32
        %dma_start3A_65 = tpu.memref_slice %arg12[%mul3A_61, %dma_start3A_64] : memref<10240x128xf32, #tpu.memory_space<vmem_shared>> -> memref<640x128xf32, #tpu.memory_space<vmem_shared>>
        tpu.enqueue_dma source(%dma_start3A_65 : memref<640x128xf32, #tpu.memory_space<vmem_shared>>) target(%dma_start3A_63 : memref<640x128xf32, #tpu.memory_space<hbm>>) target_semaphore(%run_scoped3A : memref<!tpu.dma_semaphore, #tpu.memory_space<semaphore_mem>>)
        %dma_wait3A_66 = arith.constant 0 : i32
        %dma_wait3A_67 = tpu.memref_slice %arg6[%mul3A_61, %dma_wait3A_66] : memref<10240x128xf32, #tpu.memory_space<hbm>> -> memref<640x128xf32, #tpu.memory_space<hbm>>
        %dma_wait3A_68 = arith.constant 0 : i32
        %dma_wait3A_69 = tpu.memref_slice %arg12[%mul3A_61, %dma_wait3A_68] : memref<10240x128xf32, #tpu.memory_space<vmem_shared>> -> memref<640x128xf32, #tpu.memory_space<vmem_shared>>
        tpu.wait_dma2 semaphore(%run_scoped3A : memref<!tpu.dma_semaphore, #tpu.memory_space<semaphore_mem>>) src(%dma_wait3A_69 : memref<640x128xf32, #tpu.memory_space<vmem_shared>>) dst(%dma_wait3A_67 : memref<640x128xf32, #tpu.memory_space<hbm>>)
        tpu.yield
      }) : () -> ()
    } else {
    }
    %eq3A_55 = arith.constant 1 : i32
    %eq3A_56 = arith.cmpi eq, %arg0, %eq3A_55 : i32
    %convert_element_type3A_57 = arith.extui %eq3A_56 : i1 to i32
    %cond3A_58 = arith.constant 0 : i32
    %cond3A_59 = arith.cmpi ne, %convert_element_type3A_57, %cond3A_58 : i32
    scf.if %cond3A_59 {
      %mul3A_60 = arith.constant 640 : i32
      %mul3A_61 = arith.muli %arg1, %mul3A_60 : i32
      "tpu.region"() ({
        %run_scoped3A = tpu.sem_alloc : memref<!tpu.dma_semaphore, #tpu.memory_space<semaphore_mem>>
        %dma_start3A_62 = arith.constant 0 : i32
        %dma_start3A_63 = tpu.memref_slice %arg7[%mul3A_61, %dma_start3A_62] : memref<10240x128xf32, #tpu.memory_space<hbm>> -> memref<640x128xf32, #tpu.memory_space<hbm>>
        %dma_start3A_64 = arith.constant 0 : i32
        %dma_start3A_65 = tpu.memref_slice %arg12[%mul3A_61, %dma_start3A_64] : memref<10240x128xf32, #tpu.memory_space<vmem_shared>> -> memref<640x128xf32, #tpu.memory_space<vmem_shared>>
        tpu.enqueue_dma source(%dma_start3A_65 : memref<640x128xf32, #tpu.memory_space<vmem_shared>>) target(%dma_start3A_63 : memref<640x128xf32, #tpu.memory_space<hbm>>) target_semaphore(%run_scoped3A : memref<!tpu.dma_semaphore, #tpu.memory_space<semaphore_mem>>)
        %dma_wait3A_66 = arith.constant 0 : i32
        %dma_wait3A_67 = tpu.memref_slice %arg7[%mul3A_61, %dma_wait3A_66] : memref<10240x128xf32, #tpu.memory_space<hbm>> -> memref<640x128xf32, #tpu.memory_space<hbm>>
        %dma_wait3A_68 = arith.constant 0 : i32
        %dma_wait3A_69 = tpu.memref_slice %arg12[%mul3A_61, %dma_wait3A_68] : memref<10240x128xf32, #tpu.memory_space<vmem_shared>> -> memref<640x128xf32, #tpu.memory_space<vmem_shared>>
        tpu.wait_dma2 semaphore(%run_scoped3A : memref<!tpu.dma_semaphore, #tpu.memory_space<semaphore_mem>>) src(%dma_wait3A_69 : memref<640x128xf32, #tpu.memory_space<vmem_shared>>) dst(%dma_wait3A_67 : memref<640x128xf32, #tpu.memory_space<hbm>>)
        tpu.yield
      }) : () -> ()
    } else {
    }
    return
  }
}

module attributes {stable_mosaic.version = 14 : i64} {
  func.func @body(%arg0: i32, %arg1: memref<1024x256xf32, #tpu.memory_space<vmem>>, %arg2: memref<256x256xf32, #tpu.memory_space<vmem>>, %arg3: memref<1024x256xf32, #tpu.memory_space<vmem>>) attributes {dimension_semantics = [#tpu.dimension_semantics<arbitrary>], iteration_bounds = array<i64: 10>, scalar_prefetch = 0 : i64, scratch_operands = 0 : i64, tpu.core_type = #tpu.core_type<tc>, window_params = [{transform_indices = @transform_0, window_bounds = array<i64: 1024, 256>}, {pipeline_mode = #tpu.pipeline_mode<synchronous>, transform_indices = @transform_1, window_bounds = array<i64: 256, 256>}, {transform_indices = @transform_2, window_bounds = array<i64: 1024, 256>}]} {
    %get3A = arith.constant 0 : index
    %get3A_0 = arith.constant 0 : index
    %get3A_1 = vector.load %arg1[%get3A, %get3A_0] : memref<1024x256xf32, #tpu.memory_space<vmem>>, vector<1024x256xf32>
    %get3A_2 = arith.constant 0 : index
    %get3A_3 = arith.constant 0 : index
    %get3A_4 = vector.load %arg2[%get3A_2, %get3A_3] : memref<256x256xf32, #tpu.memory_space<vmem>>, vector<256x256xf32>
    %dot_general3A = arith.constant dense<0.000000e+00> : vector<1024x256xf32>
    %dot_general3A_5 = tpu.matmul %get3A_1, %get3A_4, %dot_general3A {dimension_numbers = #tpu.dot_dimension_numbers<[1], [0], [0], [1], [0, 0, 1, 1], [], []>, transpose_lhs_hint = false} : vector<1024x256xf32>, vector<256x256xf32>, vector<1024x256xf32> -> vector<1024x256xf32>
    %swap3A = arith.constant 0 : index
    %swap3A_6 = arith.constant 0 : index
    %swap3A_7 = vector.load %arg3[%swap3A, %swap3A_6] : memref<1024x256xf32, #tpu.memory_space<vmem>>, vector<1024x256xf32>
    tpu.vector_store %arg3[%swap3A, %swap3A_6], %dot_general3A_5 {strides = array<i32>} : memref<1024x256xf32, #tpu.memory_space<vmem>>, vector<1024x256xf32>,
    return
  }
  func.func @transform_0(%arg0: i32) -> (i32, i32) {
    %c0_i32 = arith.constant 0 : i32
    %c0_i32_0 = arith.constant 0 : i32
    return %arg0, %c0_i32 : i32, i32
  }
  func.func @transform_1(%arg0: i32) -> (i32, i32) {
    %c0_i32 = arith.constant 0 : i32
    %c0_i32_0 = arith.constant 0 : i32
    %c0_i32_1 = arith.constant 0 : i32
    return %c0_i32, %c0_i32_0 : i32, i32
  }
  func.func @transform_2(%arg0: i32) -> (i32, i32) {
    %c0_i32 = arith.constant 0 : i32
    %c0_i32_0 = arith.constant 0 : i32
    return %arg0, %c0_i32 : i32, i32
  }
}

module attributes {stable_mosaic.version = 14 : i64} {
  func.func @body(%arg0: i32, %arg1: memref<1024x256xf32, #tpu.memory_space<vmem>>, %arg2: memref<1024x128xf32, #tpu.memory_space<vmem>>, %arg3: memref<1024x128xf32, #tpu.memory_space<vmem>>, %arg4: memref<1024x128xf32, #tpu.memory_space<vmem>>, %arg5: memref<1024x128xf32, #tpu.memory_space<vmem>>, %arg6: memref<1024x1xf32, #tpu.memory_space<vmem>>) attributes {dimension_semantics = [#tpu.dimension_semantics<arbitrary>], iteration_bounds = array<i64: 10>, scalar_prefetch = 0 : i64, scratch_operands = 0 : i64, tpu.core_type = #tpu.core_type<tc>, window_params = [{transform_indices = @transform_0, window_bounds = array<i64: 1024, 256>}, {transform_indices = @transform_1, window_bounds = array<i64: 1024, 128>}, {transform_indices = @transform_2, window_bounds = array<i64: 1024, 128>}, {transform_indices = @transform_3, window_bounds = array<i64: 1024, 128>}, {transform_indices = @transform_4, window_bounds = array<i64: 1024, 128>}, {transform_indices = @transform_5, window_bounds = array<i64: 1024, 1>}]} {
    %get3A = arith.constant 0 : index
    %get3A_0 = arith.constant 0 : index
    %get3A_1 = vector.load %arg2[%get3A, %get3A_0] : memref<1024x128xf32, #tpu.memory_space<vmem>>, vector<1024x1xf32>
    %get3A_2 = arith.constant 0 : index
    %get3A_3 = arith.constant 0 : index
    %get3A_4 = vector.load %arg3[%get3A_2, %get3A_3] : memref<1024x128xf32, #tpu.memory_space<vmem>>, vector<1024x1xf32>
    %add3A = arith.addf %get3A_1, %get3A_4 : vector<1024x1xf32>
    %add3A_5 = arith.constant 1.000000e+00 : f32
    %add3A_6 = vector.broadcast %add3A_5 : f32 to vector<1024x1xf32>
    %add3A_7 = arith.addf %add3A, %add3A_6 : vector<1024x1xf32>
    %gt3A = arith.constant 0.000000e+00 : f32
    %gt3A_8 = vector.broadcast %gt3A : f32 to vector<1024x1xf32>
    %gt3A_9 = arith.cmpf ogt, %add3A_7, %gt3A_8 : vector<1024x1xf32>
    %rsqrt3A = math.rsqrt %add3A_7 : vector<1024x1xf32>
    %jit3A = arith.constant 0.000000e+00 : f32
    %broadcast_in_dim3A = vector.broadcast %jit3A : f32 to vector<1024x1xf32>
    %select_n3A = arith.select %gt3A_9, %rsqrt3A, %broadcast_in_dim3A : vector<1024x1xi1>, vector<1024x1xf32>
    %get3A_10 = arith.constant 0 : index
    %get3A_11 = arith.constant 0 : index
    %get3A_12 = vector.load %arg1[%get3A_10, %get3A_11] : memref<1024x256xf32, #tpu.memory_space<vmem>>, vector<1024x256xf32>
    %slice3A = vector.extract_strided_slice %get3A_12 {offsets = [0, 0], sizes = [1024, 128], strides = [1, 1]} : vector<1024x256xf32> to vector<1024x128xf32>
    %mul3A = vector.broadcast %select_n3A : vector<1024x1xf32> to vector<1024x128xf32>
    %mul3A_13 = arith.mulf %slice3A, %mul3A : vector<1024x128xf32>
    %swap3A = arith.constant 0 : index
    %swap3A_14 = arith.constant 0 : index
    %swap3A_15 = vector.load %arg4[%swap3A, %swap3A_14] : memref<1024x128xf32, #tpu.memory_space<vmem>>, vector<1024x128xf32>
    tpu.vector_store %arg4[%swap3A, %swap3A_14], %mul3A_13 {strides = array<i32>} : memref<1024x128xf32, #tpu.memory_space<vmem>>, vector<1024x128xf32>,
    %slice3A_16 = vector.extract_strided_slice %get3A_12 {offsets = [0, 128], sizes = [1024, 128], strides = [1, 1]} : vector<1024x256xf32> to vector<1024x128xf32>
    %mul3A_17 = vector.broadcast %select_n3A : vector<1024x1xf32> to vector<1024x128xf32>
    %mul3A_18 = arith.mulf %slice3A_16, %mul3A_17 : vector<1024x128xf32>
    %swap3A_19 = arith.constant 0 : index
    %swap3A_20 = arith.constant 0 : index
    %swap3A_21 = vector.load %arg5[%swap3A_19, %swap3A_20] : memref<1024x128xf32, #tpu.memory_space<vmem>>, vector<1024x128xf32>
    tpu.vector_store %arg5[%swap3A_19, %swap3A_20], %mul3A_18 {strides = array<i32>} : memref<1024x128xf32, #tpu.memory_space<vmem>>, vector<1024x128xf32>,
    %swap3A_22 = arith.constant 0 : index
    %swap3A_23 = arith.constant 0 : index
    %swap3A_24 = vector.load %arg6[%swap3A_22, %swap3A_23] : memref<1024x1xf32, #tpu.memory_space<vmem>>, vector<1024x1xf32>
    tpu.vector_store %arg6[%swap3A_22, %swap3A_23], %select_n3A {strides = array<i32>} : memref<1024x1xf32, #tpu.memory_space<vmem>>, vector<1024x1xf32>,
    return
  }
  func.func @transform_0(%arg0: i32) -> (i32, i32) {
    %c0_i32 = arith.constant 0 : i32
    %c0_i32_0 = arith.constant 0 : i32
    return %arg0, %c0_i32 : i32, i32
  }
  func.func @transform_1(%arg0: i32) -> (i32, i32) {
    %c0_i32 = arith.constant 0 : i32
    %c0_i32_0 = arith.constant 0 : i32
    return %arg0, %c0_i32 : i32, i32
  }
  func.func @transform_2(%arg0: i32) -> (i32, i32) {
    %c0_i32 = arith.constant 0 : i32
    %c0_i32_0 = arith.constant 0 : i32
    return %arg0, %c0_i32 : i32, i32
  }
  func.func @transform_3(%arg0: i32) -> (i32, i32) {
    %c0_i32 = arith.constant 0 : i32
    %c0_i32_0 = arith.constant 0 : i32
    return %arg0, %c0_i32 : i32, i32
  }
  func.func @transform_4(%arg0: i32) -> (i32, i32) {
    %c0_i32 = arith.constant 0 : i32
    %c0_i32_0 = arith.constant 0 : i32
    return %arg0, %c0_i32 : i32, i32
  }
  func.func @transform_5(%arg0: i32) -> (i32, i32) {
    %c0_i32 = arith.constant 0 : i32
    %c0_i32_0 = arith.constant 0 : i32
    return %arg0, %c0_i32 : i32, i32
  }
}

module attributes {stable_mosaic.version = 14 : i64} {
  func.func @body(%arg0: i32, %arg1: memref<1024x128xf32, #tpu.memory_space<vmem>>, %arg2: memref<1024x128xf32, #tpu.memory_space<vmem>>, %arg3: memref<1024x256xf32, #tpu.memory_space<vmem>>, %arg4: memref<1024x1xf32, #tpu.memory_space<vmem>>, %arg5: memref<1x256xf32, #tpu.memory_space<vmem>>, %arg6: memref<256x256xf32, #tpu.memory_space<vmem>>, %arg7: memref<1024x256xf32, #tpu.memory_space<vmem>>, %arg8: memref<1024x128xf32, #tpu.memory_space<vmem>>, %arg9: memref<1024x128xf32, #tpu.memory_space<vmem>>) attributes {dimension_semantics = [#tpu.dimension_semantics<arbitrary>], iteration_bounds = array<i64: 10>, scalar_prefetch = 0 : i64, scratch_operands = 0 : i64, tpu.core_type = #tpu.core_type<tc>, window_params = [{transform_indices = @transform_0, window_bounds = array<i64: 1024, 128>}, {transform_indices = @transform_1, window_bounds = array<i64: 1024, 128>}, {transform_indices = @transform_2, window_bounds = array<i64: 1024, 256>}, {transform_indices = @transform_3, window_bounds = array<i64: 1024, 1>}, {pipeline_mode = #tpu.pipeline_mode<synchronous>, transform_indices = @transform_4, window_bounds = array<i64: 1, 256>}, {pipeline_mode = #tpu.pipeline_mode<synchronous>, transform_indices = @transform_5, window_bounds = array<i64: 256, 256>}, {transform_indices = @transform_6, window_bounds = array<i64: 1024, 256>}, {transform_indices = @transform_7, window_bounds = array<i64: 1024, 128>}, {transform_indices = @transform_8, window_bounds = array<i64: 1024, 128>}]} {
    %get3A = arith.constant 0 : index
    %get3A_0 = arith.constant 0 : index
    %get3A_1 = vector.load %arg4[%get3A, %get3A_0] : memref<1024x1xf32, #tpu.memory_space<vmem>>, vector<1024x1xf32>
    %get3A_2 = arith.constant 0 : index
    %get3A_3 = arith.constant 0 : index
    %get3A_4 = vector.load %arg1[%get3A_2, %get3A_3] : memref<1024x128xf32, #tpu.memory_space<vmem>>, vector<1024x128xf32>
    %get3A_5 = arith.constant 0 : index
    %get3A_6 = arith.constant 0 : index
    %get3A_7 = vector.load %arg2[%get3A_5, %get3A_6] : memref<1024x128xf32, #tpu.memory_space<vmem>>, vector<1024x128xf32>
    %concatenate3A = tpu.concatenate %get3A_4, %get3A_7 in 1 : vector<1024x128xf32>, vector<1024x128xf32> -> vector<1024x256xf32>
    %mul3A = vector.broadcast %get3A_1 : vector<1024x1xf32> to vector<1024x256xf32>
    %mul3A_8 = arith.mulf %mul3A, %concatenate3A : vector<1024x256xf32>
    %mul3A_9 = arith.mulf %get3A_1, %get3A_1 : vector<1024x1xf32>
    %get3A_10 = arith.constant 0 : index
    %get3A_11 = arith.constant 0 : index
    %get3A_12 = vector.load %arg3[%get3A_10, %get3A_11] : memref<1024x256xf32, #tpu.memory_space<vmem>>, vector<1024x256xf32>
    %mul3A_13 = vector.broadcast %mul3A_9 : vector<1024x1xf32> to vector<1024x256xf32>
    %mul3A_14 = arith.mulf %mul3A_13, %get3A_12 : vector<1024x256xf32>
    %add3A = arith.addf %mul3A_8, %mul3A_14 : vector<1024x256xf32>
    %get3A_15 = arith.constant 0 : index
    %get3A_16 = arith.constant 0 : index
    %get3A_17 = vector.load %arg5[%get3A_15, %get3A_16] : memref<1x256xf32, #tpu.memory_space<vmem>>, vector<1x256xf32>
    %add3A_18 = vector.broadcast %get3A_17 : vector<1x256xf32> to vector<1024x256xf32>
    %add3A_19 = arith.addf %add3A, %add3A_18 : vector<1024x256xf32>
    %max3A = arith.constant 0.000000e+00 : f32
    %max3A_20 = vector.broadcast %max3A : f32 to vector<1024x256xf32>
    %max3A_21 = arith.maximumf %add3A_19, %max3A_20 : vector<1024x256xf32>
    %get3A_22 = arith.constant 0 : index
    %get3A_23 = arith.constant 0 : index
    %get3A_24 = vector.load %arg6[%get3A_22, %get3A_23] : memref<256x256xf32, #tpu.memory_space<vmem>>, vector<256x256xf32>
    %dot_general3A = arith.constant dense<0.000000e+00> : vector<1024x256xf32>
    %dot_general3A_25 = tpu.matmul %max3A_21, %get3A_24, %dot_general3A {dimension_numbers = #tpu.dot_dimension_numbers<[1], [0], [0], [1], [0, 0, 1, 1], [], []>, transpose_lhs_hint = false} : vector<1024x256xf32>, vector<256x256xf32>, vector<1024x256xf32> -> vector<1024x256xf32>
    %swap3A = arith.constant 0 : index
    %swap3A_26 = arith.constant 0 : index
    %swap3A_27 = vector.load %arg7[%swap3A, %swap3A_26] : memref<1024x256xf32, #tpu.memory_space<vmem>>, vector<1024x256xf32>
    tpu.vector_store %arg7[%swap3A, %swap3A_26], %dot_general3A_25 {strides = array<i32>} : memref<1024x256xf32, #tpu.memory_space<vmem>>, vector<1024x256xf32>,
    %slice3A = vector.extract_strided_slice %dot_general3A_25 {offsets = [0, 0], sizes = [1024, 128], strides = [1, 1]} : vector<1024x256xf32> to vector<1024x128xf32>
    %mul3A_28 = vector.broadcast %get3A_1 : vector<1024x1xf32> to vector<1024x128xf32>
    %mul3A_29 = arith.mulf %slice3A, %mul3A_28 : vector<1024x128xf32>
    %swap3A_30 = arith.constant 0 : index
    %swap3A_31 = arith.constant 0 : index
    %swap3A_32 = vector.load %arg8[%swap3A_30, %swap3A_31] : memref<1024x128xf32, #tpu.memory_space<vmem>>, vector<1024x128xf32>
    tpu.vector_store %arg8[%swap3A_30, %swap3A_31], %mul3A_29 {strides = array<i32>} : memref<1024x128xf32, #tpu.memory_space<vmem>>, vector<1024x128xf32>,
    %slice3A_33 = vector.extract_strided_slice %dot_general3A_25 {offsets = [0, 128], sizes = [1024, 128], strides = [1, 1]} : vector<1024x256xf32> to vector<1024x128xf32>
    %mul3A_34 = vector.broadcast %get3A_1 : vector<1024x1xf32> to vector<1024x128xf32>
    %mul3A_35 = arith.mulf %slice3A_33, %mul3A_34 : vector<1024x128xf32>
    %swap3A_36 = arith.constant 0 : index
    %swap3A_37 = arith.constant 0 : index
    %swap3A_38 = vector.load %arg9[%swap3A_36, %swap3A_37] : memref<1024x128xf32, #tpu.memory_space<vmem>>, vector<1024x128xf32>
    tpu.vector_store %arg9[%swap3A_36, %swap3A_37], %mul3A_35 {strides = array<i32>} : memref<1024x128xf32, #tpu.memory_space<vmem>>, vector<1024x128xf32>,
    return
  }
  func.func @transform_0(%arg0: i32) -> (i32, i32) {
    %c0_i32 = arith.constant 0 : i32
    %c0_i32_0 = arith.constant 0 : i32
    return %arg0, %c0_i32 : i32, i32
  }
  func.func @transform_1(%arg0: i32) -> (i32, i32) {
    %c0_i32 = arith.constant 0 : i32
    %c0_i32_0 = arith.constant 0 : i32
    return %arg0, %c0_i32 : i32, i32
  }
  func.func @transform_2(%arg0: i32) -> (i32, i32) {
    %c0_i32 = arith.constant 0 : i32
    %c0_i32_0 = arith.constant 0 : i32
    return %arg0, %c0_i32 : i32, i32
  }
  func.func @transform_3(%arg0: i32) -> (i32, i32) {
    %c0_i32 = arith.constant 0 : i32
    %c0_i32_0 = arith.constant 0 : i32
    return %arg0, %c0_i32 : i32, i32
  }
  func.func @transform_4(%arg0: i32) -> (i32, i32) {
    %c0_i32 = arith.constant 0 : i32
    %c0_i32_0 = arith.constant 0 : i32
    %c0_i32_1 = arith.constant 0 : i32
    return %c0_i32, %c0_i32_0 : i32, i32
  }
  func.func @transform_5(%arg0: i32) -> (i32, i32) {
    %c0_i32 = arith.constant 0 : i32
    %c0_i32_0 = arith.constant 0 : i32
    %c0_i32_1 = arith.constant 0 : i32
    return %c0_i32, %c0_i32_0 : i32, i32
  }
  func.func @transform_6(%arg0: i32) -> (i32, i32) {
    %c0_i32 = arith.constant 0 : i32
    %c0_i32_0 = arith.constant 0 : i32
    return %arg0, %c0_i32 : i32, i32
  }
  func.func @transform_7(%arg0: i32) -> (i32, i32) {
    %c0_i32 = arith.constant 0 : i32
    %c0_i32_0 = arith.constant 0 : i32
    return %arg0, %c0_i32 : i32, i32
  }
  func.func @transform_8(%arg0: i32) -> (i32, i32) {
    %c0_i32 = arith.constant 0 : i32
    %c0_i32_0 = arith.constant 0 : i32
    return %arg0, %c0_i32 : i32, i32
  }
}

module attributes {stable_mosaic.version = 14 : i64} {
  func.func @body(%arg0: i32, %arg1: memref<1024x128xf32, #tpu.memory_space<vmem>>, %arg2: memref<1024x128xf32, #tpu.memory_space<vmem>>, %arg3: memref<1024x256xf32, #tpu.memory_space<vmem>>, %arg4: memref<1024x1xf32, #tpu.memory_space<vmem>>, %arg5: memref<1x256xf32, #tpu.memory_space<vmem>>, %arg6: memref<1x256xf32, #tpu.memory_space<vmem>>, %arg7: memref<8x128xf32, #tpu.memory_space<vmem>>, %arg8: memref<8x128xf32, #tpu.memory_space<vmem>>) attributes {dimension_semantics = [#tpu.dimension_semantics<arbitrary>], iteration_bounds = array<i64: 10>, scalar_prefetch = 0 : i64, scratch_operands = 0 : i64, tpu.core_type = #tpu.core_type<tc>, window_params = [{transform_indices = @transform_0, window_bounds = array<i64: 1024, 128>}, {transform_indices = @transform_1, window_bounds = array<i64: 1024, 128>}, {transform_indices = @transform_2, window_bounds = array<i64: 1024, 256>}, {transform_indices = @transform_3, window_bounds = array<i64: 1024, 1>}, {pipeline_mode = #tpu.pipeline_mode<synchronous>, transform_indices = @transform_4, window_bounds = array<i64: 1, 256>}, {pipeline_mode = #tpu.pipeline_mode<synchronous>, transform_indices = @transform_5, window_bounds = array<i64: 1, 256>}, {pipeline_mode = #tpu.pipeline_mode<synchronous>, transform_indices = @transform_6, window_bounds = array<i64: 8, 128>}, {pipeline_mode = #tpu.pipeline_mode<synchronous>, transform_indices = @transform_7, window_bounds = array<i64: 8, 128>}]} {
    %get3A = arith.constant 0 : index
    %get3A_0 = arith.constant 0 : index
    %get3A_1 = vector.load %arg4[%get3A, %get3A_0] : memref<1024x1xf32, #tpu.memory_space<vmem>>, vector<1024x1xf32>
    %get3A_2 = arith.constant 0 : index
    %get3A_3 = arith.constant 0 : index
    %get3A_4 = vector.load %arg1[%get3A_2, %get3A_3] : memref<1024x128xf32, #tpu.memory_space<vmem>>, vector<1024x128xf32>
    %get3A_5 = arith.constant 0 : index
    %get3A_6 = arith.constant 0 : index
    %get3A_7 = vector.load %arg2[%get3A_5, %get3A_6] : memref<1024x128xf32, #tpu.memory_space<vmem>>, vector<1024x128xf32>
    %concatenate3A = tpu.concatenate %get3A_4, %get3A_7 in 1 : vector<1024x128xf32>, vector<1024x128xf32> -> vector<1024x256xf32>
    %mul3A = vector.broadcast %get3A_1 : vector<1024x1xf32> to vector<1024x256xf32>
    %mul3A_8 = arith.mulf %mul3A, %concatenate3A : vector<1024x256xf32>
    %mul3A_9 = arith.mulf %get3A_1, %get3A_1 : vector<1024x1xf32>
    %get3A_10 = arith.constant 0 : index
    %get3A_11 = arith.constant 0 : index
    %get3A_12 = vector.load %arg3[%get3A_10, %get3A_11] : memref<1024x256xf32, #tpu.memory_space<vmem>>, vector<1024x256xf32>
    %mul3A_13 = vector.broadcast %mul3A_9 : vector<1024x1xf32> to vector<1024x256xf32>
    %mul3A_14 = arith.mulf %mul3A_13, %get3A_12 : vector<1024x256xf32>
    %add3A = arith.addf %mul3A_8, %mul3A_14 : vector<1024x256xf32>
    %get3A_15 = arith.constant 0 : index
    %get3A_16 = arith.constant 0 : index
    %get3A_17 = vector.load %arg5[%get3A_15, %get3A_16] : memref<1x256xf32, #tpu.memory_space<vmem>>, vector<1x256xf32>
    %add3A_18 = vector.broadcast %get3A_17 : vector<1x256xf32> to vector<1024x256xf32>
    %add3A_19 = arith.addf %add3A, %add3A_18 : vector<1024x256xf32>
    %max3A = arith.constant 0.000000e+00 : f32
    %max3A_20 = vector.broadcast %max3A : f32 to vector<1024x256xf32>
    %max3A_21 = arith.maximumf %add3A_19, %max3A_20 : vector<1024x256xf32>
    %iota3A = tpu.iota {dimensions = array<i32: 0>} : vector<1024x1xi32>
    %mul3A_22 = arith.constant 1024 : i32
    %mul3A_23 = arith.muli %arg0, %mul3A_22 : i32
    %add3A_24 = vector.broadcast %mul3A_23 : i32 to vector<1024x1xi32>
    %add3A_25 = arith.addi %iota3A, %add3A_24 : vector<1024x1xi32>
    %lt3A = arith.constant 10000 : i32
    %lt3A_26 = vector.broadcast %lt3A : i32 to vector<1024x1xi32>
    %lt3A_27 = arith.cmpi slt, %add3A_25, %lt3A_26 : vector<1024x1xi32>
    %jit3A = arith.constant 0.000000e+00 : f32
    %broadcast_in_dim3A = vector.shape_cast %lt3A_27 : vector<1024x1xi1> to vector<1024x1xi1>
    %broadcast_in_dim3A_28 = vector.broadcast %broadcast_in_dim3A : vector<1024x1xi1> to vector<1024x256xi1>
    %broadcast_in_dim3A_29 = vector.broadcast %jit3A : f32 to vector<1024x256xf32>
    %select_n3A = arith.select %broadcast_in_dim3A_28, %max3A_21, %broadcast_in_dim3A_29 : vector<1024x256xi1>, vector<1024x256xf32>
    %get3A_30 = arith.constant 0 : index
    %get3A_31 = arith.constant 0 : index
    %get3A_32 = vector.load %arg6[%get3A_30, %get3A_31] : memref<1x256xf32, #tpu.memory_space<vmem>>, vector<1x256xf32>
    %mul3A_33 = vector.broadcast %get3A_32 : vector<1x256xf32> to vector<1024x256xf32>
    %mul3A_34 = arith.mulf %select_n3A, %mul3A_33 : vector<1024x256xf32>
    %reduce_sum3A = vector.shape_cast %mul3A_34 : vector<1024x256xf32> to vector<1x1024x256xf32>
    %reduce_sum3A_35 = arith.constant dense<0.000000e+00> : vector<1xf32>
    %reduce_sum3A_36 = vector.multi_reduction <add>, %reduce_sum3A, %reduce_sum3A_35 [1, 2] : vector<1x1024x256xf32> to vector<1xf32>
    %reduce_sum3A_37 = vector.shape_cast %reduce_sum3A_36 : vector<1xf32> to vector<1x1x1xf32>
    %reduce_sum3A_38 = vector.extract %reduce_sum3A_37[0, 0, 0] : f32 from vector<1x1x1xf32>
    %eq3A = arith.constant 0 : i32
    %eq3A_39 = arith.cmpi eq, %arg0, %eq3A : i32
    %convert_element_type3A = arith.extui %eq3A_39 : i1 to i32
    %cond3A = arith.constant 0 : i32
    %cond3A_40 = arith.cmpi ne, %convert_element_type3A, %cond3A : i32
    scf.if %cond3A_40 {
      %get3A_50 = arith.constant 0 : index
      %get3A_51 = arith.constant 0 : index
      %get3A_52 = vector.load %arg7[%get3A_50, %get3A_51] : memref<8x128xf32, #tpu.memory_space<vmem>>, vector<8x128xf32>
      %swap3A_53 = arith.constant 0 : index
      %swap3A_54 = arith.constant 0 : index
      %swap3A_55 = vector.load %arg8[%swap3A_53, %swap3A_54] : memref<8x128xf32, #tpu.memory_space<vmem>>, vector<8x128xf32>
      tpu.vector_store %arg8[%swap3A_53, %swap3A_54], %get3A_52 {strides = array<i32>} : memref<8x128xf32, #tpu.memory_space<vmem>>, vector<8x128xf32>,
    } else {
    }
    %get3A_41 = arith.constant 0 : index
    %get3A_42 = arith.constant 0 : index
    %get3A_43 = vector.load %arg8[%get3A_41, %get3A_42] : memref<8x128xf32, #tpu.memory_space<vmem>>, vector<8x128xf32>
    %mul3A_44 = arith.constant 9.99999974E-5 : f32
    %mul3A_45 = arith.mulf %reduce_sum3A_38, %mul3A_44 : f32
    %add3A_46 = vector.broadcast %mul3A_45 : f32 to vector<8x128xf32>
    %add3A_47 = arith.addf %get3A_43, %add3A_46 : vector<8x128xf32>
    %swap3A = arith.constant 0 : index
    %swap3A_48 = arith.constant 0 : index
    %swap3A_49 = vector.load %arg8[%swap3A, %swap3A_48] : memref<8x128xf32, #tpu.memory_space<vmem>>, vector<8x128xf32>
    tpu.vector_store %arg8[%swap3A, %swap3A_48], %add3A_47 {strides = array<i32>} : memref<8x128xf32, #tpu.memory_space<vmem>>, vector<8x128xf32>,
    return
  }
  func.func @transform_0(%arg0: i32) -> (i32, i32) {
    %c0_i32 = arith.constant 0 : i32
    %c0_i32_0 = arith.constant 0 : i32
    return %arg0, %c0_i32 : i32, i32
  }
  func.func @transform_1(%arg0: i32) -> (i32, i32) {
    %c0_i32 = arith.constant 0 : i32
    %c0_i32_0 = arith.constant 0 : i32
    return %arg0, %c0_i32 : i32, i32
  }
  func.func @transform_2(%arg0: i32) -> (i32, i32) {
    %c0_i32 = arith.constant 0 : i32
    %c0_i32_0 = arith.constant 0 : i32
    return %arg0, %c0_i32 : i32, i32
  }
  func.func @transform_3(%arg0: i32) -> (i32, i32) {
    %c0_i32 = arith.constant 0 : i32
    %c0_i32_0 = arith.constant 0 : i32
    return %arg0, %c0_i32 : i32, i32
  }
  func.func @transform_4(%arg0: i32) -> (i32, i32) {
    %c0_i32 = arith.constant 0 : i32
    %c0_i32_0 = arith.constant 0 : i32
    %c0_i32_1 = arith.constant 0 : i32
    return %c0_i32, %c0_i32_0 : i32, i32
  }
  func.func @transform_5(%arg0: i32) -> (i32, i32) {
    %c0_i32 = arith.constant 0 : i32
    %c0_i32_0 = arith.constant 0 : i32
    %c0_i32_1 = arith.constant 0 : i32
    return %c0_i32, %c0_i32_0 : i32, i32
  }
  func.func @transform_6(%arg0: i32) -> (i32, i32) {
    %c0_i32 = arith.constant 0 : i32
    %c0_i32_0 = arith.constant 0 : i32
    %c0_i32_1 = arith.constant 0 : i32
    return %c0_i32, %c0_i32_0 : i32, i32
  }
  func.func @transform_7(%arg0: i32) -> (i32, i32) {
    %c0_i32 = arith.constant 0 : i32
    %c0_i32_0 = arith.constant 0 : i32
    %c0_i32_1 = arith.constant 0 : i32
    return %c0_i32, %c0_i32_0 : i32, i32
  }
}

</mosaic_0001>

<sc_bundles>
// kernel: kernel.12.cloned.1.call-start
scs
__scs_entry_jumppad:
0x0: {  	(pc) =	sbr.rel $0x88, $3  }
0x1: {  	(tag) =	ssettag $0x0;
	lr =	simm.s32 $0x1  }
0x2: {  	[smem:$0x3F99] =	sst lr;
	_ =	strace $0xD0000000  }
0x3: {  	_ = 	snop  }
0x4: {  	_ = 	snop  }
0x5: {  	_ = 	snop  }
0x6: {  	_ = 	snop  }
0x7: {  	_ = 	snop  }
__scs_overlays_trampoline_lowered:
0x8: {  	[smem:$0x3FA8] =	sst s0  }
0x9: {  	[smem:$0x3FA9] =	sst s1  }
0xa: {  	[smem:$0x3FAA] =	sst s2  }
0xb: {  	[smem:$0x3FAB] =	sst s3  }
0xc: {  	[smem:$0x3FAC] =	sst s4  }
0xd: {  	[smem:$0x3FAD] =	sst s5  }
0xe: {  	[smem:$0x3FAE] =	sst s6  }
0xf: {  	[smem:$0x3FAF] =	sst s7  }
0x10: {  	[smem:$0x3FB0] =	sst s8  }
0x11: {  	[smem:$0x3FB1] =	sst s9;
	s0 =	simm.s32 @!p0 $0x0  }
0x12: {  	s1 =	sld [smem:$0x3F97];
	s0 =	simm.s32 @p0 $0x1  }
0x13: {  	[smem:$0x3FB2] =	sst s0;
	s0 =	simm.s32 @!p1 $0x0  }
0x14: {  	s2 =	sld [smem:$0x3F96];
	s0 =	simm.s32 @p1 $0x1  }
0x15: {  	[smem:$0x3FB3] =	sst s0;
	s0 =	simm.s32 @!p2 $0x0  }
0x16: {  	s3 =	sld [smem:$0x3FDB];
	s0 =	simm.s32 @p2 $0x1  }
0x17: {  	s4 =	simm.s32 $0x1BF5;
	[smem:$0x3FB5] =	sst s0  }
0x18: {  	s0 =	sld [smem:$0x3F98];
	_ =	swait.ge [sflag:s4], $0x0  }
0x19: {  	s7 =	sld [smem:$0x3F99]  }
0x1a: {  	s8 =	sadd.s32 $0xFFFFE003, lr  }
0x1b: {  	s9 =	sadd.s32 $0xFFFFFEF7, lr;
	s5 =	simm.s32 $0xFFFFFFFF;
	p2 =	slt.u32 s8, $0xFFFFF086  }
0x1c: {  	p1 =	slt.u32 s9, $0xF7A;
	s5 =	simm.s32 @!p2 $0x0  }
0x1d: {  	s5 =	simm.s32 @p1 $0x1;
	p0 =	seq.s32 s7, s2  }
0x1e: {  	s7 =	smul.u32 @!p0 $0xF7A, s2;
	p2 =	seq.s32 @!p0 s5, $0x0  }
0x1f: {  	s9 =	smul.u32 $0xF7A, s1;
	s8 =	simm.s32 @!p0 $0x1BF5;
	p2 =	por !p2, p0  }
0x20: {  	[sflag:s8] =	ssyncset.s32 @!p0 $0xFFFFF086;
	s6 =	sadd.s32 @!p0 s3, s7;
	s7 =	simm.s32 @!p0 $0x108  }
0x21: {  	s3 =	sadd.s32 s3, s9;
	s6 =	sadd.s32 @!p0 $0x88, s6;
	s7 =	simm.s32 @p2 $0x1082  }
0x22: {  	[simem:s7], [sflag:s8] =	dma.local @!p0 [hbm:s6], $0xF7A  }
0x23: {  	s9 =	sor.u32 $0xD0000000, s2;
	s6 =	simm.s32 $0x108;
	_ =	swait.ge @!p0 [sflag:s8], $0x0  }
0x24: {  	s3 =	sadd.s32 $0x88, s3;
	s6 =	simm.s32 @!p1 $0x1082;
	[sflag:s4] =	ssyncset.s32 $0xFFFFF086  }
0x25: {  	[simem:s6], [sflag:s4] =	dma.local [hbm:s3], $0xF7A  }
0x26: {  	[smem:$0x3F99] =	sst s1;
	(tag) =	ssettag s2;
	_ =	strace s9  }
0x27: {  	s1 =	sld [smem:$0x3FA9]  }
0x28: {  	s2 =	sld [smem:$0x3FAA]  }
0x29: {  	s4 =	sld [smem:$0x3FAC]  }
0x2a: {  	p0 =	seq.s32 s5, $0x0;
	s5 =	sld [smem:$0x3FAD]  }
0x2b: {  	s6 =	sld [smem:$0x3FAE]  }
0x2c: {  	s7 =	sld [smem:$0x3FAF]  }
0x2d: {  	s3 =	simm.s32 $0x108;
	s8 =	sld [smem:$0x3FB0]  }
0x2e: {  	s3 =	simm.s32 @!p0 $0x1082;
	s9 =	sld [smem:$0x3FB1]  }
0x2f: {  	lr =	sadd.s32 s0, s3;
	s0 =	sld [smem:$0x3FA8]  }
0x30: {  	s3 =	sld [smem:$0x3FAB]  }
0x31: {  	[smem:$0x3FB4] =	sst s10  }
0x32: {  	s10 =	sld [smem:$0x3FB2];
	_ =	sdelay $0x3  }
0x33: {  	p0 =	seq.s32 s10, $0x1;
	s10 =	sld [smem:$0x3FB4];
	_ =	sdelay $0x3  }
0x34: {  	[smem:$0x3FB4] =	sst s10  }
0x35: {  	s10 =	sld [smem:$0x3FB3];
	_ =	sdelay $0x3  }
0x36: {  	p1 =	seq.s32 s10, $0x1;
	s10 =	sld [smem:$0x3FB4];
	_ =	sdelay $0x3  }
0x37: {  	[smem:$0x3FB4] =	sst s10  }
0x38: {  	s10 =	sld [smem:$0x3FB5]  }
0x39: {  	_ = 	snop;
	(pc) =	sbr.ind lr, $3  }
0x3a: {  	_ = 	snop  }
0x3b: {  	_ = 	snop  }
0x3c: {  	p2 =	seq.s32 s10, $0x1;
	s10 =	sld [smem:$0x3FB4]  }
0x3d: {  	_ =	shalt  }
0x3e: {  	_ =	shalt  }
0x3f: {  	_ =	shalt  }
0x40: {  	_ =	shalt  }
0x41: {  	_ =	shalt  }
0x42: {  	_ =	shalt  }
0x43: {  	_ =	shalt  }
0x44: {  	_ =	shalt  }
0x45: {  	_ =	shalt  }
0x46: {  	_ =	shalt  }
0x47: {  	_ =	shalt  }
0x48: {  	_ =	shalt  }
0x49: {  	_ =	shalt  }
0x4a: {  	_ =	shalt  }
0x4b: {  	_ =	shalt  }
0x4c: {  	_ =	shalt  }
0x4d: {  	_ =	shalt  }
0x4e: {  	_ =	shalt  }
0x4f: {  	_ =	shalt  }
0x50: {  	_ =	shalt  }
0x51: {  	_ =	shalt  }
0x52: {  	_ =	shalt  }
0x53: {  	_ =	shalt  }
0x54: {  	_ =	shalt  }
0x55: {  	_ =	shalt  }
0x56: {  	_ =	shalt  }
0x57: {  	_ =	shalt  }
0x58: {  	_ =	shalt  }
0x59: {  	_ =	shalt  }
0x5a: {  	_ =	shalt  }
0x5b: {  	_ =	shalt  }
0x5c: {  	_ =	shalt  }
0x5d: {  	_ =	shalt  }
0x5e: {  	_ =	shalt  }
0x5f: {  	_ =	shalt  }
0x60: {  	_ =	shalt  }
0x61: {  	_ =	shalt  }
0x62: {  	_ =	shalt  }
0x63: {  	_ =	shalt  }
0x64: {  	_ =	shalt  }
0x65: {  	_ =	shalt  }
0x66: {  	_ =	shalt  }
0x67: {  	_ =	shalt  }
0x68: {  	_ =	shalt  }
0x69: {  	_ =	shalt  }
0x6a: {  	_ =	shalt  }
0x6b: {  	_ =	shalt  }
0x6c: {  	_ =	shalt  }
0x6d: {  	_ =	shalt  }
0x6e: {  	_ =	shalt  }
0x6f: {  	_ =	shalt  }
0x70: {  	_ =	shalt  }
0x71: {  	_ =	shalt  }
0x72: {  	_ =	shalt  }
0x73: {  	_ =	shalt  }
0x74: {  	_ =	shalt  }
0x75: {  	_ =	shalt  }
0x76: {  	_ =	shalt  }
0x77: {  	_ =	shalt  }
0x78: {  	_ =	shalt  }
0x79: {  	_ =	shalt  }
0x7a: {  	_ =	shalt  }
0x7b: {  	_ =	shalt  }
0x7c: {  	_ =	shalt  }
0x7d: {  	_ =	shalt  }
0x7e: {  	_ =	shalt  }
0x7f: {  	_ =	shalt  }
0x80: {  	_ =	shalt  }
0x81: {  	_ =	shalt  }
0x82: {  	_ =	shalt  }
0x83: {  	_ =	shalt  }
0x84: {  	_ =	shalt  }
0x85: {  	_ =	shalt  }
0x86: {  	_ =	shalt  }
0x87: {  	_ =	shalt  }
.Lfunc_end0:
.L_simem_size_0:
called_computation.1_lowered:
.L_overlay_start_0:
0x88: {  	s2 =	sld [smem:$0x3FD9]  }
0x89: {  	s3 =	sld [smem:$0x3FFE];
	_ =	sdelay $0x1  }
0x8a: {  	s1 =	srdreg.scid  }
0x8b: {  	s0 =	sand.u32 $0x1, s1  }
0x8c: {  	s16 =	sshll.u32 s0, $0xA;
	s2 =	sadd.s32 s3, s2  }
0x8d: {  	s2 =	sadd.s32 s2, s16  }
0x8e: {  	[smem:$0x3FC0] =	sst s2  }
0x8f: {  	_ = 	snop  }
0x90: {  	(tm) =	ssettm $0x1  }
0x91: {  	s17 =	sld [smem:$0x3FFB];
	_ =	sdelay $0x3  }
0x92: {  	_ =	strace s17  }
0x93: {  	s2 =	sld [smem:$0x3FFC];
	_ =	sdelay $0x3  }
0x94: {  	_ =	strace s2  }
0x95: {  	s2 =	sld [smem:$0x3FFD];
	_ =	sdelay $0x3  }
0x96: {  	_ =	strace s2  }
0x97: {  	_ =	strace $0x8FFFFFFF  }
0x98: {  	s18 =	sld [smem:$0x3FDB];
	_ =	sdelay $0x1  }
0x99: {  	s19 =	simm.s32 $_scs_section_size  }
0x9a: {  	s4 =	simm.s32 $_size__tile_overlayer_lowered;
	s5 =	simm.s32 $_tile_overlayer_lowered  }
0x9b: {  	s22 =	simm.s32 $0x1BFF;
	s21 =	sshll.u32 s5, $0x1;
	s2 =	sadd.s32 s19, s18  }
0x9c: {  	s6 =	simm.s32 $0x0;
	s20 =	sshll.u32 s4, $0x1;
	s4 =	sadd.s32 s21, s2  }
0x9d: {  	[timem:s6], [sflag:s22] =	dma.local [hbm:s4], s20  }
0x9e: {  	_ =	swait.ge [sflag:s22], s20  }
0x9f: {  	s3 =	ssub.s32 $0x0, s20;
	[sflag:s22] =	ssyncset.done $0x0  }
0xa0: {  	[sflag:s22] =	ssyncadd.s32 s3;
	_ =	sdelay $0x1  }
0xa1: {  	s23 =	simm.s32 $0x1B8B  }
0xa2: {  	_ =	swait.ge [sflag:s23], $0x1  }
0xa3: {  	[sflag:s23] =	ssyncset.done $0x0  }
0xa4: {  	s25 =	simm.s32 $0x1B8E;
	s24 =	sld [smem:$0x3FFE];
	[sflag:s23] =	ssyncadd.s32 $0xFFFFFFFF  }
0xa5: {  	s26 =	simm.s32 $execute0_lowered;
	[smem:$0x3FD2] =	sst s25  }
0xa6: {  	s4 =	sshll.u32 s26, $0x1;
	_ =	strace $0x80000049;
	[dreg:$0x1] =	wrdreg $0xFFFFFFFF  }
0xa7: {  	s28 =	simm.s32 $_size_execute0_lowered;
	s2 =	sadd.s32 s2, s4;
	[dreg:$0x0] =	wrdreg $0x0  }
0xa8: {  	s4 =	sshll.u32 s28, $0x1;
	[dreg:$0x2] =	wrdreg s2  }
0xa9: {  	[dreg:$0x3] =	wrdreg s4  }
0xaa: {  	[dreg:$0x4] =	wrdreg $0xC0  }
0xab: {  	_ =	task [dreg:s6], $0x5FFFF  }
0xac: {  	[dreg:$0x1] =	wrdreg $0xFFFFFFFF  }
0xad: {  	[dreg:$0x0] =	wrdreg $0x60  }
0xae: {  	[dreg:$0x2] =	wrdreg s24  }
0xaf: {  	[dreg:$0x3] =	wrdreg $0xA8000  }
0xb0: {  	[dreg:$0x4] =	wrdreg $0x9  }
0xb1: {  	_ =	task.clear_ibuf [dreg:s6], $0x5FFFF;
	_ =	strace $0x90000049  }
0xb2: {  	s29 =	simm.s32 $0x9;
	_ =	strace $0x8000004B  }
0xb3: {  	_ =	swait.ge [sflag:s29], $0x1  }
0xb4: {  	[sflag:s29] =	ssyncadd.s32 $0xFFFFFFFF  }
0xb5: {  	_ =	strace $0x9000004B  }
0xb6: {  	_ =	sfence  }
0xb7: {  	s30 =	sld [smem:$0x0];
	_ =	sdelay $0x2  }
0xb8: {  	s31 =	sshll.u32 s1, $0xD;
	s1 =	sshrl.u32 s1, $0x2  }
0xb9: {  	s3 =	sand.u32 $0x4000, s31;
	s1 =	sadd.s32 s1, s30  }
0xba: {  	s0 =	sor.u32 s3, s0;
	s1 =	sshll.u32 s1, $0x11  }
0xbb: {  	s0 =	sor.u32 s1, s0  }
0xbc: {  	s0 =	sadd.s32 $0x8F2B, s0  }
0xbd: {  	[sflag:s0] =	ssyncadd.remote.s32 $0x1  }
0xbe: {  	_ =	sfence.sel $0xFFFF  }
0xbf: {  	[dreg:$0x0] =	wrdreg $0xFFFFFFFF;
	(pc) =	sbr.abs _section_cstart, $3  }
0xc0: {  	[dreg:$0x1] =	wrdreg $0xFFFFFFFF  }
0xc1: {  	_ =	task.clear_ibuf [dreg:s6], $0x2FFFF;
	_ =	strace $0x9FFFFFFF  }
0xc2: {  	(tm) =	ssettm $0x7FFFFFFF  }
0xc3: {  	_ =	shalt  }
tec
execute0_lowered:
.L_overlay_start_1:
0x0: {  	(tag) =	ssettag $0x1  }
0x1: {  	s7 =	rddreg [dreg:$0x0]  }
0x2: {  	s1 =	rddreg [dreg:$0x1]  }
0x3: {  	s0 =	rddreg [dreg:$0x2];
	s2 =	simm.s32 $0x0;
	s6 =	srdreg.scid  }
0x4: {  	s4 =	stileid.u32;
	s21 =	simm.s32 $0x3;
	s22 =	simm.s32 $0x1  }
0x5: {  	s23 =	simm.s32 $0x2;
	s24 =	simm.s32 $0x80;
	s25 =	simm.s32 $0x6800  }
0x6: {  	s26 =	simm.s32 $0x0;
	[smem:$0x7FF] =	sst s2;
	s3 =	sadd.s32 $0xDE00, s7  }
0x7: {  	s5 =	sadd.s32 $0x35E00, s7;
	s16 =	sadd.s32 $0x8E00, s7;
	s17 =	sadd.s32 $0x3E00, s7  }
0x8: {  	s20 =	sand.u32 $0x1, s6;
	s6 =	sadd.s32 $0xD5E00, s7;
	s9 =	smul.u32 $0x50000, s4  }
0x9: {  	s7 =	sadd.s32 $0xFDE00, s7;
	s11 =	smul.u32 $0x500, s4;
	s8 =	ssub.s32 $0x2, s20  }
0xa: {  	_ =	strace $0x8000004A;
	s10 =	sshrl.u32 s8, $0x1;
	s12 =	sshrl.u32 s9, $0x2  }
0xb: {  	s9 =	sadd.s32 s16, s11;
	s18 =	ssub.s32 s8, s10;
	s8 =	smul.u32 $0x2800, s4  }
.Ltmp0:
0xc: {  	s10 =	sadd.s32 s17, s11;
	s11 =	sadd.s32 s12, s1;
	(pc) =	sbr.rel .LBB2_1-.Ltmp0, $4  }
0xd: {  	p0 =	sne.s32 s20, $0x0;
	s20 =	simm.s32 $0x2800;
	s12 =	sadd.s32 $0x4000, s11  }
0xe: {  	s13 =	sadd.s32 $0x8000, s11;
	s14 =	sadd.s32 $0xC000, s11;
	s19 =	sshrl.u32 s8, $0x3  }
0xf: {  	s15 =	sadd.s32 $0x10000, s11;
	s18 =	smax.u32 s18, $0x1;
	s19 =	sadd.s32 $0x280, s19  }
0x10: {  	v0 =	vimm.f32 $0.0e+00;
	s16 =	sadd.s32 s16, s19;
	s17 =	sadd.s32 s17, s19;
	s19 =	simm.s32 $0x1400  }
.LBB2_13:
0x11: {  	s28 =	sshra.s32 s28, $0x2;
	[sflag:s21] =	ssyncadd.s32 $0xFFFFC000  }
0x12: {  	[tilespmem:s20], [sflag:$0x1] =	stream.indirect.gather [hbm4b:s5+s24], $0x80, s28, s24, $0xb8;
	[tilespmem:$0x1E800] =	vst v63  }
0x13: {  	s29 =	sadd.s32 $0x80, s28  }
0x14: {  	[tilespmem:s25], [sflag:$0x2] =	stream.indirect.gather [hbm4b:s5+s24], $0x80, s29, s24, $0xb8;
	[tilespmem:$0x1E800] =	vst v63  }
0x15: {  	_ =	swait.ge [sflag:s22], $0x4000  }
0x16: {  	[sflag:s22] =	ssyncset.done $0x0  }
0x17: {  	s31 =	sadd.s32 $0x1400, s28;
	[sflag:s22] =	ssyncadd.s32 $0xFFFFC000  }
0x18: {  	[spmem:s1] =	stream.indirect.scatter.add.f32 [tilespmem:s20], [sflag:$0x3], $0x80, s31, s24, $0xb8;
	[tilespmem:$0x1E800] =	vst v63  }
0x19: {  	_ =	swait.ge [sflag:s21], $0x4000  }
0x1a: {  	[sflag:s21] =	ssyncset.done $0x0  }
0x1b: {  	[sflag:s21] =	ssyncadd.s32 $0xFFFFC000  }
0x1c: {  	_ =	swait.ge [sflag:s23], $0x4000  }
0x1d: {  	[sflag:s23] =	ssyncset.done $0x0  }
0x1e: {  	s28 =	sadd.s32 $0x1480, s28;
	[sflag:s23] =	ssyncadd.s32 $0xFFFFC000  }
0x1f: {  	[spmem:s1] =	stream.indirect.scatter.add.f32 [tilespmem:s25], [sflag:$0x3], $0x80, s28, s24, $0xb8;
	[tilespmem:$0x1E800] =	vst v63  }
0x20: {  	_ =	swait.ge [sflag:s21], $0x4000  }
0x21: {  	[sflag:s21] =	ssyncset.done $0x0  }
0x22: {  	s28 =	smov.u32 s7;
	[sflag:s21] =	ssyncadd.s32 $0xFFFFC000  }
.LBB2_14:
0x23: {  	s28 =	sadd.s32 s28, s8;
	s26 =	sadd.s32 $0x1, s26  }
0x24: {  	s29 =	sshll.u32 s4, $0x6;
	[bflag:$0x0] =	sbarrier.arrive $0xFFFF;
	p1 =	sne.s32 s26, s18  }
.Ltmp1:
0x25: {  	s30 =	sshrl.u32 s11, $0x3;
	s29 =	sor.u32 $0x1C03, s29;
	(pc) =	sbr.rel @!p1 .LBB2_15-.Ltmp1, $4  }
0x26: {  	[hbm:s28], [sflag:s29] =	dma.local [spmem:s30], $0x2800  }
0x27: {  	_ =	swait.ge [sflag:s21], $0x2800  }
0x28: {  	[sflag:s21] =	ssyncset.done $0x0  }
0x29: {  	[sflag:s21] =	ssyncadd.s32 $0xFFFFD800  }
.LBB2_1:
0x2a: {  	[tilespmem:s2], [sflag:$0x1] =	stream.linear.gather [hbm4b:s9+s2], $0x1400, $0x38;
	[tilespmem:$0x1E800] =	vst v63  }
0x2b: {  	s28 =	simm.s32 $0x0;
	s29 =	simm.s32 $0x200  }
0x2c: {  	[tilespmem:s19], [sflag:$0x2] =	stream.linear.gather [hbm4b:s10+s2], $0x1400, $0x38;
	[tilespmem:$0x1E800] =	vst v63  }
.LBB2_2:
0x2d: {  	p1 =	sne.s32 s29, $0xFE00;
	[tilespmem:s28+$0x2870] =	vst v0  }
0x2e: {  	[tilespmem:s28+$0x2800] =	vst v0  }
0x2f: {  	[tilespmem:s28+$0x2810] =	vst v0  }
.Ltmp2:
0x30: {  	[tilespmem:s28+$0x2820] =	vst v0;
	(pc) =	sbr.rel @p1 .LBB2_2-.Ltmp2, $4  }
0x31: {  	[tilespmem:s28+$0x2830] =	vst v0  }
0x32: {  	[tilespmem:s28+$0x2840] =	vst v0  }
0x33: {  	[tilespmem:s28+$0x2850] =	vst v0  }
0x34: {  	[tilespmem:s28+$0x2860] =	vst v0;
	s28 =	sshra.s32 s29, $0x2;
	s29 =	sadd.s32 $0x200, s29  }
0x35: {  	[tilespmem:s28+$0x2870] =	vst v0  }
0x36: {  	[tilespmem:s28+$0x2800] =	vst v0  }
0x37: {  	[tilespmem:s28+$0x2810] =	vst v0  }
0x38: {  	[tilespmem:s28+$0x2820] =	vst v0  }
0x39: {  	[tilespmem:s28+$0x2830] =	vst v0  }
0x3a: {  	[tilespmem:s28+$0x2840] =	vst v0  }
0x3b: {  	[tilespmem:s28+$0x2850] =	vst v0  }
0x3c: {  	[tilespmem:s28+$0x2860] =	vst v0  }
0x3d: {  	[spmem:s11] =	stream.linear.scatter [tilespmem:s20], [sflag:$0x3], $0x4000, $0x38;
	[tilespmem:$0x1E800] =	vst v63  }
0x3e: {  	_ =	swait.ge [sflag:s21], $0x4000  }
0x3f: {  	[sflag:s21] =	ssyncset.done $0x0  }
0x40: {  	[sflag:s21] =	ssyncadd.s32 $0xFFFFC000  }
0x41: {  	[spmem:s12] =	stream.linear.scatter [tilespmem:s20], [sflag:$0x3], $0x4000, $0x38;
	[tilespmem:$0x1E800] =	vst v63  }
0x42: {  	_ =	swait.ge [sflag:s21], $0x4000  }
0x43: {  	[sflag:s21] =	ssyncset.done $0x0  }
0x44: {  	[sflag:s21] =	ssyncadd.s32 $0xFFFFC000  }
0x45: {  	[spmem:s13] =	stream.linear.scatter [tilespmem:s20], [sflag:$0x3], $0x4000, $0x38;
	[tilespmem:$0x1E800] =	vst v63  }
0x46: {  	_ =	swait.ge [sflag:s21], $0x4000  }
0x47: {  	[sflag:s21] =	ssyncset.done $0x0  }
0x48: {  	[sflag:s21] =	ssyncadd.s32 $0xFFFFC000  }
0x49: {  	[spmem:s14] =	stream.linear.scatter [tilespmem:s20], [sflag:$0x3], $0x4000, $0x38;
	[tilespmem:$0x1E800] =	vst v63  }
0x4a: {  	_ =	swait.ge [sflag:s21], $0x4000  }
0x4b: {  	[sflag:s21] =	ssyncset.done $0x0  }
0x4c: {  	[sflag:s21] =	ssyncadd.s32 $0xFFFFC000  }
0x4d: {  	[spmem:s15] =	stream.linear.scatter [tilespmem:s20], [sflag:$0x3], $0x4000, $0x38;
	[tilespmem:$0x1E800] =	vst v63  }
0x4e: {  	_ =	swait.ge [sflag:s21], $0x4000  }
0x4f: {  	[sflag:s21] =	ssyncset.done $0x0  }
0x50: {  	[sflag:s21] =	ssyncadd.s32 $0xFFFFC000  }
0x51: {  	_ =	swait.ge [sflag:s22], $0x1400  }
0x52: {  	[sflag:s22] =	ssyncset.done $0x0  }
0x53: {  	[sflag:s22] =	ssyncadd.s32 $0xFFFFEC00  }
.Ltmp3:
0x54: {  	_ =	swait.ge [sflag:s23], $0x1400;
	(pc) =	sbr.rel @p0 .LBB2_9-.Ltmp3, $4  }
0x55: {  	[sflag:s23] =	ssyncset.done $0x0  }
0x56: {  	[sflag:s23] =	ssyncadd.s32 $0xFFFFEC00  }
0x57: {  	[bflag:$0x0] =	sbarrier.arrive $0xFFFF  }
0x58: {  	s28 =	simm.s32 $0x0  }
0x59: {  	[tilespmem:s20], [sflag:$0x1] =	stream.indirect.gather [hbm4b:s3+s24], $0x80, s28, s24, $0xb8;
	[tilespmem:$0x1E800] =	vst v63  }
0x5a: {  	s28 =	simm.s32 $0x80  }
0x5b: {  	[tilespmem:s25], [sflag:$0x2] =	stream.indirect.gather [hbm4b:s3+s24], $0x80, s28, s24, $0xb8;
	[tilespmem:$0x1E800] =	vst v63  }
0x5c: {  	_ =	swait.ge [sflag:s22], $0x4000  }
0x5d: {  	[sflag:s22] =	ssyncset.done $0x0  }
0x5e: {  	s28 =	simm.s32 $0x1400;
	[sflag:s22] =	ssyncadd.s32 $0xFFFFC000  }
0x5f: {  	[spmem:s1] =	stream.indirect.scatter.add.f32 [tilespmem:s20], [sflag:$0x3], $0x80, s28, s24, $0xb8;
	[tilespmem:$0x1E800] =	vst v63  }
0x60: {  	_ =	swait.ge [sflag:s21], $0x4000  }
0x61: {  	[sflag:s21] =	ssyncset.done $0x0  }
0x62: {  	[sflag:s21] =	ssyncadd.s32 $0xFFFFC000  }
0x63: {  	_ =	swait.ge [sflag:s23], $0x4000  }
0x64: {  	[sflag:s23] =	ssyncset.done $0x0  }
0x65: {  	s28 =	simm.s32 $0x1480;
	[sflag:s23] =	ssyncadd.s32 $0xFFFFC000  }
0x66: {  	[spmem:s1] =	stream.indirect.scatter.add.f32 [tilespmem:s25], [sflag:$0x3], $0x80, s28, s24, $0xb8;
	[tilespmem:$0x1E800] =	vst v63  }
0x67: {  	_ =	swait.ge [sflag:s21], $0x4000  }
0x68: {  	s29 =	simm.s32 $0x800;
	s28 =	simm.s32 $0x400;
	[sflag:s21] =	ssyncset.done $0x0  }
.LBB2_5:
0x69: {  	s30 =	sshra.s32 s28, $0x2  }
0x6a: {  	[sflag:s21] =	ssyncadd.s32 $0xFFFFC000;
	s28 =	smov.u32 s29;
	s31 =	sadd.s32 $0x400, s29  }
0x6b: {  	[tilespmem:s20], [sflag:$0x1] =	stream.indirect.gather [hbm4b:s3+s24], $0x80, s30, s24, $0xb8;
	[tilespmem:$0x1E800] =	vst v63  }
0x6c: {  	p1 =	sne.s32 s29, $0x4C00;
	s29 =	sadd.s32 $0x80, s30  }
0x6d: {  	[tilespmem:s25], [sflag:$0x2] =	stream.indirect.gather [hbm4b:s3+s24], $0x80, s29, s24, $0xb8;
	[tilespmem:$0x1E800] =	vst v63  }
0x6e: {  	_ =	swait.ge [sflag:s22], $0x4000  }
0x6f: {  	[sflag:s22] =	ssyncset.done $0x0  }
0x70: {  	s29 =	sadd.s32 $0x1400, s30;
	[sflag:s22] =	ssyncadd.s32 $0xFFFFC000  }
0x71: {  	[spmem:s1] =	stream.indirect.scatter.add.f32 [tilespmem:s20], [sflag:$0x3], $0x80, s29, s24, $0xb8;
	[tilespmem:$0x1E800] =	vst v63  }
0x72: {  	_ =	swait.ge [sflag:s21], $0x4000  }
0x73: {  	[sflag:s21] =	ssyncset.done $0x0  }
0x74: {  	[sflag:s21] =	ssyncadd.s32 $0xFFFFC000  }
0x75: {  	_ =	swait.ge [sflag:s23], $0x4000  }
.Ltmp4:
0x76: {  	[sflag:s23] =	ssyncset.done $0x0;
	(pc) =	sbr.rel @p1 .LBB2_5-.Ltmp4, $4  }
0x77: {  	s29 =	sadd.s32 $0x1480, s30;
	[sflag:s23] =	ssyncadd.s32 $0xFFFFC000  }
0x78: {  	[spmem:s1] =	stream.indirect.scatter.add.f32 [tilespmem:s25], [sflag:$0x3], $0x80, s29, s24, $0xb8;
	[tilespmem:$0x1E800] =	vst v63  }
0x79: {  	_ =	swait.ge [sflag:s21], $0x4000  }
0x7a: {  	s29 =	smov.u32 s31;
	[sflag:s21] =	ssyncset.done $0x0  }
0x7b: {  	s28 =	sshra.s32 s28, $0x2;
	[sflag:s21] =	ssyncadd.s32 $0xFFFFC000  }
0x7c: {  	[tilespmem:s20], [sflag:$0x1] =	stream.indirect.gather [hbm4b:s3+s24], $0x80, s28, s24, $0xb8;
	[tilespmem:$0x1E800] =	vst v63  }
0x7d: {  	s29 =	sadd.s32 $0x80, s28  }
0x7e: {  	[tilespmem:s25], [sflag:$0x2] =	stream.indirect.gather [hbm4b:s3+s24], $0x80, s29, s24, $0xb8;
	[tilespmem:$0x1E800] =	vst v63  }
0x7f: {  	_ =	swait.ge [sflag:s22], $0x4000  }
0x80: {  	[sflag:s22] =	ssyncset.done $0x0  }
0x81: {  	s29 =	sadd.s32 $0x1400, s28;
	[sflag:s22] =	ssyncadd.s32 $0xFFFFC000  }
0x82: {  	[spmem:s1] =	stream.indirect.scatter.add.f32 [tilespmem:s20], [sflag:$0x3], $0x80, s29, s24, $0xb8;
	[tilespmem:$0x1E800] =	vst v63  }
0x83: {  	_ =	swait.ge [sflag:s21], $0x4000  }
0x84: {  	[sflag:s21] =	ssyncset.done $0x0  }
0x85: {  	[sflag:s21] =	ssyncadd.s32 $0xFFFFC000  }
0x86: {  	_ =	swait.ge [sflag:s23], $0x4000  }
0x87: {  	[sflag:s23] =	ssyncset.done $0x0  }
0x88: {  	s28 =	sadd.s32 $0x1480, s28;
	[sflag:s23] =	ssyncadd.s32 $0xFFFFC000  }
0x89: {  	[spmem:s1] =	stream.indirect.scatter.add.f32 [tilespmem:s25], [sflag:$0x3], $0x80, s28, s24, $0xb8;
	[tilespmem:$0x1E800] =	vst v63  }
0x8a: {  	_ =	swait.ge [sflag:s21], $0x4000  }
0x8b: {  	[sflag:s21] =	ssyncset.done $0x0  }
0x8c: {  	s28 =	simm.s32 $0x0;
	[sflag:s21] =	ssyncadd.s32 $0xFFFFC000  }
0x8d: {  	[tilespmem:s28], [sflag:$0x3] =	stream.linear.gather [hbm4b:s16+s28], $0x1400, $0x38;
	[tilespmem:$0x1E800] =	vst v63  }
0x8e: {  	_ =	swait.ge [sflag:s21], $0x1400  }
0x8f: {  	[sflag:s21] =	ssyncset.done $0x0  }
0x90: {  	[sflag:s21] =	ssyncadd.s32 $0xFFFFEC00  }
0x91: {  	[tilespmem:s19], [sflag:$0x3] =	stream.linear.gather [hbm4b:s17+s28], $0x1400, $0x38;
	[tilespmem:$0x1E800] =	vst v63  }
0x92: {  	_ =	swait.ge [sflag:s21], $0x1400  }
0x93: {  	[sflag:s21] =	ssyncset.done $0x0  }
0x94: {  	s28 =	simm.s32 $0x0;
	[sflag:s21] =	ssyncadd.s32 $0xFFFFEC00  }
0x95: {  	[tilespmem:s20], [sflag:$0x1] =	stream.indirect.gather [hbm4b:s3+s24], $0x80, s28, s24, $0xb8;
	[tilespmem:$0x1E800] =	vst v63  }
0x96: {  	s28 =	simm.s32 $0x80  }
0x97: {  	[tilespmem:s25], [sflag:$0x2] =	stream.indirect.gather [hbm4b:s3+s24], $0x80, s28, s24, $0xb8;
	[tilespmem:$0x1E800] =	vst v63  }
0x98: {  	_ =	swait.ge [sflag:s22], $0x4000  }
0x99: {  	[sflag:s22] =	ssyncset.done $0x0  }
0x9a: {  	s28 =	simm.s32 $0x1400;
	[sflag:s22] =	ssyncadd.s32 $0xFFFFC000  }
0x9b: {  	[spmem:s1] =	stream.indirect.scatter.add.f32 [tilespmem:s20], [sflag:$0x3], $0x80, s28, s24, $0xb8;
	[tilespmem:$0x1E800] =	vst v63  }
0x9c: {  	_ =	swait.ge [sflag:s21], $0x4000  }
0x9d: {  	[sflag:s21] =	ssyncset.done $0x0  }
0x9e: {  	[sflag:s21] =	ssyncadd.s32 $0xFFFFC000  }
0x9f: {  	_ =	swait.ge [sflag:s23], $0x4000  }
0xa0: {  	[sflag:s23] =	ssyncset.done $0x0  }
0xa1: {  	s28 =	simm.s32 $0x1480;
	[sflag:s23] =	ssyncadd.s32 $0xFFFFC000  }
0xa2: {  	[spmem:s1] =	stream.indirect.scatter.add.f32 [tilespmem:s25], [sflag:$0x3], $0x80, s28, s24, $0xb8;
	[tilespmem:$0x1E800] =	vst v63  }
0xa3: {  	_ =	swait.ge [sflag:s21], $0x4000  }
0xa4: {  	s29 =	simm.s32 $0x800;
	s28 =	simm.s32 $0x400;
	[sflag:s21] =	ssyncset.done $0x0  }
.LBB2_7:
0xa5: {  	s30 =	sshra.s32 s28, $0x2  }
0xa6: {  	[sflag:s21] =	ssyncadd.s32 $0xFFFFC000;
	s28 =	smov.u32 s29;
	s31 =	sadd.s32 $0x400, s29  }
0xa7: {  	[tilespmem:s20], [sflag:$0x1] =	stream.indirect.gather [hbm4b:s3+s24], $0x80, s30, s24, $0xb8;
	[tilespmem:$0x1E800] =	vst v63  }
0xa8: {  	p1 =	seq.s32 s29, $0x4C00;
	s29 =	sadd.s32 $0x80, s30  }
0xa9: {  	[tilespmem:s25], [sflag:$0x2] =	stream.indirect.gather [hbm4b:s3+s24], $0x80, s29, s24, $0xb8;
	[tilespmem:$0x1E800] =	vst v63  }
0xaa: {  	_ =	swait.ge [sflag:s22], $0x4000  }
0xab: {  	[sflag:s22] =	ssyncset.done $0x0  }
0xac: {  	s29 =	sadd.s32 $0x1400, s30;
	[sflag:s22] =	ssyncadd.s32 $0xFFFFC000  }
0xad: {  	[spmem:s1] =	stream.indirect.scatter.add.f32 [tilespmem:s20], [sflag:$0x3], $0x80, s29, s24, $0xb8;
	[tilespmem:$0x1E800] =	vst v63  }
0xae: {  	_ =	swait.ge [sflag:s21], $0x4000  }
0xaf: {  	[sflag:s21] =	ssyncset.done $0x0  }
0xb0: {  	[sflag:s21] =	ssyncadd.s32 $0xFFFFC000  }
0xb1: {  	_ =	swait.ge [sflag:s23], $0x4000  }
.Ltmp5:
0xb2: {  	[sflag:s23] =	ssyncset.done $0x0;
	(pc) =	sbr.rel @!p1 .LBB2_7-.Ltmp5, $4  }
0xb3: {  	s29 =	sadd.s32 $0x1480, s30;
	[sflag:s23] =	ssyncadd.s32 $0xFFFFC000  }
0xb4: {  	[spmem:s1] =	stream.indirect.scatter.add.f32 [tilespmem:s25], [sflag:$0x3], $0x80, s29, s24, $0xb8;
	[tilespmem:$0x1E800] =	vst v63  }
0xb5: {  	_ =	swait.ge [sflag:s21], $0x4000  }
0xb6: {  	s29 =	smov.u32 s31;
	[sflag:s21] =	ssyncset.done $0x0  }
0xb7: {  	s28 =	sshra.s32 s28, $0x2;
	[sflag:s21] =	ssyncadd.s32 $0xFFFFC000  }
0xb8: {  	[tilespmem:s20], [sflag:$0x1] =	stream.indirect.gather [hbm4b:s3+s24], $0x80, s28, s24, $0xb8;
	[tilespmem:$0x1E800] =	vst v63  }
0xb9: {  	s29 =	sadd.s32 $0x80, s28  }
0xba: {  	[tilespmem:s25], [sflag:$0x2] =	stream.indirect.gather [hbm4b:s3+s24], $0x80, s29, s24, $0xb8;
	[tilespmem:$0x1E800] =	vst v63  }
0xbb: {  	_ =	swait.ge [sflag:s22], $0x4000  }
0xbc: {  	[sflag:s22] =	ssyncset.done $0x0  }
0xbd: {  	s31 =	sadd.s32 $0x1400, s28;
	[sflag:s22] =	ssyncadd.s32 $0xFFFFC000  }
0xbe: {  	[spmem:s1] =	stream.indirect.scatter.add.f32 [tilespmem:s20], [sflag:$0x3], $0x80, s31, s24, $0xb8;
	[tilespmem:$0x1E800] =	vst v63  }
0xbf: {  	_ =	swait.ge [sflag:s21], $0x4000  }
0xc0: {  	[sflag:s21] =	ssyncset.done $0x0  }
0xc1: {  	[sflag:s21] =	ssyncadd.s32 $0xFFFFC000  }
0xc2: {  	_ =	swait.ge [sflag:s23], $0x4000  }
0xc3: {  	[sflag:s23] =	ssyncset.done $0x0  }
.Ltmp6:
0xc4: {  	s28 =	sadd.s32 $0x1480, s28;
	[sflag:s23] =	ssyncadd.s32 $0xFFFFC000;
	(pc) =	sbr.rel .LBB2_14-.Ltmp6, $4  }
0xc5: {  	[spmem:s1] =	stream.indirect.scatter.add.f32 [tilespmem:s25], [sflag:$0x3], $0x80, s28, s24, $0xb8;
	[tilespmem:$0x1E800] =	vst v63  }
0xc6: {  	_ =	swait.ge [sflag:s21], $0x4000  }
0xc7: {  	[sflag:s21] =	ssyncset.done $0x0  }
0xc8: {  	s28 =	smov.u32 s6;
	[sflag:s21] =	ssyncadd.s32 $0xFFFFC000  }
.LBB2_9:
0xc9: {  	[tilespmem:s20], [sflag:$0x1] =	stream.indirect.gather [hbm4b:s5+s24], $0x80, s28, s24, $0xb8;
	[tilespmem:$0x1E800] =	vst v63  }
0xca: {  	s28 =	simm.s32 $0x80  }
0xcb: {  	[tilespmem:s25], [sflag:$0x2] =	stream.indirect.gather [hbm4b:s5+s24], $0x80, s28, s24, $0xb8;
	[tilespmem:$0x1E800] =	vst v63  }
0xcc: {  	_ =	swait.ge [sflag:s22], $0x4000  }
0xcd: {  	[sflag:s22] =	ssyncset.done $0x0  }
0xce: {  	s28 =	simm.s32 $0x1400;
	[sflag:s22] =	ssyncadd.s32 $0xFFFFC000  }
0xcf: {  	[spmem:s1] =	stream.indirect.scatter.add.f32 [tilespmem:s20], [sflag:$0x3], $0x80, s28, s24, $0xb8;
	[tilespmem:$0x1E800] =	vst v63  }
0xd0: {  	_ =	swait.ge [sflag:s21], $0x4000  }
0xd1: {  	[sflag:s21] =	ssyncset.done $0x0  }
0xd2: {  	[sflag:s21] =	ssyncadd.s32 $0xFFFFC000  }
0xd3: {  	_ =	swait.ge [sflag:s23], $0x4000  }
0xd4: {  	[sflag:s23] =	ssyncset.done $0x0  }
0xd5: {  	s28 =	simm.s32 $0x1480;
	[sflag:s23] =	ssyncadd.s32 $0xFFFFC000  }
0xd6: {  	[spmem:s1] =	stream.indirect.scatter.add.f32 [tilespmem:s25], [sflag:$0x3], $0x80, s28, s24, $0xb8;
	[tilespmem:$0x1E800] =	vst v63  }
0xd7: {  	_ =	swait.ge [sflag:s21], $0x4000  }
0xd8: {  	s29 =	simm.s32 $0x800;
	s28 =	simm.s32 $0x400;
	[sflag:s21] =	ssyncset.done $0x0  }
.LBB2_10:
0xd9: {  	s30 =	sshra.s32 s28, $0x2  }
0xda: {  	[sflag:s21] =	ssyncadd.s32 $0xFFFFC000;
	s28 =	smov.u32 s29;
	s31 =	sadd.s32 $0x400, s29  }
0xdb: {  	[tilespmem:s20], [sflag:$0x1] =	stream.indirect.gather [hbm4b:s5+s24], $0x80, s30, s24, $0xb8;
	[tilespmem:$0x1E800] =	vst v63  }
0xdc: {  	p1 =	sne.s32 s29, $0x4C00;
	s29 =	sadd.s32 $0x80, s30  }
0xdd: {  	[tilespmem:s25], [sflag:$0x2] =	stream.indirect.gather [hbm4b:s5+s24], $0x80, s29, s24, $0xb8;
	[tilespmem:$0x1E800] =	vst v63  }
0xde: {  	_ =	swait.ge [sflag:s22], $0x4000  }
0xdf: {  	[sflag:s22] =	ssyncset.done $0x0  }
0xe0: {  	s29 =	sadd.s32 $0x1400, s30;
	[sflag:s22] =	ssyncadd.s32 $0xFFFFC000  }
0xe1: {  	[spmem:s1] =	stream.indirect.scatter.add.f32 [tilespmem:s20], [sflag:$0x3], $0x80, s29, s24, $0xb8;
	[tilespmem:$0x1E800] =	vst v63  }
0xe2: {  	_ =	swait.ge [sflag:s21], $0x4000  }
0xe3: {  	[sflag:s21] =	ssyncset.done $0x0  }
0xe4: {  	[sflag:s21] =	ssyncadd.s32 $0xFFFFC000  }
0xe5: {  	_ =	swait.ge [sflag:s23], $0x4000  }
.Ltmp7:
0xe6: {  	[sflag:s23] =	ssyncset.done $0x0;
	(pc) =	sbr.rel @p1 .LBB2_10-.Ltmp7, $4  }
0xe7: {  	s29 =	sadd.s32 $0x1480, s30;
	[sflag:s23] =	ssyncadd.s32 $0xFFFFC000  }
0xe8: {  	[spmem:s1] =	stream.indirect.scatter.add.f32 [tilespmem:s25], [sflag:$0x3], $0x80, s29, s24, $0xb8;
	[tilespmem:$0x1E800] =	vst v63  }
0xe9: {  	_ =	swait.ge [sflag:s21], $0x4000  }
0xea: {  	s29 =	smov.u32 s31;
	[sflag:s21] =	ssyncset.done $0x0  }
0xeb: {  	s28 =	sshra.s32 s28, $0x2;
	[sflag:s21] =	ssyncadd.s32 $0xFFFFC000  }
0xec: {  	[tilespmem:s20], [sflag:$0x1] =	stream.indirect.gather [hbm4b:s5+s24], $0x80, s28, s24, $0xb8;
	[tilespmem:$0x1E800] =	vst v63  }
0xed: {  	s29 =	sadd.s32 $0x80, s28  }
0xee: {  	[tilespmem:s25], [sflag:$0x2] =	stream.indirect.gather [hbm4b:s5+s24], $0x80, s29, s24, $0xb8;
	[tilespmem:$0x1E800] =	vst v63  }
0xef: {  	_ =	swait.ge [sflag:s22], $0x4000  }
0xf0: {  	[sflag:s22] =	ssyncset.done $0x0  }
0xf1: {  	s29 =	sadd.s32 $0x1400, s28;
	[sflag:s22] =	ssyncadd.s32 $0xFFFFC000  }
0xf2: {  	[spmem:s1] =	stream.indirect.scatter.add.f32 [tilespmem:s20], [sflag:$0x3], $0x80, s29, s24, $0xb8;
	[tilespmem:$0x1E800] =	vst v63  }
0xf3: {  	_ =	swait.ge [sflag:s21], $0x4000  }
0xf4: {  	[sflag:s21] =	ssyncset.done $0x0  }
0xf5: {  	[sflag:s21] =	ssyncadd.s32 $0xFFFFC000  }
0xf6: {  	_ =	swait.ge [sflag:s23], $0x4000  }
0xf7: {  	[sflag:s23] =	ssyncset.done $0x0  }
0xf8: {  	s28 =	sadd.s32 $0x1480, s28;
	[sflag:s23] =	ssyncadd.s32 $0xFFFFC000  }
0xf9: {  	[spmem:s1] =	stream.indirect.scatter.add.f32 [tilespmem:s25], [sflag:$0x3], $0x80, s28, s24, $0xb8;
	[tilespmem:$0x1E800] =	vst v63  }
0xfa: {  	_ =	swait.ge [sflag:s21], $0x4000  }
0xfb: {  	[sflag:s21] =	ssyncset.done $0x0  }
0xfc: {  	s28 =	simm.s32 $0x0;
	[sflag:s21] =	ssyncadd.s32 $0xFFFFC000  }
0xfd: {  	[tilespmem:s28], [sflag:$0x3] =	stream.linear.gather [hbm4b:s16+s28], $0x1400, $0x38;
	[tilespmem:$0x1E800] =	vst v63  }
0xfe: {  	_ =	swait.ge [sflag:s21], $0x1400  }
0xff: {  	[sflag:s21] =	ssyncset.done $0x0  }
0x100: {  	[sflag:s21] =	ssyncadd.s32 $0xFFFFEC00  }
0x101: {  	[tilespmem:s19], [sflag:$0x3] =	stream.linear.gather [hbm4b:s17+s28], $0x1400, $0x38;
	[tilespmem:$0x1E800] =	vst v63  }
0x102: {  	_ =	swait.ge [sflag:s21], $0x1400  }
0x103: {  	[sflag:s21] =	ssyncset.done $0x0  }
0x104: {  	s28 =	simm.s32 $0x0;
	[sflag:s21] =	ssyncadd.s32 $0xFFFFEC00  }
0x105: {  	[tilespmem:s20], [sflag:$0x1] =	stream.indirect.gather [hbm4b:s5+s24], $0x80, s28, s24, $0xb8;
	[tilespmem:$0x1E800] =	vst v63  }
0x106: {  	s28 =	simm.s32 $0x80  }
0x107: {  	[tilespmem:s25], [sflag:$0x2] =	stream.indirect.gather [hbm4b:s5+s24], $0x80, s28, s24, $0xb8;
	[tilespmem:$0x1E800] =	vst v63  }
0x108: {  	_ =	swait.ge [sflag:s22], $0x4000  }
0x109: {  	[sflag:s22] =	ssyncset.done $0x0  }
0x10a: {  	s28 =	simm.s32 $0x1400;
	[sflag:s22] =	ssyncadd.s32 $0xFFFFC000  }
0x10b: {  	[spmem:s1] =	stream.indirect.scatter.add.f32 [tilespmem:s20], [sflag:$0x3], $0x80, s28, s24, $0xb8;
	[tilespmem:$0x1E800] =	vst v63  }
0x10c: {  	_ =	swait.ge [sflag:s21], $0x4000  }
0x10d: {  	[sflag:s21] =	ssyncset.done $0x0  }
0x10e: {  	[sflag:s21] =	ssyncadd.s32 $0xFFFFC000  }
0x10f: {  	_ =	swait.ge [sflag:s23], $0x4000  }
0x110: {  	[sflag:s23] =	ssyncset.done $0x0  }
0x111: {  	s28 =	simm.s32 $0x1480;
	[sflag:s23] =	ssyncadd.s32 $0xFFFFC000  }
0x112: {  	[spmem:s1] =	stream.indirect.scatter.add.f32 [tilespmem:s25], [sflag:$0x3], $0x80, s28, s24, $0xb8;
	[tilespmem:$0x1E800] =	vst v63  }
0x113: {  	_ =	swait.ge [sflag:s21], $0x4000  }
0x114: {  	s29 =	simm.s32 $0x800;
	s28 =	simm.s32 $0x400;
	[sflag:s21] =	ssyncset.done $0x0  }
.LBB2_12:
0x115: {  	s30 =	sshra.s32 s28, $0x2  }
0x116: {  	[sflag:s21] =	ssyncadd.s32 $0xFFFFC000;
	s28 =	smov.u32 s29;
	s31 =	sadd.s32 $0x400, s29  }
0x117: {  	[tilespmem:s20], [sflag:$0x1] =	stream.indirect.gather [hbm4b:s5+s24], $0x80, s30, s24, $0xb8;
	[tilespmem:$0x1E800] =	vst v63  }
0x118: {  	p1 =	sne.s32 s29, $0x4C00;
	s29 =	sadd.s32 $0x80, s30  }
0x119: {  	[tilespmem:s25], [sflag:$0x2] =	stream.indirect.gather [hbm4b:s5+s24], $0x80, s29, s24, $0xb8;
	[tilespmem:$0x1E800] =	vst v63  }
0x11a: {  	_ =	swait.ge [sflag:s22], $0x4000  }
0x11b: {  	[sflag:s22] =	ssyncset.done $0x0  }
0x11c: {  	s29 =	sadd.s32 $0x1400, s30;
	[sflag:s22] =	ssyncadd.s32 $0xFFFFC000  }
0x11d: {  	[spmem:s1] =	stream.indirect.scatter.add.f32 [tilespmem:s20], [sflag:$0x3], $0x80, s29, s24, $0xb8;
	[tilespmem:$0x1E800] =	vst v63  }
0x11e: {  	_ =	swait.ge [sflag:s21], $0x4000  }
0x11f: {  	[sflag:s21] =	ssyncset.done $0x0  }
0x120: {  	[sflag:s21] =	ssyncadd.s32 $0xFFFFC000  }
0x121: {  	_ =	swait.ge [sflag:s23], $0x4000  }
.Ltmp8:
0x122: {  	[sflag:s23] =	ssyncset.done $0x0;
	(pc) =	sbr.rel @p1 .LBB2_12-.Ltmp8, $4  }
0x123: {  	s29 =	sadd.s32 $0x1480, s30;
	[sflag:s23] =	ssyncadd.s32 $0xFFFFC000  }
0x124: {  	[spmem:s1] =	stream.indirect.scatter.add.f32 [tilespmem:s25], [sflag:$0x3], $0x80, s29, s24, $0xb8;
	[tilespmem:$0x1E800] =	vst v63  }
0x125: {  	_ =	swait.ge [sflag:s21], $0x4000  }
0x126: {  	s29 =	smov.u32 s31;
	[sflag:s21] =	ssyncset.done $0x0  }
.Ltmp9:
0x127: {  	_ = 	snop;
	(pc) =	sbr.rel .LBB2_13-.Ltmp9, $1  }
0x128: {  	_ =	sdelay $0x3  }
.LBB2_15:
0x129: {  	_ =	sfence.sel $0x180000  }
0x12a: {  	[bflag:$0x0] =	sbarrier.arrive $0xFFFF  }
0x12b: {  	p0 =	sne.s32 s4, $0x0;
	_ =	strace $0x9000004A  }
0x12c: {  	s0 =	sadd.s32 @!p0 $0x100000, s0;
	[bflag:$0x2] =	sbarrier.arrive $0xFFFF  }
0x12d: {  	[sflag:s0] =	ssyncadd.tile.s32 @!p0 $0x1;
	_ =	shalt  }
.Lfunc_end2:
_tile_overlayer_lowered:
.L_overlay_start_2:
0x12e: {  	(tag) =	ssettag $0x2  }
0x12f: {  	s0 =	rddreg [dreg:$0x0];
	s2 =	stileid.u32  }
0x130: {  	s1 =	rddreg [dreg:$0x1];
	p0 =	sne.s32 s2, $0x0  }
0x131: {  	s3 =	rddreg [dreg:$0x2];
	[bflag:$0x3] =	sbarrier.arrive $0xFFFF;
	s2 =	simm.s32 @!p0 $0x1C03  }
0x132: {  	[timem:s3], [sflag:s2] =	dma.local @!p0 [hbm:s0], s1  }
0x133: {  	s0 =	simm.s32 @!p0 $0x3  }
0x134: {  	_ =	swait.ge @!p0 [sflag:s0], s1  }
0x135: {  	s1 =	ssub.s32 @!p0 $0x0, s1;
	[sflag:s0] =	ssyncset.done @!p0 $0x0  }
0x136: {  	[sflag:s0] =	ssyncadd.s32 @!p0 s1  }
0x137: {  	[bflag:$0x3] =	sbarrier.arrive $0xFFFF  }
0x138: {  	_ =	shalt  }

// kernel: kernel.15.cloned.1.call-start
scs
__scs_entry_jumppad:
0x0: {  	(pc) =	sbr.rel $0x88, $3  }
0x1: {  	(tag) =	ssettag $0x0;
	lr =	simm.s32 $0x1  }
0x2: {  	[smem:$0x3F99] =	sst lr;
	_ =	strace $0xD0000000  }
0x3: {  	_ = 	snop  }
0x4: {  	_ = 	snop  }
0x5: {  	_ = 	snop  }
0x6: {  	_ = 	snop  }
0x7: {  	_ = 	snop  }
__scs_overlays_trampoline_lowered:
0x8: {  	[smem:$0x3FA8] =	sst s0  }
0x9: {  	[smem:$0x3FA9] =	sst s1  }
0xa: {  	[smem:$0x3FAA] =	sst s2  }
0xb: {  	[smem:$0x3FAB] =	sst s3  }
0xc: {  	[smem:$0x3FAC] =	sst s4  }
0xd: {  	[smem:$0x3FAD] =	sst s5  }
0xe: {  	[smem:$0x3FAE] =	sst s6  }
0xf: {  	[smem:$0x3FAF] =	sst s7  }
0x10: {  	[smem:$0x3FB0] =	sst s8  }
0x11: {  	[smem:$0x3FB1] =	sst s9;
	s0 =	simm.s32 @!p0 $0x0  }
0x12: {  	s1 =	sld [smem:$0x3F97];
	s0 =	simm.s32 @p0 $0x1  }
0x13: {  	[smem:$0x3FB2] =	sst s0;
	s0 =	simm.s32 @!p1 $0x0  }
0x14: {  	s2 =	sld [smem:$0x3F96];
	s0 =	simm.s32 @p1 $0x1  }
0x15: {  	[smem:$0x3FB3] =	sst s0;
	s0 =	simm.s32 @!p2 $0x0  }
0x16: {  	s3 =	sld [smem:$0x3FDB];
	s0 =	simm.s32 @p2 $0x1  }
0x17: {  	s4 =	simm.s32 $0x1BF5;
	[smem:$0x3FB5] =	sst s0  }
0x18: {  	s0 =	sld [smem:$0x3F98];
	_ =	swait.ge [sflag:s4], $0x0  }
0x19: {  	s7 =	sld [smem:$0x3F99]  }
0x1a: {  	s8 =	sadd.s32 $0xFFFFE003, lr  }
0x1b: {  	s9 =	sadd.s32 $0xFFFFFEF7, lr;
	s5 =	simm.s32 $0xFFFFFFFF;
	p2 =	slt.u32 s8, $0xFFFFF086  }
0x1c: {  	p1 =	slt.u32 s9, $0xF7A;
	s5 =	simm.s32 @!p2 $0x0  }
0x1d: {  	s5 =	simm.s32 @p1 $0x1;
	p0 =	seq.s32 s7, s2  }
0x1e: {  	s7 =	smul.u32 @!p0 $0xF7A, s2;
	p2 =	seq.s32 @!p0 s5, $0x0  }
0x1f: {  	s9 =	smul.u32 $0xF7A, s1;
	s8 =	simm.s32 @!p0 $0x1BF5;
	p2 =	por !p2, p0  }
0x20: {  	[sflag:s8] =	ssyncset.s32 @!p0 $0xFFFFF086;
	s6 =	sadd.s32 @!p0 s3, s7;
	s7 =	simm.s32 @!p0 $0x108  }
0x21: {  	s3 =	sadd.s32 s3, s9;
	s6 =	sadd.s32 @!p0 $0x88, s6;
	s7 =	simm.s32 @p2 $0x1082  }
0x22: {  	[simem:s7], [sflag:s8] =	dma.local @!p0 [hbm:s6], $0xF7A  }
0x23: {  	s9 =	sor.u32 $0xD0000000, s2;
	s6 =	simm.s32 $0x108;
	_ =	swait.ge @!p0 [sflag:s8], $0x0  }
0x24: {  	s3 =	sadd.s32 $0x88, s3;
	s6 =	simm.s32 @!p1 $0x1082;
	[sflag:s4] =	ssyncset.s32 $0xFFFFF086  }
0x25: {  	[simem:s6], [sflag:s4] =	dma.local [hbm:s3], $0xF7A  }
0x26: {  	[smem:$0x3F99] =	sst s1;
	(tag) =	ssettag s2;
	_ =	strace s9  }
0x27: {  	s1 =	sld [smem:$0x3FA9]  }
0x28: {  	s2 =	sld [smem:$0x3FAA]  }
0x29: {  	s4 =	sld [smem:$0x3FAC]  }
0x2a: {  	p0 =	seq.s32 s5, $0x0;
	s5 =	sld [smem:$0x3FAD]  }
0x2b: {  	s6 =	sld [smem:$0x3FAE]  }
0x2c: {  	s7 =	sld [smem:$0x3FAF]  }
0x2d: {  	s3 =	simm.s32 $0x108;
	s8 =	sld [smem:$0x3FB0]  }
0x2e: {  	s3 =	simm.s32 @!p0 $0x1082;
	s9 =	sld [smem:$0x3FB1]  }
0x2f: {  	lr =	sadd.s32 s0, s3;
	s0 =	sld [smem:$0x3FA8]  }
0x30: {  	s3 =	sld [smem:$0x3FAB]  }
0x31: {  	[smem:$0x3FB4] =	sst s10  }
0x32: {  	s10 =	sld [smem:$0x3FB2];
	_ =	sdelay $0x3  }
0x33: {  	p0 =	seq.s32 s10, $0x1;
	s10 =	sld [smem:$0x3FB4];
	_ =	sdelay $0x3  }
0x34: {  	[smem:$0x3FB4] =	sst s10  }
0x35: {  	s10 =	sld [smem:$0x3FB3];
	_ =	sdelay $0x3  }
0x36: {  	p1 =	seq.s32 s10, $0x1;
	s10 =	sld [smem:$0x3FB4];
	_ =	sdelay $0x3  }
0x37: {  	[smem:$0x3FB4] =	sst s10  }
0x38: {  	s10 =	sld [smem:$0x3FB5]  }
0x39: {  	_ = 	snop;
	(pc) =	sbr.ind lr, $3  }
0x3a: {  	_ = 	snop  }
0x3b: {  	_ = 	snop  }
0x3c: {  	p2 =	seq.s32 s10, $0x1;
	s10 =	sld [smem:$0x3FB4]  }
0x3d: {  	_ =	shalt  }
0x3e: {  	_ =	shalt  }
0x3f: {  	_ =	shalt  }
0x40: {  	_ =	shalt  }
0x41: {  	_ =	shalt  }
0x42: {  	_ =	shalt  }
0x43: {  	_ =	shalt  }
0x44: {  	_ =	shalt  }
0x45: {  	_ =	shalt  }
0x46: {  	_ =	shalt  }
0x47: {  	_ =	shalt  }
0x48: {  	_ =	shalt  }
0x49: {  	_ =	shalt  }
0x4a: {  	_ =	shalt  }
0x4b: {  	_ =	shalt  }
0x4c: {  	_ =	shalt  }
0x4d: {  	_ =	shalt  }
0x4e: {  	_ =	shalt  }
0x4f: {  	_ =	shalt  }
0x50: {  	_ =	shalt  }
0x51: {  	_ =	shalt  }
0x52: {  	_ =	shalt  }
0x53: {  	_ =	shalt  }
0x54: {  	_ =	shalt  }
0x55: {  	_ =	shalt  }
0x56: {  	_ =	shalt  }
0x57: {  	_ =	shalt  }
0x58: {  	_ =	shalt  }
0x59: {  	_ =	shalt  }
0x5a: {  	_ =	shalt  }
0x5b: {  	_ =	shalt  }
0x5c: {  	_ =	shalt  }
0x5d: {  	_ =	shalt  }
0x5e: {  	_ =	shalt  }
0x5f: {  	_ =	shalt  }
0x60: {  	_ =	shalt  }
0x61: {  	_ =	shalt  }
0x62: {  	_ =	shalt  }
0x63: {  	_ =	shalt  }
0x64: {  	_ =	shalt  }
0x65: {  	_ =	shalt  }
0x66: {  	_ =	shalt  }
0x67: {  	_ =	shalt  }
0x68: {  	_ =	shalt  }
0x69: {  	_ =	shalt  }
0x6a: {  	_ =	shalt  }
0x6b: {  	_ =	shalt  }
0x6c: {  	_ =	shalt  }
0x6d: {  	_ =	shalt  }
0x6e: {  	_ =	shalt  }
0x6f: {  	_ =	shalt  }
0x70: {  	_ =	shalt  }
0x71: {  	_ =	shalt  }
0x72: {  	_ =	shalt  }
0x73: {  	_ =	shalt  }
0x74: {  	_ =	shalt  }
0x75: {  	_ =	shalt  }
0x76: {  	_ =	shalt  }
0x77: {  	_ =	shalt  }
0x78: {  	_ =	shalt  }
0x79: {  	_ =	shalt  }
0x7a: {  	_ =	shalt  }
0x7b: {  	_ =	shalt  }
0x7c: {  	_ =	shalt  }
0x7d: {  	_ =	shalt  }
0x7e: {  	_ =	shalt  }
0x7f: {  	_ =	shalt  }
0x80: {  	_ =	shalt  }
0x81: {  	_ =	shalt  }
0x82: {  	_ =	shalt  }
0x83: {  	_ =	shalt  }
0x84: {  	_ =	shalt  }
0x85: {  	_ =	shalt  }
0x86: {  	_ =	shalt  }
0x87: {  	_ =	shalt  }
.Lfunc_end0:
.L_simem_size_0:
called_computation.2_lowered:
.L_overlay_start_0:
0x88: {  	s2 =	sld [smem:$0x3FD9]  }
0x89: {  	s3 =	sld [smem:$0x3FFE];
	_ =	sdelay $0x1  }
0x8a: {  	s1 =	srdreg.scid  }
0x8b: {  	s0 =	sand.u32 $0x1, s1  }
0x8c: {  	s16 =	sshll.u32 s0, $0xA;
	s2 =	sadd.s32 s3, s2  }
0x8d: {  	s2 =	sadd.s32 s2, s16  }
0x8e: {  	[smem:$0x3FC0] =	sst s2  }
0x8f: {  	_ = 	snop  }
0x90: {  	(tm) =	ssettm $0x1  }
0x91: {  	s17 =	sld [smem:$0x3FFB];
	_ =	sdelay $0x3  }
0x92: {  	_ =	strace s17  }
0x93: {  	s2 =	sld [smem:$0x3FFC];
	_ =	sdelay $0x3  }
0x94: {  	_ =	strace s2  }
0x95: {  	s2 =	sld [smem:$0x3FFD];
	_ =	sdelay $0x3  }
0x96: {  	_ =	strace s2  }
0x97: {  	_ =	strace $0x8FFFFFFF  }
0x98: {  	s18 =	sld [smem:$0x3FDB];
	_ =	sdelay $0x1  }
0x99: {  	s19 =	simm.s32 $_scs_section_size  }
0x9a: {  	s4 =	simm.s32 $_size__tile_overlayer_lowered;
	s5 =	simm.s32 $_tile_overlayer_lowered  }
0x9b: {  	s22 =	simm.s32 $0x1BFF;
	s21 =	sshll.u32 s5, $0x1;
	s2 =	sadd.s32 s19, s18  }
0x9c: {  	s6 =	simm.s32 $0x0;
	s20 =	sshll.u32 s4, $0x1;
	s4 =	sadd.s32 s21, s2  }
0x9d: {  	[timem:s6], [sflag:s22] =	dma.local [hbm:s4], s20  }
0x9e: {  	_ =	swait.ge [sflag:s22], s20  }
0x9f: {  	s3 =	ssub.s32 $0x0, s20;
	[sflag:s22] =	ssyncset.done $0x0  }
0xa0: {  	[sflag:s22] =	ssyncadd.s32 s3;
	_ =	sdelay $0x1  }
0xa1: {  	s23 =	simm.s32 $0x1B8B  }
0xa2: {  	_ =	swait.ge [sflag:s23], $0x1  }
0xa3: {  	[sflag:s23] =	ssyncset.done $0x0  }
0xa4: {  	s25 =	simm.s32 $0x1B8E;
	s24 =	sld [smem:$0x3FFE];
	[sflag:s23] =	ssyncadd.s32 $0xFFFFFFFF  }
0xa5: {  	s26 =	simm.s32 $execute0_lowered;
	[smem:$0x3FD2] =	sst s25  }
0xa6: {  	s4 =	sshll.u32 s26, $0x1;
	_ =	strace $0x8000004C;
	[dreg:$0x1] =	wrdreg $0xFFFFFFFF  }
0xa7: {  	s28 =	simm.s32 $_size_execute0_lowered;
	s2 =	sadd.s32 s2, s4;
	[dreg:$0x0] =	wrdreg $0x0  }
0xa8: {  	s4 =	sshll.u32 s28, $0x1;
	[dreg:$0x2] =	wrdreg s2  }
0xa9: {  	[dreg:$0x3] =	wrdreg s4  }
0xaa: {  	[dreg:$0x4] =	wrdreg $0xC0  }
0xab: {  	_ =	task [dreg:s6], $0x5FFFF  }
0xac: {  	[dreg:$0x1] =	wrdreg $0xFFFFFFFF  }
0xad: {  	[dreg:$0x0] =	wrdreg $0x60  }
0xae: {  	[dreg:$0x2] =	wrdreg s24  }
0xaf: {  	[dreg:$0x3] =	wrdreg $0xA8000  }
0xb0: {  	[dreg:$0x4] =	wrdreg $0x9  }
0xb1: {  	_ =	task.clear_ibuf [dreg:s6], $0x5FFFF;
	_ =	strace $0x9000004C  }
0xb2: {  	s29 =	simm.s32 $0x9;
	_ =	strace $0x8000004E  }
0xb3: {  	_ =	swait.ge [sflag:s29], $0x1  }
0xb4: {  	[sflag:s29] =	ssyncadd.s32 $0xFFFFFFFF  }
0xb5: {  	_ =	strace $0x9000004E  }
0xb6: {  	_ =	sfence  }
0xb7: {  	s30 =	sld [smem:$0x0];
	_ =	sdelay $0x2  }
0xb8: {  	s31 =	sshll.u32 s1, $0xD;
	s1 =	sshrl.u32 s1, $0x2  }
0xb9: {  	s3 =	sand.u32 $0x4000, s31;
	s1 =	sadd.s32 s1, s30  }
0xba: {  	s0 =	sor.u32 s3, s0;
	s1 =	sshll.u32 s1, $0x11  }
0xbb: {  	s0 =	sor.u32 s1, s0  }
0xbc: {  	s0 =	sadd.s32 $0x8F2B, s0  }
0xbd: {  	[sflag:s0] =	ssyncadd.remote.s32 $0x1  }
0xbe: {  	_ =	sfence.sel $0xFFFF  }
0xbf: {  	[dreg:$0x0] =	wrdreg $0xFFFFFFFF;
	(pc) =	sbr.abs _section_cstart, $3  }
0xc0: {  	[dreg:$0x1] =	wrdreg $0xFFFFFFFF  }
0xc1: {  	_ =	task.clear_ibuf [dreg:s6], $0x2FFFF;
	_ =	strace $0x9FFFFFFF  }
0xc2: {  	(tm) =	ssettm $0x7FFFFFFF  }
0xc3: {  	_ =	shalt  }
tec
execute0_lowered:
.L_overlay_start_1:
0x0: {  	(tag) =	ssettag $0x1  }
0x1: {  	s7 =	rddreg [dreg:$0x0]  }
0x2: {  	s1 =	rddreg [dreg:$0x1]  }
0x3: {  	s0 =	rddreg [dreg:$0x2];
	s2 =	simm.s32 $0x0;
	s6 =	srdreg.scid  }
0x4: {  	s4 =	stileid.u32;
	s21 =	simm.s32 $0x3;
	s22 =	simm.s32 $0x1  }
0x5: {  	s23 =	simm.s32 $0x2;
	s24 =	simm.s32 $0x80;
	s25 =	simm.s32 $0x6800  }
0x6: {  	s26 =	simm.s32 $0x0;
	[smem:$0x7FF] =	sst s2;
	s3 =	sadd.s32 $0x5DE00, s7  }
0x7: {  	s5 =	sadd.s32 $0x85E00, s7;
	s16 =	sadd.s32 $0x8E00, s7;
	s17 =	sadd.s32 $0x3E00, s7  }
0x8: {  	s20 =	sand.u32 $0x1, s6;
	s6 =	sadd.s32 $0xD5E00, s7;
	s9 =	smul.u32 $0x50000, s4  }
0x9: {  	s7 =	sadd.s32 $0xFDE00, s7;
	s11 =	smul.u32 $0x500, s4;
	s8 =	ssub.s32 $0x2, s20  }
0xa: {  	_ =	strace $0x8000004D;
	s10 =	sshrl.u32 s8, $0x1;
	s12 =	sshrl.u32 s9, $0x2  }
0xb: {  	s9 =	sadd.s32 s16, s11;
	s18 =	ssub.s32 s8, s10;
	s8 =	smul.u32 $0x2800, s4  }
.Ltmp0:
0xc: {  	s10 =	sadd.s32 s17, s11;
	s11 =	sadd.s32 s12, s1;
	(pc) =	sbr.rel .LBB2_1-.Ltmp0, $4  }
0xd: {  	p0 =	sne.s32 s20, $0x0;
	s20 =	simm.s32 $0x2800;
	s12 =	sadd.s32 $0x4000, s11  }
0xe: {  	s13 =	sadd.s32 $0x8000, s11;
	s14 =	sadd.s32 $0xC000, s11;
	s19 =	sshrl.u32 s8, $0x3  }
0xf: {  	s15 =	sadd.s32 $0x10000, s11;
	s18 =	smax.u32 s18, $0x1;
	s19 =	sadd.s32 $0x280, s19  }
0x10: {  	v0 =	vimm.f32 $0.0e+00;
	s16 =	sadd.s32 s16, s19;
	s17 =	sadd.s32 s17, s19;
	s19 =	simm.s32 $0x1400  }
.LBB2_13:
0x11: {  	s28 =	sshra.s32 s28, $0x2;
	[sflag:s21] =	ssyncadd.s32 $0xFFFFC000  }
0x12: {  	[tilespmem:s20], [sflag:$0x1] =	stream.indirect.gather [hbm4b:s5+s24], $0x80, s28, s24, $0xb8;
	[tilespmem:$0x1E800] =	vst v63  }
0x13: {  	s29 =	sadd.s32 $0x80, s28  }
0x14: {  	[tilespmem:s25], [sflag:$0x2] =	stream.indirect.gather [hbm4b:s5+s24], $0x80, s29, s24, $0xb8;
	[tilespmem:$0x1E800] =	vst v63  }
0x15: {  	_ =	swait.ge [sflag:s22], $0x4000  }
0x16: {  	[sflag:s22] =	ssyncset.done $0x0  }
0x17: {  	s31 =	sadd.s32 $0x1400, s28;
	[sflag:s22] =	ssyncadd.s32 $0xFFFFC000  }
0x18: {  	[spmem:s1] =	stream.indirect.scatter.add.f32 [tilespmem:s20], [sflag:$0x3], $0x80, s31, s24, $0xb8;
	[tilespmem:$0x1E800] =	vst v63  }
0x19: {  	_ =	swait.ge [sflag:s21], $0x4000  }
0x1a: {  	[sflag:s21] =	ssyncset.done $0x0  }
0x1b: {  	[sflag:s21] =	ssyncadd.s32 $0xFFFFC000  }
0x1c: {  	_ =	swait.ge [sflag:s23], $0x4000  }
0x1d: {  	[sflag:s23] =	ssyncset.done $0x0  }
0x1e: {  	s28 =	sadd.s32 $0x1480, s28;
	[sflag:s23] =	ssyncadd.s32 $0xFFFFC000  }
0x1f: {  	[spmem:s1] =	stream.indirect.scatter.add.f32 [tilespmem:s25], [sflag:$0x3], $0x80, s28, s24, $0xb8;
	[tilespmem:$0x1E800] =	vst v63  }
0x20: {  	_ =	swait.ge [sflag:s21], $0x4000  }
0x21: {  	[sflag:s21] =	ssyncset.done $0x0  }
0x22: {  	s28 =	smov.u32 s7;
	[sflag:s21] =	ssyncadd.s32 $0xFFFFC000  }
.LBB2_14:
0x23: {  	s28 =	sadd.s32 s28, s8;
	s26 =	sadd.s32 $0x1, s26  }
0x24: {  	s29 =	sshll.u32 s4, $0x6;
	[bflag:$0x0] =	sbarrier.arrive $0xFFFF;
	p1 =	sne.s32 s26, s18  }
.Ltmp1:
0x25: {  	s30 =	sshrl.u32 s11, $0x3;
	s29 =	sor.u32 $0x1C03, s29;
	(pc) =	sbr.rel @!p1 .LBB2_15-.Ltmp1, $4  }
0x26: {  	[hbm:s28], [sflag:s29] =	dma.local [spmem:s30], $0x2800  }
0x27: {  	_ =	swait.ge [sflag:s21], $0x2800  }
0x28: {  	[sflag:s21] =	ssyncset.done $0x0  }
0x29: {  	[sflag:s21] =	ssyncadd.s32 $0xFFFFD800  }
.LBB2_1:
0x2a: {  	[tilespmem:s2], [sflag:$0x1] =	stream.linear.gather [hbm4b:s9+s2], $0x1400, $0x38;
	[tilespmem:$0x1E800] =	vst v63  }
0x2b: {  	s28 =	simm.s32 $0x0;
	s29 =	simm.s32 $0x200  }
0x2c: {  	[tilespmem:s19], [sflag:$0x2] =	stream.linear.gather [hbm4b:s10+s2], $0x1400, $0x38;
	[tilespmem:$0x1E800] =	vst v63  }
.LBB2_2:
0x2d: {  	p1 =	sne.s32 s29, $0xFE00;
	[tilespmem:s28+$0x2870] =	vst v0  }
0x2e: {  	[tilespmem:s28+$0x2800] =	vst v0  }
0x2f: {  	[tilespmem:s28+$0x2810] =	vst v0  }
.Ltmp2:
0x30: {  	[tilespmem:s28+$0x2820] =	vst v0;
	(pc) =	sbr.rel @p1 .LBB2_2-.Ltmp2, $4  }
0x31: {  	[tilespmem:s28+$0x2830] =	vst v0  }
0x32: {  	[tilespmem:s28+$0x2840] =	vst v0  }
0x33: {  	[tilespmem:s28+$0x2850] =	vst v0  }
0x34: {  	[tilespmem:s28+$0x2860] =	vst v0;
	s28 =	sshra.s32 s29, $0x2;
	s29 =	sadd.s32 $0x200, s29  }
0x35: {  	[tilespmem:s28+$0x2870] =	vst v0  }
0x36: {  	[tilespmem:s28+$0x2800] =	vst v0  }
0x37: {  	[tilespmem:s28+$0x2810] =	vst v0  }
0x38: {  	[tilespmem:s28+$0x2820] =	vst v0  }
0x39: {  	[tilespmem:s28+$0x2830] =	vst v0  }
0x3a: {  	[tilespmem:s28+$0x2840] =	vst v0  }
0x3b: {  	[tilespmem:s28+$0x2850] =	vst v0  }
0x3c: {  	[tilespmem:s28+$0x2860] =	vst v0  }
0x3d: {  	[spmem:s11] =	stream.linear.scatter [tilespmem:s20], [sflag:$0x3], $0x4000, $0x38;
	[tilespmem:$0x1E800] =	vst v63  }
0x3e: {  	_ =	swait.ge [sflag:s21], $0x4000  }
0x3f: {  	[sflag:s21] =	ssyncset.done $0x0  }
0x40: {  	[sflag:s21] =	ssyncadd.s32 $0xFFFFC000  }
0x41: {  	[spmem:s12] =	stream.linear.scatter [tilespmem:s20], [sflag:$0x3], $0x4000, $0x38;
	[tilespmem:$0x1E800] =	vst v63  }
0x42: {  	_ =	swait.ge [sflag:s21], $0x4000  }
0x43: {  	[sflag:s21] =	ssyncset.done $0x0  }
0x44: {  	[sflag:s21] =	ssyncadd.s32 $0xFFFFC000  }
0x45: {  	[spmem:s13] =	stream.linear.scatter [tilespmem:s20], [sflag:$0x3], $0x4000, $0x38;
	[tilespmem:$0x1E800] =	vst v63  }
0x46: {  	_ =	swait.ge [sflag:s21], $0x4000  }
0x47: {  	[sflag:s21] =	ssyncset.done $0x0  }
0x48: {  	[sflag:s21] =	ssyncadd.s32 $0xFFFFC000  }
0x49: {  	[spmem:s14] =	stream.linear.scatter [tilespmem:s20], [sflag:$0x3], $0x4000, $0x38;
	[tilespmem:$0x1E800] =	vst v63  }
0x4a: {  	_ =	swait.ge [sflag:s21], $0x4000  }
0x4b: {  	[sflag:s21] =	ssyncset.done $0x0  }
0x4c: {  	[sflag:s21] =	ssyncadd.s32 $0xFFFFC000  }
0x4d: {  	[spmem:s15] =	stream.linear.scatter [tilespmem:s20], [sflag:$0x3], $0x4000, $0x38;
	[tilespmem:$0x1E800] =	vst v63  }
0x4e: {  	_ =	swait.ge [sflag:s21], $0x4000  }
0x4f: {  	[sflag:s21] =	ssyncset.done $0x0  }
0x50: {  	[sflag:s21] =	ssyncadd.s32 $0xFFFFC000  }
0x51: {  	_ =	swait.ge [sflag:s22], $0x1400  }
0x52: {  	[sflag:s22] =	ssyncset.done $0x0  }
0x53: {  	[sflag:s22] =	ssyncadd.s32 $0xFFFFEC00  }
.Ltmp3:
0x54: {  	_ =	swait.ge [sflag:s23], $0x1400;
	(pc) =	sbr.rel @p0 .LBB2_9-.Ltmp3, $4  }
0x55: {  	[sflag:s23] =	ssyncset.done $0x0  }
0x56: {  	[sflag:s23] =	ssyncadd.s32 $0xFFFFEC00  }
0x57: {  	[bflag:$0x0] =	sbarrier.arrive $0xFFFF  }
0x58: {  	s28 =	simm.s32 $0x0  }
0x59: {  	[tilespmem:s20], [sflag:$0x1] =	stream.indirect.gather [hbm4b:s3+s24], $0x80, s28, s24, $0xb8;
	[tilespmem:$0x1E800] =	vst v63  }
0x5a: {  	s28 =	simm.s32 $0x80  }
0x5b: {  	[tilespmem:s25], [sflag:$0x2] =	stream.indirect.gather [hbm4b:s3+s24], $0x80, s28, s24, $0xb8;
	[tilespmem:$0x1E800] =	vst v63  }
0x5c: {  	_ =	swait.ge [sflag:s22], $0x4000  }
0x5d: {  	[sflag:s22] =	ssyncset.done $0x0  }
0x5e: {  	s28 =	simm.s32 $0x1400;
	[sflag:s22] =	ssyncadd.s32 $0xFFFFC000  }
0x5f: {  	[spmem:s1] =	stream.indirect.scatter.add.f32 [tilespmem:s20], [sflag:$0x3], $0x80, s28, s24, $0xb8;
	[tilespmem:$0x1E800] =	vst v63  }
0x60: {  	_ =	swait.ge [sflag:s21], $0x4000  }
0x61: {  	[sflag:s21] =	ssyncset.done $0x0  }
0x62: {  	[sflag:s21] =	ssyncadd.s32 $0xFFFFC000  }
0x63: {  	_ =	swait.ge [sflag:s23], $0x4000  }
0x64: {  	[sflag:s23] =	ssyncset.done $0x0  }
0x65: {  	s28 =	simm.s32 $0x1480;
	[sflag:s23] =	ssyncadd.s32 $0xFFFFC000  }
0x66: {  	[spmem:s1] =	stream.indirect.scatter.add.f32 [tilespmem:s25], [sflag:$0x3], $0x80, s28, s24, $0xb8;
	[tilespmem:$0x1E800] =	vst v63  }
0x67: {  	_ =	swait.ge [sflag:s21], $0x4000  }
0x68: {  	s29 =	simm.s32 $0x800;
	s28 =	simm.s32 $0x400;
	[sflag:s21] =	ssyncset.done $0x0  }
.LBB2_5:
0x69: {  	s30 =	sshra.s32 s28, $0x2  }
0x6a: {  	[sflag:s21] =	ssyncadd.s32 $0xFFFFC000;
	s28 =	smov.u32 s29;
	s31 =	sadd.s32 $0x400, s29  }
0x6b: {  	[tilespmem:s20], [sflag:$0x1] =	stream.indirect.gather [hbm4b:s3+s24], $0x80, s30, s24, $0xb8;
	[tilespmem:$0x1E800] =	vst v63  }
0x6c: {  	p1 =	sne.s32 s29, $0x4C00;
	s29 =	sadd.s32 $0x80, s30  }
0x6d: {  	[tilespmem:s25], [sflag:$0x2] =	stream.indirect.gather [hbm4b:s3+s24], $0x80, s29, s24, $0xb8;
	[tilespmem:$0x1E800] =	vst v63  }
0x6e: {  	_ =	swait.ge [sflag:s22], $0x4000  }
0x6f: {  	[sflag:s22] =	ssyncset.done $0x0  }
0x70: {  	s29 =	sadd.s32 $0x1400, s30;
	[sflag:s22] =	ssyncadd.s32 $0xFFFFC000  }
0x71: {  	[spmem:s1] =	stream.indirect.scatter.add.f32 [tilespmem:s20], [sflag:$0x3], $0x80, s29, s24, $0xb8;
	[tilespmem:$0x1E800] =	vst v63  }
0x72: {  	_ =	swait.ge [sflag:s21], $0x4000  }
0x73: {  	[sflag:s21] =	ssyncset.done $0x0  }
0x74: {  	[sflag:s21] =	ssyncadd.s32 $0xFFFFC000  }
0x75: {  	_ =	swait.ge [sflag:s23], $0x4000  }
.Ltmp4:
0x76: {  	[sflag:s23] =	ssyncset.done $0x0;
	(pc) =	sbr.rel @p1 .LBB2_5-.Ltmp4, $4  }
0x77: {  	s29 =	sadd.s32 $0x1480, s30;
	[sflag:s23] =	ssyncadd.s32 $0xFFFFC000  }
0x78: {  	[spmem:s1] =	stream.indirect.scatter.add.f32 [tilespmem:s25], [sflag:$0x3], $0x80, s29, s24, $0xb8;
	[tilespmem:$0x1E800] =	vst v63  }
0x79: {  	_ =	swait.ge [sflag:s21], $0x4000  }
0x7a: {  	s29 =	smov.u32 s31;
	[sflag:s21] =	ssyncset.done $0x0  }
0x7b: {  	s28 =	sshra.s32 s28, $0x2;
	[sflag:s21] =	ssyncadd.s32 $0xFFFFC000  }
0x7c: {  	[tilespmem:s20], [sflag:$0x1] =	stream.indirect.gather [hbm4b:s3+s24], $0x80, s28, s24, $0xb8;
	[tilespmem:$0x1E800] =	vst v63  }
0x7d: {  	s29 =	sadd.s32 $0x80, s28  }
0x7e: {  	[tilespmem:s25], [sflag:$0x2] =	stream.indirect.gather [hbm4b:s3+s24], $0x80, s29, s24, $0xb8;
	[tilespmem:$0x1E800] =	vst v63  }
0x7f: {  	_ =	swait.ge [sflag:s22], $0x4000  }
0x80: {  	[sflag:s22] =	ssyncset.done $0x0  }
0x81: {  	s29 =	sadd.s32 $0x1400, s28;
	[sflag:s22] =	ssyncadd.s32 $0xFFFFC000  }
0x82: {  	[spmem:s1] =	stream.indirect.scatter.add.f32 [tilespmem:s20], [sflag:$0x3], $0x80, s29, s24, $0xb8;
	[tilespmem:$0x1E800] =	vst v63  }
0x83: {  	_ =	swait.ge [sflag:s21], $0x4000  }
0x84: {  	[sflag:s21] =	ssyncset.done $0x0  }
0x85: {  	[sflag:s21] =	ssyncadd.s32 $0xFFFFC000  }
0x86: {  	_ =	swait.ge [sflag:s23], $0x4000  }
0x87: {  	[sflag:s23] =	ssyncset.done $0x0  }
0x88: {  	s28 =	sadd.s32 $0x1480, s28;
	[sflag:s23] =	ssyncadd.s32 $0xFFFFC000  }
0x89: {  	[spmem:s1] =	stream.indirect.scatter.add.f32 [tilespmem:s25], [sflag:$0x3], $0x80, s28, s24, $0xb8;
	[tilespmem:$0x1E800] =	vst v63  }
0x8a: {  	_ =	swait.ge [sflag:s21], $0x4000  }
0x8b: {  	[sflag:s21] =	ssyncset.done $0x0  }
0x8c: {  	s28 =	simm.s32 $0x0;
	[sflag:s21] =	ssyncadd.s32 $0xFFFFC000  }
0x8d: {  	[tilespmem:s28], [sflag:$0x3] =	stream.linear.gather [hbm4b:s16+s28], $0x1400, $0x38;
	[tilespmem:$0x1E800] =	vst v63  }
0x8e: {  	_ =	swait.ge [sflag:s21], $0x1400  }
0x8f: {  	[sflag:s21] =	ssyncset.done $0x0  }
0x90: {  	[sflag:s21] =	ssyncadd.s32 $0xFFFFEC00  }
0x91: {  	[tilespmem:s19], [sflag:$0x3] =	stream.linear.gather [hbm4b:s17+s28], $0x1400, $0x38;
	[tilespmem:$0x1E800] =	vst v63  }
0x92: {  	_ =	swait.ge [sflag:s21], $0x1400  }
0x93: {  	[sflag:s21] =	ssyncset.done $0x0  }
0x94: {  	s28 =	simm.s32 $0x0;
	[sflag:s21] =	ssyncadd.s32 $0xFFFFEC00  }
0x95: {  	[tilespmem:s20], [sflag:$0x1] =	stream.indirect.gather [hbm4b:s3+s24], $0x80, s28, s24, $0xb8;
	[tilespmem:$0x1E800] =	vst v63  }
0x96: {  	s28 =	simm.s32 $0x80  }
0x97: {  	[tilespmem:s25], [sflag:$0x2] =	stream.indirect.gather [hbm4b:s3+s24], $0x80, s28, s24, $0xb8;
	[tilespmem:$0x1E800] =	vst v63  }
0x98: {  	_ =	swait.ge [sflag:s22], $0x4000  }
0x99: {  	[sflag:s22] =	ssyncset.done $0x0  }
0x9a: {  	s28 =	simm.s32 $0x1400;
	[sflag:s22] =	ssyncadd.s32 $0xFFFFC000  }
0x9b: {  	[spmem:s1] =	stream.indirect.scatter.add.f32 [tilespmem:s20], [sflag:$0x3], $0x80, s28, s24, $0xb8;
	[tilespmem:$0x1E800] =	vst v63  }
0x9c: {  	_ =	swait.ge [sflag:s21], $0x4000  }
0x9d: {  	[sflag:s21] =	ssyncset.done $0x0  }
0x9e: {  	[sflag:s21] =	ssyncadd.s32 $0xFFFFC000  }
0x9f: {  	_ =	swait.ge [sflag:s23], $0x4000  }
0xa0: {  	[sflag:s23] =	ssyncset.done $0x0  }
0xa1: {  	s28 =	simm.s32 $0x1480;
	[sflag:s23] =	ssyncadd.s32 $0xFFFFC000  }
0xa2: {  	[spmem:s1] =	stream.indirect.scatter.add.f32 [tilespmem:s25], [sflag:$0x3], $0x80, s28, s24, $0xb8;
	[tilespmem:$0x1E800] =	vst v63  }
0xa3: {  	_ =	swait.ge [sflag:s21], $0x4000  }
0xa4: {  	s29 =	simm.s32 $0x800;
	s28 =	simm.s32 $0x400;
	[sflag:s21] =	ssyncset.done $0x0  }
.LBB2_7:
0xa5: {  	s30 =	sshra.s32 s28, $0x2  }
0xa6: {  	[sflag:s21] =	ssyncadd.s32 $0xFFFFC000;
	s28 =	smov.u32 s29;
	s31 =	sadd.s32 $0x400, s29  }
0xa7: {  	[tilespmem:s20], [sflag:$0x1] =	stream.indirect.gather [hbm4b:s3+s24], $0x80, s30, s24, $0xb8;
	[tilespmem:$0x1E800] =	vst v63  }
0xa8: {  	p1 =	seq.s32 s29, $0x4C00;
	s29 =	sadd.s32 $0x80, s30  }
0xa9: {  	[tilespmem:s25], [sflag:$0x2] =	stream.indirect.gather [hbm4b:s3+s24], $0x80, s29, s24, $0xb8;
	[tilespmem:$0x1E800] =	vst v63  }
0xaa: {  	_ =	swait.ge [sflag:s22], $0x4000  }
0xab: {  	[sflag:s22] =	ssyncset.done $0x0  }
0xac: {  	s29 =	sadd.s32 $0x1400, s30;
	[sflag:s22] =	ssyncadd.s32 $0xFFFFC000  }
0xad: {  	[spmem:s1] =	stream.indirect.scatter.add.f32 [tilespmem:s20], [sflag:$0x3], $0x80, s29, s24, $0xb8;
	[tilespmem:$0x1E800] =	vst v63  }
0xae: {  	_ =	swait.ge [sflag:s21], $0x4000  }
0xaf: {  	[sflag:s21] =	ssyncset.done $0x0  }
0xb0: {  	[sflag:s21] =	ssyncadd.s32 $0xFFFFC000  }
0xb1: {  	_ =	swait.ge [sflag:s23], $0x4000  }
.Ltmp5:
0xb2: {  	[sflag:s23] =	ssyncset.done $0x0;
	(pc) =	sbr.rel @!p1 .LBB2_7-.Ltmp5, $4  }
0xb3: {  	s29 =	sadd.s32 $0x1480, s30;
	[sflag:s23] =	ssyncadd.s32 $0xFFFFC000  }
0xb4: {  	[spmem:s1] =	stream.indirect.scatter.add.f32 [tilespmem:s25], [sflag:$0x3], $0x80, s29, s24, $0xb8;
	[tilespmem:$0x1E800] =	vst v63  }
0xb5: {  	_ =	swait.ge [sflag:s21], $0x4000  }
0xb6: {  	s29 =	smov.u32 s31;
	[sflag:s21] =	ssyncset.done $0x0  }
0xb7: {  	s28 =	sshra.s32 s28, $0x2;
	[sflag:s21] =	ssyncadd.s32 $0xFFFFC000  }
0xb8: {  	[tilespmem:s20], [sflag:$0x1] =	stream.indirect.gather [hbm4b:s3+s24], $0x80, s28, s24, $0xb8;
	[tilespmem:$0x1E800] =	vst v63  }
0xb9: {  	s29 =	sadd.s32 $0x80, s28  }
0xba: {  	[tilespmem:s25], [sflag:$0x2] =	stream.indirect.gather [hbm4b:s3+s24], $0x80, s29, s24, $0xb8;
	[tilespmem:$0x1E800] =	vst v63  }
0xbb: {  	_ =	swait.ge [sflag:s22], $0x4000  }
0xbc: {  	[sflag:s22] =	ssyncset.done $0x0  }
0xbd: {  	s31 =	sadd.s32 $0x1400, s28;
	[sflag:s22] =	ssyncadd.s32 $0xFFFFC000  }
0xbe: {  	[spmem:s1] =	stream.indirect.scatter.add.f32 [tilespmem:s20], [sflag:$0x3], $0x80, s31, s24, $0xb8;
	[tilespmem:$0x1E800] =	vst v63  }
0xbf: {  	_ =	swait.ge [sflag:s21], $0x4000  }
0xc0: {  	[sflag:s21] =	ssyncset.done $0x0  }
0xc1: {  	[sflag:s21] =	ssyncadd.s32 $0xFFFFC000  }
0xc2: {  	_ =	swait.ge [sflag:s23], $0x4000  }
0xc3: {  	[sflag:s23] =	ssyncset.done $0x0  }
.Ltmp6:
0xc4: {  	s28 =	sadd.s32 $0x1480, s28;
	[sflag:s23] =	ssyncadd.s32 $0xFFFFC000;
	(pc) =	sbr.rel .LBB2_14-.Ltmp6, $4  }
0xc5: {  	[spmem:s1] =	stream.indirect.scatter.add.f32 [tilespmem:s25], [sflag:$0x3], $0x80, s28, s24, $0xb8;
	[tilespmem:$0x1E800] =	vst v63  }
0xc6: {  	_ =	swait.ge [sflag:s21], $0x4000  }
0xc7: {  	[sflag:s21] =	ssyncset.done $0x0  }
0xc8: {  	s28 =	smov.u32 s6;
	[sflag:s21] =	ssyncadd.s32 $0xFFFFC000  }
.LBB2_9:
0xc9: {  	[tilespmem:s20], [sflag:$0x1] =	stream.indirect.gather [hbm4b:s5+s24], $0x80, s28, s24, $0xb8;
	[tilespmem:$0x1E800] =	vst v63  }
0xca: {  	s28 =	simm.s32 $0x80  }
0xcb: {  	[tilespmem:s25], [sflag:$0x2] =	stream.indirect.gather [hbm4b:s5+s24], $0x80, s28, s24, $0xb8;
	[tilespmem:$0x1E800] =	vst v63  }
0xcc: {  	_ =	swait.ge [sflag:s22], $0x4000  }
0xcd: {  	[sflag:s22] =	ssyncset.done $0x0  }
0xce: {  	s28 =	simm.s32 $0x1400;
	[sflag:s22] =	ssyncadd.s32 $0xFFFFC000  }
0xcf: {  	[spmem:s1] =	stream.indirect.scatter.add.f32 [tilespmem:s20], [sflag:$0x3], $0x80, s28, s24, $0xb8;
	[tilespmem:$0x1E800] =	vst v63  }
0xd0: {  	_ =	swait.ge [sflag:s21], $0x4000  }
0xd1: {  	[sflag:s21] =	ssyncset.done $0x0  }
0xd2: {  	[sflag:s21] =	ssyncadd.s32 $0xFFFFC000  }
0xd3: {  	_ =	swait.ge [sflag:s23], $0x4000  }
0xd4: {  	[sflag:s23] =	ssyncset.done $0x0  }
0xd5: {  	s28 =	simm.s32 $0x1480;
	[sflag:s23] =	ssyncadd.s32 $0xFFFFC000  }
0xd6: {  	[spmem:s1] =	stream.indirect.scatter.add.f32 [tilespmem:s25], [sflag:$0x3], $0x80, s28, s24, $0xb8;
	[tilespmem:$0x1E800] =	vst v63  }
0xd7: {  	_ =	swait.ge [sflag:s21], $0x4000  }
0xd8: {  	s29 =	simm.s32 $0x800;
	s28 =	simm.s32 $0x400;
	[sflag:s21] =	ssyncset.done $0x0  }
.LBB2_10:
0xd9: {  	s30 =	sshra.s32 s28, $0x2  }
0xda: {  	[sflag:s21] =	ssyncadd.s32 $0xFFFFC000;
	s28 =	smov.u32 s29;
	s31 =	sadd.s32 $0x400, s29  }
0xdb: {  	[tilespmem:s20], [sflag:$0x1] =	stream.indirect.gather [hbm4b:s5+s24], $0x80, s30, s24, $0xb8;
	[tilespmem:$0x1E800] =	vst v63  }
0xdc: {  	p1 =	sne.s32 s29, $0x4C00;
	s29 =	sadd.s32 $0x80, s30  }
0xdd: {  	[tilespmem:s25], [sflag:$0x2] =	stream.indirect.gather [hbm4b:s5+s24], $0x80, s29, s24, $0xb8;
	[tilespmem:$0x1E800] =	vst v63  }
0xde: {  	_ =	swait.ge [sflag:s22], $0x4000  }
0xdf: {  	[sflag:s22] =	ssyncset.done $0x0  }
0xe0: {  	s29 =	sadd.s32 $0x1400, s30;
	[sflag:s22] =	ssyncadd.s32 $0xFFFFC000  }
0xe1: {  	[spmem:s1] =	stream.indirect.scatter.add.f32 [tilespmem:s20], [sflag:$0x3], $0x80, s29, s24, $0xb8;
	[tilespmem:$0x1E800] =	vst v63  }
0xe2: {  	_ =	swait.ge [sflag:s21], $0x4000  }
0xe3: {  	[sflag:s21] =	ssyncset.done $0x0  }
0xe4: {  	[sflag:s21] =	ssyncadd.s32 $0xFFFFC000  }
0xe5: {  	_ =	swait.ge [sflag:s23], $0x4000  }
.Ltmp7:
0xe6: {  	[sflag:s23] =	ssyncset.done $0x0;
	(pc) =	sbr.rel @p1 .LBB2_10-.Ltmp7, $4  }
0xe7: {  	s29 =	sadd.s32 $0x1480, s30;
	[sflag:s23] =	ssyncadd.s32 $0xFFFFC000  }
0xe8: {  	[spmem:s1] =	stream.indirect.scatter.add.f32 [tilespmem:s25], [sflag:$0x3], $0x80, s29, s24, $0xb8;
	[tilespmem:$0x1E800] =	vst v63  }
0xe9: {  	_ =	swait.ge [sflag:s21], $0x4000  }
0xea: {  	s29 =	smov.u32 s31;
	[sflag:s21] =	ssyncset.done $0x0  }
0xeb: {  	s28 =	sshra.s32 s28, $0x2;
	[sflag:s21] =	ssyncadd.s32 $0xFFFFC000  }
0xec: {  	[tilespmem:s20], [sflag:$0x1] =	stream.indirect.gather [hbm4b:s5+s24], $0x80, s28, s24, $0xb8;
	[tilespmem:$0x1E800] =	vst v63  }
0xed: {  	s29 =	sadd.s32 $0x80, s28  }
0xee: {  	[tilespmem:s25], [sflag:$0x2] =	stream.indirect.gather [hbm4b:s5+s24], $0x80, s29, s24, $0xb8;
	[tilespmem:$0x1E800] =	vst v63  }
0xef: {  	_ =	swait.ge [sflag:s22], $0x4000  }
0xf0: {  	[sflag:s22] =	ssyncset.done $0x0  }
0xf1: {  	s29 =	sadd.s32 $0x1400, s28;
	[sflag:s22] =	ssyncadd.s32 $0xFFFFC000  }
0xf2: {  	[spmem:s1] =	stream.indirect.scatter.add.f32 [tilespmem:s20], [sflag:$0x3], $0x80, s29, s24, $0xb8;
	[tilespmem:$0x1E800] =	vst v63  }
0xf3: {  	_ =	swait.ge [sflag:s21], $0x4000  }
0xf4: {  	[sflag:s21] =	ssyncset.done $0x0  }
0xf5: {  	[sflag:s21] =	ssyncadd.s32 $0xFFFFC000  }
0xf6: {  	_ =	swait.ge [sflag:s23], $0x4000  }
0xf7: {  	[sflag:s23] =	ssyncset.done $0x0  }
0xf8: {  	s28 =	sadd.s32 $0x1480, s28;
	[sflag:s23] =	ssyncadd.s32 $0xFFFFC000  }
0xf9: {  	[spmem:s1] =	stream.indirect.scatter.add.f32 [tilespmem:s25], [sflag:$0x3], $0x80, s28, s24, $0xb8;
	[tilespmem:$0x1E800] =	vst v63  }
0xfa: {  	_ =	swait.ge [sflag:s21], $0x4000  }
0xfb: {  	[sflag:s21] =	ssyncset.done $0x0  }
0xfc: {  	s28 =	simm.s32 $0x0;
	[sflag:s21] =	ssyncadd.s32 $0xFFFFC000  }
0xfd: {  	[tilespmem:s28], [sflag:$0x3] =	stream.linear.gather [hbm4b:s16+s28], $0x1400, $0x38;
	[tilespmem:$0x1E800] =	vst v63  }
0xfe: {  	_ =	swait.ge [sflag:s21], $0x1400  }
0xff: {  	[sflag:s21] =	ssyncset.done $0x0  }
0x100: {  	[sflag:s21] =	ssyncadd.s32 $0xFFFFEC00  }
0x101: {  	[tilespmem:s19], [sflag:$0x3] =	stream.linear.gather [hbm4b:s17+s28], $0x1400, $0x38;
	[tilespmem:$0x1E800] =	vst v63  }
0x102: {  	_ =	swait.ge [sflag:s21], $0x1400  }
0x103: {  	[sflag:s21] =	ssyncset.done $0x0  }
0x104: {  	s28 =	simm.s32 $0x0;
	[sflag:s21] =	ssyncadd.s32 $0xFFFFEC00  }
0x105: {  	[tilespmem:s20], [sflag:$0x1] =	stream.indirect.gather [hbm4b:s5+s24], $0x80, s28, s24, $0xb8;
	[tilespmem:$0x1E800] =	vst v63  }
0x106: {  	s28 =	simm.s32 $0x80  }
0x107: {  	[tilespmem:s25], [sflag:$0x2] =	stream.indirect.gather [hbm4b:s5+s24], $0x80, s28, s24, $0xb8;
	[tilespmem:$0x1E800] =	vst v63  }
0x108: {  	_ =	swait.ge [sflag:s22], $0x4000  }
0x109: {  	[sflag:s22] =	ssyncset.done $0x0  }
0x10a: {  	s28 =	simm.s32 $0x1400;
	[sflag:s22] =	ssyncadd.s32 $0xFFFFC000  }
0x10b: {  	[spmem:s1] =	stream.indirect.scatter.add.f32 [tilespmem:s20], [sflag:$0x3], $0x80, s28, s24, $0xb8;
	[tilespmem:$0x1E800] =	vst v63  }
0x10c: {  	_ =	swait.ge [sflag:s21], $0x4000  }
0x10d: {  	[sflag:s21] =	ssyncset.done $0x0  }
0x10e: {  	[sflag:s21] =	ssyncadd.s32 $0xFFFFC000  }
0x10f: {  	_ =	swait.ge [sflag:s23], $0x4000  }
0x110: {  	[sflag:s23] =	ssyncset.done $0x0  }
0x111: {  	s28 =	simm.s32 $0x1480;
	[sflag:s23] =	ssyncadd.s32 $0xFFFFC000  }
0x112: {  	[spmem:s1] =	stream.indirect.scatter.add.f32 [tilespmem:s25], [sflag:$0x3], $0x80, s28, s24, $0xb8;
	[tilespmem:$0x1E800] =	vst v63  }
0x113: {  	_ =	swait.ge [sflag:s21], $0x4000  }
0x114: {  	s29 =	simm.s32 $0x800;
	s28 =	simm.s32 $0x400;
	[sflag:s21] =	ssyncset.done $0x0  }
.LBB2_12:
0x115: {  	s30 =	sshra.s32 s28, $0x2  }
0x116: {  	[sflag:s21] =	ssyncadd.s32 $0xFFFFC000;
	s28 =	smov.u32 s29;
	s31 =	sadd.s32 $0x400, s29  }
0x117: {  	[tilespmem:s20], [sflag:$0x1] =	stream.indirect.gather [hbm4b:s5+s24], $0x80, s30, s24, $0xb8;
	[tilespmem:$0x1E800] =	vst v63  }
0x118: {  	p1 =	sne.s32 s29, $0x4C00;
	s29 =	sadd.s32 $0x80, s30  }
0x119: {  	[tilespmem:s25], [sflag:$0x2] =	stream.indirect.gather [hbm4b:s5+s24], $0x80, s29, s24, $0xb8;
	[tilespmem:$0x1E800] =	vst v63  }
0x11a: {  	_ =	swait.ge [sflag:s22], $0x4000  }
0x11b: {  	[sflag:s22] =	ssyncset.done $0x0  }
0x11c: {  	s29 =	sadd.s32 $0x1400, s30;
	[sflag:s22] =	ssyncadd.s32 $0xFFFFC000  }
0x11d: {  	[spmem:s1] =	stream.indirect.scatter.add.f32 [tilespmem:s20], [sflag:$0x3], $0x80, s29, s24, $0xb8;
	[tilespmem:$0x1E800] =	vst v63  }
0x11e: {  	_ =	swait.ge [sflag:s21], $0x4000  }
0x11f: {  	[sflag:s21] =	ssyncset.done $0x0  }
0x120: {  	[sflag:s21] =	ssyncadd.s32 $0xFFFFC000  }
0x121: {  	_ =	swait.ge [sflag:s23], $0x4000  }
.Ltmp8:
0x122: {  	[sflag:s23] =	ssyncset.done $0x0;
	(pc) =	sbr.rel @p1 .LBB2_12-.Ltmp8, $4  }
0x123: {  	s29 =	sadd.s32 $0x1480, s30;
	[sflag:s23] =	ssyncadd.s32 $0xFFFFC000  }
0x124: {  	[spmem:s1] =	stream.indirect.scatter.add.f32 [tilespmem:s25], [sflag:$0x3], $0x80, s29, s24, $0xb8;
	[tilespmem:$0x1E800] =	vst v63  }
0x125: {  	_ =	swait.ge [sflag:s21], $0x4000  }
0x126: {  	s29 =	smov.u32 s31;
	[sflag:s21] =	ssyncset.done $0x0  }
.Ltmp9:
0x127: {  	_ = 	snop;
	(pc) =	sbr.rel .LBB2_13-.Ltmp9, $1  }
0x128: {  	_ =	sdelay $0x3  }
.LBB2_15:
0x129: {  	_ =	sfence.sel $0x180000  }
0x12a: {  	[bflag:$0x0] =	sbarrier.arrive $0xFFFF  }
0x12b: {  	p0 =	sne.s32 s4, $0x0;
	_ =	strace $0x9000004D  }
0x12c: {  	s0 =	sadd.s32 @!p0 $0x100000, s0;
	[bflag:$0x2] =	sbarrier.arrive $0xFFFF  }
0x12d: {  	[sflag:s0] =	ssyncadd.tile.s32 @!p0 $0x1;
	_ =	shalt  }
.Lfunc_end2:
_tile_overlayer_lowered:
.L_overlay_start_2:
0x12e: {  	(tag) =	ssettag $0x2  }
0x12f: {  	s0 =	rddreg [dreg:$0x0];
	s2 =	stileid.u32  }
0x130: {  	s1 =	rddreg [dreg:$0x1];
	p0 =	sne.s32 s2, $0x0  }
0x131: {  	s3 =	rddreg [dreg:$0x2];
	[bflag:$0x3] =	sbarrier.arrive $0xFFFF;
	s2 =	simm.s32 @!p0 $0x1C03  }
0x132: {  	[timem:s3], [sflag:s2] =	dma.local @!p0 [hbm:s0], s1  }
0x133: {  	s0 =	simm.s32 @!p0 $0x3  }
0x134: {  	_ =	swait.ge @!p0 [sflag:s0], s1  }
0x135: {  	s1 =	ssub.s32 @!p0 $0x0, s1;
	[sflag:s0] =	ssyncset.done @!p0 $0x0  }
0x136: {  	[sflag:s0] =	ssyncadd.s32 @!p0 s1  }
0x137: {  	[bflag:$0x3] =	sbarrier.arrive $0xFFFF  }
0x138: {  	_ =	shalt  }

// kernel: kernel.9.cloned.1.call-start
scs
__scs_entry_jumppad:
0x0: {  	(pc) =	sbr.rel $0x88, $3  }
0x1: {  	(tag) =	ssettag $0x0;
	lr =	simm.s32 $0x1  }
0x2: {  	[smem:$0x3F99] =	sst lr;
	_ =	strace $0xD0000000  }
0x3: {  	_ = 	snop  }
0x4: {  	_ = 	snop  }
0x5: {  	_ = 	snop  }
0x6: {  	_ = 	snop  }
0x7: {  	_ = 	snop  }
__scs_overlays_trampoline_lowered:
0x8: {  	[smem:$0x3FA8] =	sst s0  }
0x9: {  	[smem:$0x3FA9] =	sst s1  }
0xa: {  	[smem:$0x3FAA] =	sst s2  }
0xb: {  	[smem:$0x3FAB] =	sst s3  }
0xc: {  	[smem:$0x3FAC] =	sst s4  }
0xd: {  	[smem:$0x3FAD] =	sst s5  }
0xe: {  	[smem:$0x3FAE] =	sst s6  }
0xf: {  	[smem:$0x3FAF] =	sst s7  }
0x10: {  	[smem:$0x3FB0] =	sst s8  }
0x11: {  	[smem:$0x3FB1] =	sst s9;
	s0 =	simm.s32 @!p0 $0x0  }
0x12: {  	s1 =	sld [smem:$0x3F97];
	s0 =	simm.s32 @p0 $0x1  }
0x13: {  	[smem:$0x3FB2] =	sst s0;
	s0 =	simm.s32 @!p1 $0x0  }
0x14: {  	s2 =	sld [smem:$0x3F96];
	s0 =	simm.s32 @p1 $0x1  }
0x15: {  	[smem:$0x3FB3] =	sst s0;
	s0 =	simm.s32 @!p2 $0x0  }
0x16: {  	s3 =	sld [smem:$0x3FDB];
	s0 =	simm.s32 @p2 $0x1  }
0x17: {  	s4 =	simm.s32 $0x1BF5;
	[smem:$0x3FB5] =	sst s0  }
0x18: {  	s0 =	sld [smem:$0x3F98];
	_ =	swait.ge [sflag:s4], $0x0  }
0x19: {  	s7 =	sld [smem:$0x3F99]  }
0x1a: {  	s8 =	sadd.s32 $0xFFFFE003, lr  }
0x1b: {  	s9 =	sadd.s32 $0xFFFFFEF7, lr;
	s5 =	simm.s32 $0xFFFFFFFF;
	p2 =	slt.u32 s8, $0xFFFFF086  }
0x1c: {  	p1 =	slt.u32 s9, $0xF7A;
	s5 =	simm.s32 @!p2 $0x0  }
0x1d: {  	s5 =	simm.s32 @p1 $0x1;
	p0 =	seq.s32 s7, s2  }
0x1e: {  	s7 =	smul.u32 @!p0 $0xF7A, s2;
	p2 =	seq.s32 @!p0 s5, $0x0  }
0x1f: {  	s9 =	smul.u32 $0xF7A, s1;
	s8 =	simm.s32 @!p0 $0x1BF5;
	p2 =	por !p2, p0  }
0x20: {  	[sflag:s8] =	ssyncset.s32 @!p0 $0xFFFFF086;
	s6 =	sadd.s32 @!p0 s3, s7;
	s7 =	simm.s32 @!p0 $0x108  }
0x21: {  	s3 =	sadd.s32 s3, s9;
	s6 =	sadd.s32 @!p0 $0x88, s6;
	s7 =	simm.s32 @p2 $0x1082  }
0x22: {  	[simem:s7], [sflag:s8] =	dma.local @!p0 [hbm:s6], $0xF7A  }
0x23: {  	s9 =	sor.u32 $0xD0000000, s2;
	s6 =	simm.s32 $0x108;
	_ =	swait.ge @!p0 [sflag:s8], $0x0  }
0x24: {  	s3 =	sadd.s32 $0x88, s3;
	s6 =	simm.s32 @!p1 $0x1082;
	[sflag:s4] =	ssyncset.s32 $0xFFFFF086  }
0x25: {  	[simem:s6], [sflag:s4] =	dma.local [hbm:s3], $0xF7A  }
0x26: {  	[smem:$0x3F99] =	sst s1;
	(tag) =	ssettag s2;
	_ =	strace s9  }
0x27: {  	s1 =	sld [smem:$0x3FA9]  }
0x28: {  	s2 =	sld [smem:$0x3FAA]  }
0x29: {  	s4 =	sld [smem:$0x3FAC]  }
0x2a: {  	p0 =	seq.s32 s5, $0x0;
	s5 =	sld [smem:$0x3FAD]  }
0x2b: {  	s6 =	sld [smem:$0x3FAE]  }
0x2c: {  	s7 =	sld [smem:$0x3FAF]  }
0x2d: {  	s3 =	simm.s32 $0x108;
	s8 =	sld [smem:$0x3FB0]  }
0x2e: {  	s3 =	simm.s32 @!p0 $0x1082;
	s9 =	sld [smem:$0x3FB1]  }
0x2f: {  	lr =	sadd.s32 s0, s3;
	s0 =	sld [smem:$0x3FA8]  }
0x30: {  	s3 =	sld [smem:$0x3FAB]  }
0x31: {  	[smem:$0x3FB4] =	sst s10  }
0x32: {  	s10 =	sld [smem:$0x3FB2];
	_ =	sdelay $0x3  }
0x33: {  	p0 =	seq.s32 s10, $0x1;
	s10 =	sld [smem:$0x3FB4];
	_ =	sdelay $0x3  }
0x34: {  	[smem:$0x3FB4] =	sst s10  }
0x35: {  	s10 =	sld [smem:$0x3FB3];
	_ =	sdelay $0x3  }
0x36: {  	p1 =	seq.s32 s10, $0x1;
	s10 =	sld [smem:$0x3FB4];
	_ =	sdelay $0x3  }
0x37: {  	[smem:$0x3FB4] =	sst s10  }
0x38: {  	s10 =	sld [smem:$0x3FB5]  }
0x39: {  	_ = 	snop;
	(pc) =	sbr.ind lr, $3  }
0x3a: {  	_ = 	snop  }
0x3b: {  	_ = 	snop  }
0x3c: {  	p2 =	seq.s32 s10, $0x1;
	s10 =	sld [smem:$0x3FB4]  }
0x3d: {  	_ =	shalt  }
0x3e: {  	_ =	shalt  }
0x3f: {  	_ =	shalt  }
0x40: {  	_ =	shalt  }
0x41: {  	_ =	shalt  }
0x42: {  	_ =	shalt  }
0x43: {  	_ =	shalt  }
0x44: {  	_ =	shalt  }
0x45: {  	_ =	shalt  }
0x46: {  	_ =	shalt  }
0x47: {  	_ =	shalt  }
0x48: {  	_ =	shalt  }
0x49: {  	_ =	shalt  }
0x4a: {  	_ =	shalt  }
0x4b: {  	_ =	shalt  }
0x4c: {  	_ =	shalt  }
0x4d: {  	_ =	shalt  }
0x4e: {  	_ =	shalt  }
0x4f: {  	_ =	shalt  }
0x50: {  	_ =	shalt  }
0x51: {  	_ =	shalt  }
0x52: {  	_ =	shalt  }
0x53: {  	_ =	shalt  }
0x54: {  	_ =	shalt  }
0x55: {  	_ =	shalt  }
0x56: {  	_ =	shalt  }
0x57: {  	_ =	shalt  }
0x58: {  	_ =	shalt  }
0x59: {  	_ =	shalt  }
0x5a: {  	_ =	shalt  }
0x5b: {  	_ =	shalt  }
0x5c: {  	_ =	shalt  }
0x5d: {  	_ =	shalt  }
0x5e: {  	_ =	shalt  }
0x5f: {  	_ =	shalt  }
0x60: {  	_ =	shalt  }
0x61: {  	_ =	shalt  }
0x62: {  	_ =	shalt  }
0x63: {  	_ =	shalt  }
0x64: {  	_ =	shalt  }
0x65: {  	_ =	shalt  }
0x66: {  	_ =	shalt  }
0x67: {  	_ =	shalt  }
0x68: {  	_ =	shalt  }
0x69: {  	_ =	shalt  }
0x6a: {  	_ =	shalt  }
0x6b: {  	_ =	shalt  }
0x6c: {  	_ =	shalt  }
0x6d: {  	_ =	shalt  }
0x6e: {  	_ =	shalt  }
0x6f: {  	_ =	shalt  }
0x70: {  	_ =	shalt  }
0x71: {  	_ =	shalt  }
0x72: {  	_ =	shalt  }
0x73: {  	_ =	shalt  }
0x74: {  	_ =	shalt  }
0x75: {  	_ =	shalt  }
0x76: {  	_ =	shalt  }
0x77: {  	_ =	shalt  }
0x78: {  	_ =	shalt  }
0x79: {  	_ =	shalt  }
0x7a: {  	_ =	shalt  }
0x7b: {  	_ =	shalt  }
0x7c: {  	_ =	shalt  }
0x7d: {  	_ =	shalt  }
0x7e: {  	_ =	shalt  }
0x7f: {  	_ =	shalt  }
0x80: {  	_ =	shalt  }
0x81: {  	_ =	shalt  }
0x82: {  	_ =	shalt  }
0x83: {  	_ =	shalt  }
0x84: {  	_ =	shalt  }
0x85: {  	_ =	shalt  }
0x86: {  	_ =	shalt  }
0x87: {  	_ =	shalt  }
.Lfunc_end0:
.L_simem_size_0:
called_computation_lowered:
.L_overlay_start_0:
0x88: {  	s2 =	sld [smem:$0x3FD9]  }
0x89: {  	s3 =	sld [smem:$0x3FFE];
	_ =	sdelay $0x1  }
0x8a: {  	s1 =	srdreg.scid  }
0x8b: {  	s0 =	sand.u32 $0x1, s1  }
0x8c: {  	s16 =	sshll.u32 s0, $0xA;
	s2 =	sadd.s32 s3, s2  }
0x8d: {  	s2 =	sadd.s32 s2, s16  }
0x8e: {  	[smem:$0x3FC0] =	sst s2  }
0x8f: {  	_ = 	snop  }
0x90: {  	(tm) =	ssettm $0x1  }
0x91: {  	s17 =	sld [smem:$0x3FFB];
	_ =	sdelay $0x3  }
0x92: {  	_ =	strace s17  }
0x93: {  	s2 =	sld [smem:$0x3FFC];
	_ =	sdelay $0x3  }
0x94: {  	_ =	strace s2  }
0x95: {  	s2 =	sld [smem:$0x3FFD];
	_ =	sdelay $0x3  }
0x96: {  	_ =	strace s2  }
0x97: {  	_ =	strace $0x8FFFFFFF  }
0x98: {  	s18 =	sld [smem:$0x3FDB];
	_ =	sdelay $0x1  }
0x99: {  	s19 =	simm.s32 $_scs_section_size  }
0x9a: {  	s4 =	simm.s32 $_size__tile_overlayer_lowered;
	s5 =	simm.s32 $_tile_overlayer_lowered  }
0x9b: {  	s22 =	simm.s32 $0x1BFF;
	s21 =	sshll.u32 s5, $0x1;
	s2 =	sadd.s32 s19, s18  }
0x9c: {  	s6 =	simm.s32 $0x0;
	s20 =	sshll.u32 s4, $0x1;
	s4 =	sadd.s32 s21, s2  }
0x9d: {  	[timem:s6], [sflag:s22] =	dma.local [hbm:s4], s20  }
0x9e: {  	_ =	swait.ge [sflag:s22], s20  }
0x9f: {  	s3 =	ssub.s32 $0x0, s20;
	[sflag:s22] =	ssyncset.done $0x0  }
0xa0: {  	[sflag:s22] =	ssyncadd.s32 s3;
	_ =	sdelay $0x1  }
0xa1: {  	s23 =	simm.s32 $0x1B8B  }
0xa2: {  	_ =	swait.ge [sflag:s23], $0x1  }
0xa3: {  	[sflag:s23] =	ssyncset.done $0x0  }
0xa4: {  	s25 =	simm.s32 $0x1B8E;
	s24 =	sld [smem:$0x3FFE];
	[sflag:s23] =	ssyncadd.s32 $0xFFFFFFFF  }
0xa5: {  	s26 =	simm.s32 $execute0_lowered;
	[smem:$0x3FD2] =	sst s25  }
0xa6: {  	s4 =	sshll.u32 s26, $0x1;
	_ =	strace $0x80000046;
	[dreg:$0x1] =	wrdreg $0xFFFFFFFF  }
0xa7: {  	s28 =	simm.s32 $_size_execute0_lowered;
	s2 =	sadd.s32 s2, s4;
	[dreg:$0x0] =	wrdreg $0x0  }
0xa8: {  	s4 =	sshll.u32 s28, $0x1;
	[dreg:$0x2] =	wrdreg s2  }
0xa9: {  	[dreg:$0x3] =	wrdreg s4  }
0xaa: {  	[dreg:$0x4] =	wrdreg $0xC0  }
0xab: {  	_ =	task [dreg:s6], $0x5FFFF  }
0xac: {  	[dreg:$0x1] =	wrdreg $0xFFFFFFFF  }
0xad: {  	[dreg:$0x0] =	wrdreg $0x60  }
0xae: {  	[dreg:$0x2] =	wrdreg s24  }
0xaf: {  	[dreg:$0x3] =	wrdreg $0x94000  }
0xb0: {  	[dreg:$0x4] =	wrdreg $0x9  }
0xb1: {  	_ =	task.clear_ibuf [dreg:s6], $0x5FFFF;
	_ =	strace $0x90000046  }
0xb2: {  	s29 =	simm.s32 $0x9;
	_ =	strace $0x80000048  }
0xb3: {  	_ =	swait.ge [sflag:s29], $0x1  }
0xb4: {  	[sflag:s29] =	ssyncadd.s32 $0xFFFFFFFF  }
0xb5: {  	_ =	strace $0x90000048  }
0xb6: {  	_ =	sfence  }
0xb7: {  	s30 =	sld [smem:$0x0];
	_ =	sdelay $0x2  }
0xb8: {  	s31 =	sshll.u32 s1, $0xD;
	s1 =	sshrl.u32 s1, $0x2  }
0xb9: {  	s3 =	sand.u32 $0x4000, s31;
	s1 =	sadd.s32 s1, s30  }
0xba: {  	s0 =	sor.u32 s3, s0;
	s1 =	sshll.u32 s1, $0x11  }
0xbb: {  	s0 =	sor.u32 s1, s0  }
0xbc: {  	s0 =	sadd.s32 $0x8F2B, s0  }
0xbd: {  	[sflag:s0] =	ssyncadd.remote.s32 $0x1  }
0xbe: {  	_ =	sfence.sel $0xFFFF  }
0xbf: {  	[dreg:$0x0] =	wrdreg $0xFFFFFFFF;
	(pc) =	sbr.abs _section_cstart, $3  }
0xc0: {  	[dreg:$0x1] =	wrdreg $0xFFFFFFFF  }
0xc1: {  	_ =	task.clear_ibuf [dreg:s6], $0x2FFFF;
	_ =	strace $0x9FFFFFFF  }
0xc2: {  	(tm) =	ssettm $0x7FFFFFFF  }
0xc3: {  	_ =	shalt  }
tec
execute0_lowered:
.L_overlay_start_1:
0x0: {  	(tag) =	ssettag $0x1  }
0x1: {  	s9 =	rddreg [dreg:$0x0]  }
0x2: {  	s0 =	srdreg.scid;
	s2 =	rddreg [dreg:$0x1];
	s3 =	simm.s32 $0x0  }
0x3: {  	s11 =	simm.s32 $0x35E00;
	s13 =	simm.s32 $0x2;
	s14 =	simm.s32 $0x1  }
0x4: {  	s15 =	simm.s32 $0x80;
	s16 =	simm.s32 $0x1400;
	s19 =	simm.s32 $0x0  }
0x5: {  	s6 =	sand.u32 $0x1, s0;
	s0 =	stileid.u32;
	[smem:$0x7FF] =	sst s3  }
0x6: {  	s1 =	sshll.u32 s6, $0x4;
	s5 =	ssub.s32 $0x2, s6;
	s7 =	smul.u32 $0x50000, s0  }
0x7: {  	p0 =	seq.s32 s6, $0x1;
	s12 =	smul.u32 $0x2800, s0;
	s17 =	sshll.u32 s0, $0x6  }
0x8: {  	s4 =	sor.u32 s0, s1;
	s1 =	rddreg [dreg:$0x2];
	_ =	strace $0x80000047  }
0x9: {  	s8 =	sshrl.u32 s5, $0x1;
	s11 =	simm.s32 @!p0 $0xDE00;
	s17 =	sor.u32 $0x1C02, s17  }
0xa: {  	s4 =	smul.u32 $0x280, s4;
	s10 =	ssub.s32 s5, s8;
	s31 =	sshrl.u32 s7, $0x2  }
0xb: {  	s11 =	sadd.s32 s11, s9;
	s5 =	sadd.s32 s31, s2;
	s10 =	smax.u32 s10, $0x1  }
0xc: {  	s11 =	sadd.s32 s11, s12;
	s12 =	simm.s32 $0x5400;
	s4 =	sadd.s32 s4, s9  }
0xd: {  	s6 =	sadd.s32 $0x4000, s5;
	s7 =	sadd.s32 $0x8000, s5;
	s8 =	sadd.s32 $0xC000, s5  }
0xe: {  	v0 =	vimm.f32 $0.0e+00;
	v1 =	vimm.f32 $1.000000000e+00;
	s9 =	sadd.s32 $0x10000, s5;
	s18 =	sshrl.u32 s5, $0x3;
	s4 =	sadd.s32 $0x3E00, s4  }
.LBB2_1:
0xf: {  	[tilespmem:s3], [sflag:$0x1] =	stream.linear.gather [hbm4b:s4+s3], $0x1400, $0x38;
	[tilespmem:$0x1D400] =	vst v63  }
0x10: {  	s20 =	simm.s32 $0x0;
	s21 =	simm.s32 $0x200  }
.LBB2_2:
0x11: {  	p0 =	sne.s32 s21, $0xFE00;
	[tilespmem:s20+$0x1470] =	vst v1  }
0x12: {  	[tilespmem:s20+$0x5400] =	vst v0  }
0x13: {  	[tilespmem:s20+$0x1400] =	vst v1  }
0x14: {  	[tilespmem:s20+$0x5410] =	vst v0  }
0x15: {  	[tilespmem:s20+$0x1410] =	vst v1  }
0x16: {  	[tilespmem:s20+$0x5420] =	vst v0  }
0x17: {  	[tilespmem:s20+$0x1420] =	vst v1  }
0x18: {  	[tilespmem:s20+$0x5430] =	vst v0  }
0x19: {  	[tilespmem:s20+$0x1430] =	vst v1  }
0x1a: {  	[tilespmem:s20+$0x5440] =	vst v0  }
0x1b: {  	[tilespmem:s20+$0x1440] =	vst v1  }
.Ltmp0:
0x1c: {  	[tilespmem:s20+$0x5450] =	vst v0;
	(pc) =	sbr.rel @p0 .LBB2_2-.Ltmp0, $4  }
0x1d: {  	[tilespmem:s20+$0x1450] =	vst v1  }
0x1e: {  	[tilespmem:s20+$0x5460] =	vst v0  }
0x1f: {  	[tilespmem:s20+$0x1460] =	vst v1  }
0x20: {  	[tilespmem:s20+$0x5470] =	vst v0;
	s20 =	sshra.s32 s21, $0x2;
	s21 =	sadd.s32 $0x200, s21  }
0x21: {  	[tilespmem:s20+$0x1470] =	vst v1  }
0x22: {  	[tilespmem:s20+$0x5400] =	vst v0  }
0x23: {  	[tilespmem:s20+$0x1400] =	vst v1  }
0x24: {  	[tilespmem:s20+$0x5410] =	vst v0  }
0x25: {  	[tilespmem:s20+$0x1410] =	vst v1  }
0x26: {  	[tilespmem:s20+$0x5420] =	vst v0  }
0x27: {  	[tilespmem:s20+$0x1420] =	vst v1  }
0x28: {  	[tilespmem:s20+$0x5430] =	vst v0  }
0x29: {  	[tilespmem:s20+$0x1430] =	vst v1  }
0x2a: {  	[tilespmem:s20+$0x5440] =	vst v0  }
0x2b: {  	[tilespmem:s20+$0x1440] =	vst v1  }
0x2c: {  	[tilespmem:s20+$0x5450] =	vst v0  }
0x2d: {  	[tilespmem:s20+$0x1450] =	vst v1  }
0x2e: {  	[tilespmem:s20+$0x5460] =	vst v0  }
0x2f: {  	[tilespmem:s20+$0x1460] =	vst v1  }
0x30: {  	[tilespmem:s20+$0x5470] =	vst v0  }
0x31: {  	[spmem:s5] =	stream.linear.scatter [tilespmem:s12], [sflag:$0x2], $0x4000, $0x38;
	[tilespmem:$0x1D400] =	vst v63  }
0x32: {  	_ =	swait.ge [sflag:s13], $0x4000  }
0x33: {  	[sflag:s13] =	ssyncset.done $0x0  }
0x34: {  	[sflag:s13] =	ssyncadd.s32 $0xFFFFC000  }
0x35: {  	[spmem:s6] =	stream.linear.scatter [tilespmem:s12], [sflag:$0x2], $0x4000, $0x38;
	[tilespmem:$0x1D400] =	vst v63  }
0x36: {  	_ =	swait.ge [sflag:s13], $0x4000  }
0x37: {  	[sflag:s13] =	ssyncset.done $0x0  }
0x38: {  	[sflag:s13] =	ssyncadd.s32 $0xFFFFC000  }
0x39: {  	[spmem:s7] =	stream.linear.scatter [tilespmem:s12], [sflag:$0x2], $0x4000, $0x38;
	[tilespmem:$0x1D400] =	vst v63  }
0x3a: {  	_ =	swait.ge [sflag:s13], $0x4000  }
0x3b: {  	[sflag:s13] =	ssyncset.done $0x0  }
0x3c: {  	[sflag:s13] =	ssyncadd.s32 $0xFFFFC000  }
0x3d: {  	[spmem:s8] =	stream.linear.scatter [tilespmem:s12], [sflag:$0x2], $0x4000, $0x38;
	[tilespmem:$0x1D400] =	vst v63  }
0x3e: {  	_ =	swait.ge [sflag:s13], $0x4000  }
0x3f: {  	[sflag:s13] =	ssyncset.done $0x0  }
0x40: {  	[sflag:s13] =	ssyncadd.s32 $0xFFFFC000  }
0x41: {  	[spmem:s9] =	stream.linear.scatter [tilespmem:s12], [sflag:$0x2], $0x4000, $0x38;
	[tilespmem:$0x1D400] =	vst v63  }
0x42: {  	_ =	swait.ge [sflag:s13], $0x4000  }
0x43: {  	[sflag:s13] =	ssyncset.done $0x0  }
0x44: {  	[sflag:s13] =	ssyncadd.s32 $0xFFFFC000  }
0x45: {  	_ =	swait.ge [sflag:s14], $0x1400  }
0x46: {  	[sflag:s14] =	ssyncset.done $0x0  }
0x47: {  	[sflag:s14] =	ssyncadd.s32 $0xFFFFEC00  }
0x48: {  	s31 =	simm.s32 $0x0;
	[bflag:$0x0] =	sbarrier.arrive $0xFFFF  }
0x49: {  	[spmem:s2] =	stream.indirect.scatter.add.f32 [tilespmem:s16], [sflag:$0x2], $0x80, s31, s15, $0xb8;
	[tilespmem:$0x1D400] =	vst v63  }
0x4a: {  	_ =	swait.ge [sflag:s13], $0x4000  }
0x4b: {  	s20 =	simm.s32 $0x200;
	[sflag:s13] =	ssyncset.done $0x0  }
.LBB2_4:
0x4c: {  	s21 =	sshra.s32 s20, $0x2;
	[sflag:s13] =	ssyncadd.s32 $0xFFFFC000;
	p0 =	sne.s32 s20, $0x4E00  }
0x4d: {  	[spmem:s2] =	stream.indirect.scatter.add.f32 [tilespmem:s16], [sflag:$0x2], $0x80, s21, s15, $0xb8;
	[tilespmem:$0x1D400] =	vst v63  }
.Ltmp1:
0x4e: {  	_ = 	snop;
	(pc) =	sbr.rel @p0 .LBB2_4-.Ltmp1, $4  }
0x4f: {  	_ = 	snop  }
0x50: {  	s20 =	sadd.s32 $0x200, s20  }
0x51: {  	_ =	swait.ge [sflag:s13], $0x4000  }
0x52: {  	[sflag:s13] =	ssyncset.done $0x0  }
0x53: {  	s19 =	sadd.s32 $0x1, s19  }
0x54: {  	[sflag:s13] =	ssyncadd.s32 $0xFFFFC000;
	p0 =	sne.s32 s19, s10  }
.Ltmp2:
0x55: {  	[bflag:$0x0] =	sbarrier.arrive $0xFFFF;
	(pc) =	sbr.rel @p0 .LBB2_1-.Ltmp2, $4  }
0x56: {  	[hbm:s11], [sflag:s17] =	dma.local [spmem:s18], $0x2800  }
0x57: {  	_ =	swait.ge [sflag:s13], $0x2800  }
0x58: {  	[sflag:s13] =	ssyncset.done $0x0  }
0x59: {  	[sflag:s13] =	ssyncadd.s32 $0xFFFFD800  }
0x5a: {  	_ =	sfence.sel $0x180000  }
0x5b: {  	[bflag:$0x0] =	sbarrier.arrive $0xFFFF  }
0x5c: {  	p0 =	sne.s32 s0, $0x0;
	_ =	strace $0x90000047  }
0x5d: {  	s0 =	sadd.s32 @!p0 $0x100000, s1;
	[bflag:$0x2] =	sbarrier.arrive $0xFFFF  }
0x5e: {  	[sflag:s0] =	ssyncadd.tile.s32 @!p0 $0x1;
	_ =	shalt  }
.Lfunc_end2:
_tile_overlayer_lowered:
.L_overlay_start_2:
0x5f: {  	(tag) =	ssettag $0x2  }
0x60: {  	s0 =	rddreg [dreg:$0x0];
	s2 =	stileid.u32  }
0x61: {  	s1 =	rddreg [dreg:$0x1];
	p0 =	sne.s32 s2, $0x0  }
0x62: {  	s3 =	rddreg [dreg:$0x2];
	[bflag:$0x3] =	sbarrier.arrive $0xFFFF;
	s2 =	simm.s32 @!p0 $0x1C02  }
0x63: {  	[timem:s3], [sflag:s2] =	dma.local @!p0 [hbm:s0], s1  }
0x64: {  	s0 =	simm.s32 @!p0 $0x2  }
0x65: {  	_ =	swait.ge @!p0 [sflag:s0], s1  }
0x66: {  	s1 =	ssub.s32 @!p0 $0x0, s1;
	[sflag:s0] =	ssyncset.done @!p0 $0x0  }
0x67: {  	[sflag:s0] =	ssyncadd.s32 @!p0 s1  }
0x68: {  	[bflag:$0x3] =	sbarrier.arrive $0xFFFF  }
0x69: {  	_ =	shalt  }

</sc_bundles>
